<compile_context>
chip_gen: v7x
topology: tpu7x:2x2x1
jax: 0.10.2.dev20260603
libtpu: 0.0.44.dev20260713+nightly
codegen_flags: <defaults>
</compile_context>

<pallas_src>
import jax
import jax.numpy as jnp
from jax import lax
from jax.experimental import pallas as pl
from jax.experimental.pallas import tpu as pltpu
from jax.experimental.pallas import tpu_sc as plsc

NE = 100000
NR = 500
DIM = 128
B = 4096
L = 50

NC = 2
NS = 16
LANES = 16
NW = NC * NS

NPAIR = B * L
PER_W = NPAIR // NW
CHUNK = 32
SUP = 1600
NSUP = PER_W // SUP
CPS = SUP // CHUNK
NBUF = 2


def _body(u_hbm, v_hbm, r_hbm, t_hbm, q_hbm, bs_hbm, bo_hbm,
          E_hbm, V_hbm, out_hbm,
          uix, vix, rix, tv, outv, accbuf, rows, qr, bias, sems):
    wid = lax.axis_index("s") * NC + lax.axis_index("c")
    base = wid * PER_W
    lanes = lax.iota(jnp.int32, LANES)

    def copies(g, b):
        csl = pl.ds(g * CHUNK, CHUNK)
        Eu, Vu, Ev, Vv = (rows[b].at[i] for i in range(4))
        return [
            pltpu.make_async_copy(E_hbm.at[uix.at[csl]], Eu, sems.at[b]),
            pltpu.make_async_copy(V_hbm.at[uix.at[csl]], Vu, sems.at[b]),
            pltpu.make_async_copy(E_hbm.at[vix.at[csl]], Ev, sems.at[b]),
            pltpu.make_async_copy(V_hbm.at[vix.at[csl]], Vv, sems.at[b]),
            pltpu.make_async_copy(q_hbm.at[rix.at[csl]], qr[b], sems.at[b]),
            pltpu.make_async_copy(bs_hbm.at[uix.at[csl]], bias[b].at[0], sems.at[b]),
            pltpu.make_async_copy(bo_hbm.at[vix.at[csl]], bias[b].at[1], sems.at[b]),
        ]

    def fire(g, b):
        for cp in copies(g, b):
            cp.start()

    def drain(g, b):
        for cp in copies(g, b):
            cp.wait()

    def compute(g, b):
        Eu, Vu, Ev, Vv = (rows[b].at[i] for i in range(4))

        def group_body(gi, carry2):
            gsl = pl.ds(gi * LANES, LANES)

            @plsc.parallel_loop(0, LANES, unroll=2)
            def pair_iter(k):
                i = gi * LANES + k
                aa = jnp.zeros((LANES,), jnp.float32)
                ab = jnp.zeros((LANES,), jnp.float32)
                bb = jnp.zeros((LANES,), jnp.float32)
                for j4 in range(DIM // 32):
                    pz = plsc.bitcast(qr[b][i, pl.ds(16 * j4, 16)],
                                      jnp.bfloat16)
                    qz = plsc.bitcast(qr[b][i, pl.ds(DIM // 2 + 16 * j4, 16)],
                                      jnp.bfloat16)
                    pgs = plsc.unpack(pz, format=plsc.PackFormat.INTERLEAVED)
                    pps = plsc.unpack(qz, format=plsc.PackFormat.INTERLEAVED)
                    for h in range(2):
                        cs = pl.ds(32 * j4 + 16 * h, 16)
                        pg = pgs[h]
                        a = Eu[i, cs] * pg - Ev[i, cs] - pps[h]
                        bq = Vu[i, cs] * pg - Vv[i, cs]
                        aa = aa + a * a
                        ab = ab + a * bq
                        bb = bb + bq * bq
                accbuf[k, pl.ds(0, LANES)] = aa
                accbuf[k + LANES, pl.ds(0, LANES)] = ab
                accbuf[k + 2 * LANES, pl.ds(0, LANES)] = bb

            ta = jnp.zeros((LANES,), jnp.float32)
            tc = jnp.zeros((LANES,), jnp.float32)
            tb = jnp.zeros((LANES,), jnp.float32)
            for c in range(LANES):
                cc = jnp.full((LANES,), c, jnp.int32)
                ta = ta + plsc.load_gather(accbuf, [lanes, cc])
                tc = tc + plsc.load_gather(accbuf, [lanes + LANES, cc])
                tb = tb + plsc.load_gather(accbuf, [lanes + 2 * LANES, cc])
            osl = pl.ds(g * CHUNK + gi * LANES, LANES)
            tg = tv[osl]
            totals = ta + (tc + tc) * tg + tb * tg * tg
            outv[osl] = bias[b][0, gsl] + bias[b][1, gsl] - totals
            return carry2

        lax.fori_loop(0, CHUNK // LANES, group_body, 0, unroll=False)

    def super_body(s, carry):
        ssl = pl.ds(base + s * SUP, SUP)
        pltpu.sync_copy(u_hbm.at[ssl], uix)
        pltpu.sync_copy(v_hbm.at[ssl], vix)
        pltpu.sync_copy(r_hbm.at[ssl], rix)
        pltpu.sync_copy(t_hbm.at[ssl], tv)

        for b in range(NBUF):
            fire(b, b)

        def duo_body(g, carry2):
            for b in range(NBUF):
                gg = g + b
                drain(gg, b)
                compute(gg, b)

                @pl.when(gg + NBUF < CPS)
                def _():
                    fire(gg + NBUF, b)
            return carry2

        lax.fori_loop(0, CPS // NBUF, lambda i, c: duo_body(i * NBUF, c), 0,
                      unroll=False)
        pltpu.sync_copy(outv, out_hbm.at[ssl])
        return carry

    lax.fori_loop(0, NSUP, super_body, 0, unroll=False)


@jax.jit
def _run(u, v, r, t, q, bs, bo, E, V):
    mesh = plsc.VectorSubcoreMesh(core_axis_name="c", subcore_axis_name="s")
    kfn = pl.kernel(
        _body,
        out_type=jax.ShapeDtypeStruct((NPAIR,), jnp.float32),
        mesh=mesh,
        compiler_params=pltpu.CompilerParams(needs_layout_passes=False),
        scratch_types=[
            pltpu.VMEM((SUP,), jnp.int32),
            pltpu.VMEM((SUP,), jnp.int32),
            pltpu.VMEM((SUP,), jnp.int32),
            pltpu.VMEM((SUP,), jnp.float32),
            pltpu.VMEM((SUP,), jnp.float32),
            pltpu.VMEM((3 * LANES, 17), jnp.float32),
            [pltpu.VMEM((4, CHUNK, DIM), jnp.float32) for _ in range(NBUF)],
            [pltpu.VMEM((CHUNK, DIM), jnp.int32) for _ in range(NBUF)],
            [pltpu.VMEM((2, CHUNK), jnp.float32) for _ in range(NBUF)],
            pltpu.SemaphoreType.DMA((NBUF,)),
        ],
    )
    return kfn(u, v, r, t, q, bs, bo, E, V)


def _shuffle(M):
    return M.reshape(NR, DIM // 32, 2, 16).transpose(0, 1, 3, 2).reshape(NR, DIM)


def kernel(u_idx, r_idx, v_idx, t, P, bs, bo, E_init, V_time, p_euc):
    u = jnp.asarray(u_idx, jnp.int32).reshape(NPAIR)
    v = jnp.asarray(v_idx, jnp.int32).reshape(NPAIR)
    r = jnp.asarray(r_idx, jnp.int32).reshape(NPAIR)
    tf = jnp.asarray(t, jnp.float32).reshape(NPAIR)
    q = jnp.concatenate([_shuffle(P), _shuffle(p_euc)], axis=1)
    q = q.astype(jnp.bfloat16)
    q = lax.bitcast_convert_type(q.reshape(NR, DIM, 2), jnp.int32)
    out = _run(u, v, r, tf, q, bs, bo, E_init, V_time)
    return out.reshape(B, L)

# --- scband reference (transcript-rebuilt; emitter-appended) ---
"""Pipeline reference for scband-dy-ernie-e-51453708206642 (READ-ONLY COPY).

The authoritative reference and input builder live on the scoring server;
editing this copy changes nothing except your own understanding.
"""

import jax, jax.numpy as jnp
import numpy as np

NE = 100000
NR = 500
DIM = 128
B = 4096
L = 50


def setup_inputs(seed: int = 0) -> dict:
    key = jax.random.key(seed)
    ks = jax.random.split(key, 8)
    r = 6.0 / np.sqrt(DIM)
    u_idx = jax.random.randint(ks[0], (B, L), 0, NE)
    r_idx = jax.random.randint(ks[1], (B, L), 0, NR)
    v_idx = jax.random.randint(ks[2], (B, L), 0, NE)
    t = jax.random.uniform(ks[3], (B, L), dtype=jnp.float32)
    P = jax.random.uniform(ks[4], (NR, DIM), minval=-r, maxval=r, dtype=jnp.float32)
    bs = jnp.zeros((NE,), dtype=jnp.float32)
    bo = jnp.zeros((NE,), dtype=jnp.float32)
    E_init = jax.random.uniform(ks[5], (NE, DIM), minval=-r, maxval=r, dtype=jnp.float32)
    V_time = jax.random.uniform(ks[6], (NE, DIM), minval=-r, maxval=r, dtype=jnp.float32)
    p_euc = 0.001 * jax.random.normal(ks[7], (NR, DIM), dtype=jnp.float32)
    return {
        "u_idx": u_idx,
        "r_idx": r_idx,
        "v_idx": v_idx,
        "t": t,
        "P": P,
        "bs": bs,
        "bo": bo,
        "E_init": E_init,
        "V_time": V_time,
        "p_euc": p_euc,
    }


def _emb_evolving(E_init, V_time, e_idx, times):
    init_embd_e = jnp.take(E_init, e_idx, axis=0)
    linear_velocities = jnp.take(V_time, e_idx, axis=0)
    emd_linear_temp = linear_velocities * times[:, :, None]
    return init_embd_e + emd_linear_temp


def reference(u_idx, r_idx, v_idx, t, P, bs, bo, E_init, V_time, p_euc):
    P_r = jnp.take(P, r_idx, axis=0)
    u_e = _emb_evolving(E_init, V_time, u_idx, t)
    v_e = _emb_evolving(E_init, V_time, v_idx, t)
    p = jnp.take(p_euc, r_idx, axis=0)
    u_m = u_e * P_r
    v_m = v_e + p
    sqdist = jnp.sum((u_m - v_m) ** 2, axis=-1)
    predictions = -sqdist + jnp.take(bs, u_idx, axis=0) + jnp.take(bo, v_idx, axis=0)
    return predictions

if __name__ == "__main__":
    import jax
    _d = setup_inputs()
    print(jax.jit(kernel)(*tuple(_d.values())))

</pallas_src>

<mosaic_0001>
#map = affine_map<(d0, d1) -> (0)>
#map1 = affine_map<(d0, d1) -> (0, 0)>
module attributes {stable_mosaic.version = 14 : i64} {
  func.func @_body(%arg0: i32, %arg1: i32, %arg2: memref<204800xi32, #tpu.memory_space<hbm>>, %arg3: memref<204800xi32, #tpu.memory_space<hbm>>, %arg4: memref<204800xi32, #tpu.memory_space<hbm>>, %arg5: memref<204800xf32, #tpu.memory_space<hbm>>, %arg6: memref<500x128xi32, #tpu.memory_space<hbm>>, %arg7: memref<100000xf32, #tpu.memory_space<hbm>>, %arg8: memref<100000xf32, #tpu.memory_space<hbm>>, %arg9: memref<100000x128xf32, #tpu.memory_space<hbm>>, %arg10: memref<100000x128xf32, #tpu.memory_space<hbm>>, %arg11: memref<204800xf32, #tpu.memory_space<hbm>>, %arg12: memref<1600xi32, #tpu.memory_space<vmem>>, %arg13: memref<1600xi32, #tpu.memory_space<vmem>>, %arg14: memref<1600xi32, #tpu.memory_space<vmem>>, %arg15: memref<1600xf32, #tpu.memory_space<vmem>>, %arg16: memref<1600xf32, #tpu.memory_space<vmem>>, %arg17: memref<48x17xf32, #tpu.memory_space<vmem>>, %arg18: memref<4x32x128xf32, #tpu.memory_space<vmem>>, %arg19: memref<4x32x128xf32, #tpu.memory_space<vmem>>, %arg20: memref<32x128xi32, #tpu.memory_space<vmem>>, %arg21: memref<32x128xi32, #tpu.memory_space<vmem>>, %arg22: memref<2x32xf32, #tpu.memory_space<vmem>>, %arg23: memref<2x32xf32, #tpu.memory_space<vmem>>, %arg24: memref<2x!tpu.dma_semaphore, #tpu.memory_space<semaphore_mem>>) attributes {dimension_semantics = [#tpu.dimension_semantics<core_parallel>, #tpu.dimension_semantics<subcore_parallel>], iteration_bounds = array<i64: 2, 16>, scalar_prefetch = 0 : i64, scratch_operands = 13 : i64, tpu.core_type = #tpu.core_type<sc_vector_subcore>, window_params = [{transform_indices = #map}, {transform_indices = #map}, {transform_indices = #map}, {transform_indices = #map}, {transform_indices = #map1}, {transform_indices = #map}, {transform_indices = #map}, {transform_indices = #map1}, {transform_indices = #map1}, {transform_indices = #map}]} {
    %mul3A = arith.constant 2 : i32
    %mul3A_0 = arith.muli %arg1, %mul3A : i32
    %add3A = arith.addi %mul3A_0, %arg0 : i32
    %mul3A_1 = arith.constant 6400 : i32
    %mul3A_2 = arith.muli %add3A, %mul3A_1 : i32
    %iota3A = tpu.iota {dimensions = array<i32: 0>} : vector<16xi32>
    %scan3A = arith.constant 0 : i32
    %scan3A_3 = arith.constant 0 : i32
    %scan3A_4 = arith.constant 4 : i32
    %scan3A_5 = arith.addi %scan3A_3, %scan3A_4 : i32
    %scan3A_6 = arith.constant 1 : i32
    scf.for %scan3A_8 = %scan3A_3 to %scan3A_5 step %scan3A_6  : i32 {
      %mul3A_9 = arith.constant 1600 : i32
      %mul3A_10 = arith.muli %scan3A_8, %mul3A_9 : i32
      %add3A_11 = arith.addi %mul3A_2, %mul3A_10 : i32
      "tpu.region"() ({
        %run_scoped3A = tpu.sem_alloc : memref<!tpu.dma_semaphore, #tpu.memory_space<semaphore_mem>>
        %dma_start3A_181 = tpu.memref_slice %arg2[%add3A_11] : memref<204800xi32, #tpu.memory_space<hbm>> -> memref<1600xi32, #tpu.memory_space<hbm>>
        %dma_start3A_182 = tpu.memref_slice %arg2[%add3A_11] : memref<204800xi32, #tpu.memory_space<hbm>> -> memref<1600xi32, #tpu.memory_space<hbm>>
        tpu.enqueue_dma source(%dma_start3A_182 : memref<1600xi32, #tpu.memory_space<hbm>>) target(%arg12 : memref<1600xi32, #tpu.memory_space<vmem>>) target_semaphore(%run_scoped3A : memref<!tpu.dma_semaphore, #tpu.memory_space<semaphore_mem>>)
        %dma_wait3A = tpu.memref_slice %arg2[%add3A_11] : memref<204800xi32, #tpu.memory_space<hbm>> -> memref<1600xi32, #tpu.memory_space<hbm>>
        %dma_wait3A_183 = tpu.memref_slice %arg2[%add3A_11] : memref<204800xi32, #tpu.memory_space<hbm>> -> memref<1600xi32, #tpu.memory_space<hbm>>
        tpu.wait_dma2 semaphore(%run_scoped3A : memref<!tpu.dma_semaphore, #tpu.memory_space<semaphore_mem>>) src(%dma_wait3A_183 : memref<1600xi32, #tpu.memory_space<hbm>>) dst(%arg12 : memref<1600xi32, #tpu.memory_space<vmem>>)
        tpu.yield
      }) : () -> ()
      "tpu.region"() ({
        %run_scoped3A = tpu.sem_alloc : memref<!tpu.dma_semaphore, #tpu.memory_space<semaphore_mem>>
        %dma_start3A_181 = tpu.memref_slice %arg3[%add3A_11] : memref<204800xi32, #tpu.memory_space<hbm>> -> memref<1600xi32, #tpu.memory_space<hbm>>
        %dma_start3A_182 = tpu.memref_slice %arg3[%add3A_11] : memref<204800xi32, #tpu.memory_space<hbm>> -> memref<1600xi32, #tpu.memory_space<hbm>>
        tpu.enqueue_dma source(%dma_start3A_182 : memref<1600xi32, #tpu.memory_space<hbm>>) target(%arg13 : memref<1600xi32, #tpu.memory_space<vmem>>) target_semaphore(%run_scoped3A : memref<!tpu.dma_semaphore, #tpu.memory_space<semaphore_mem>>)
        %dma_wait3A = tpu.memref_slice %arg3[%add3A_11] : memref<204800xi32, #tpu.memory_space<hbm>> -> memref<1600xi32, #tpu.memory_space<hbm>>
        %dma_wait3A_183 = tpu.memref_slice %arg3[%add3A_11] : memref<204800xi32, #tpu.memory_space<hbm>> -> memref<1600xi32, #tpu.memory_space<hbm>>
        tpu.wait_dma2 semaphore(%run_scoped3A : memref<!tpu.dma_semaphore, #tpu.memory_space<semaphore_mem>>) src(%dma_wait3A_183 : memref<1600xi32, #tpu.memory_space<hbm>>) dst(%arg13 : memref<1600xi32, #tpu.memory_space<vmem>>)
        tpu.yield
      }) : () -> ()
      "tpu.region"() ({
        %run_scoped3A = tpu.sem_alloc : memref<!tpu.dma_semaphore, #tpu.memory_space<semaphore_mem>>
        %dma_start3A_181 = tpu.memref_slice %arg4[%add3A_11] : memref<204800xi32, #tpu.memory_space<hbm>> -> memref<1600xi32, #tpu.memory_space<hbm>>
        %dma_start3A_182 = tpu.memref_slice %arg4[%add3A_11] : memref<204800xi32, #tpu.memory_space<hbm>> -> memref<1600xi32, #tpu.memory_space<hbm>>
        tpu.enqueue_dma source(%dma_start3A_182 : memref<1600xi32, #tpu.memory_space<hbm>>) target(%arg14 : memref<1600xi32, #tpu.memory_space<vmem>>) target_semaphore(%run_scoped3A : memref<!tpu.dma_semaphore, #tpu.memory_space<semaphore_mem>>)
        %dma_wait3A = tpu.memref_slice %arg4[%add3A_11] : memref<204800xi32, #tpu.memory_space<hbm>> -> memref<1600xi32, #tpu.memory_space<hbm>>
        %dma_wait3A_183 = tpu.memref_slice %arg4[%add3A_11] : memref<204800xi32, #tpu.memory_space<hbm>> -> memref<1600xi32, #tpu.memory_space<hbm>>
        tpu.wait_dma2 semaphore(%run_scoped3A : memref<!tpu.dma_semaphore, #tpu.memory_space<semaphore_mem>>) src(%dma_wait3A_183 : memref<1600xi32, #tpu.memory_space<hbm>>) dst(%arg14 : memref<1600xi32, #tpu.memory_space<vmem>>)
        tpu.yield
      }) : () -> ()
      "tpu.region"() ({
        %run_scoped3A = tpu.sem_alloc : memref<!tpu.dma_semaphore, #tpu.memory_space<semaphore_mem>>
        %dma_start3A_181 = tpu.memref_slice %arg5[%add3A_11] : memref<204800xf32, #tpu.memory_space<hbm>> -> memref<1600xf32, #tpu.memory_space<hbm>>
        %dma_start3A_182 = tpu.memref_slice %arg5[%add3A_11] : memref<204800xf32, #tpu.memory_space<hbm>> -> memref<1600xf32, #tpu.memory_space<hbm>>
        tpu.enqueue_dma source(%dma_start3A_182 : memref<1600xf32, #tpu.memory_space<hbm>>) target(%arg15 : memref<1600xf32, #tpu.memory_space<vmem>>) target_semaphore(%run_scoped3A : memref<!tpu.dma_semaphore, #tpu.memory_space<semaphore_mem>>)
        %dma_wait3A = tpu.memref_slice %arg5[%add3A_11] : memref<204800xf32, #tpu.memory_space<hbm>> -> memref<1600xf32, #tpu.memory_space<hbm>>
        %dma_wait3A_183 = tpu.memref_slice %arg5[%add3A_11] : memref<204800xf32, #tpu.memory_space<hbm>> -> memref<1600xf32, #tpu.memory_space<hbm>>
        tpu.wait_dma2 semaphore(%run_scoped3A : memref<!tpu.dma_semaphore, #tpu.memory_space<semaphore_mem>>) src(%dma_wait3A_183 : memref<1600xf32, #tpu.memory_space<hbm>>) dst(%arg15 : memref<1600xf32, #tpu.memory_space<vmem>>)
        tpu.yield
      }) : () -> ()
      %dma_start3A = arith.constant 0 : i32
      %dma_start3A_12 = arith.constant 0 : i32
      %dma_start3A_13 = arith.constant 0 : i32
      %dma_start3A_14 = arith.constant 0 : i32
      %dma_start3A_15 = tpu.memref_slice %arg18[%dma_start3A, %dma_start3A_13, %dma_start3A_14] : memref<4x32x128xf32, #tpu.memory_space<vmem>> -> memref<1x32x128xf32, #tpu.memory_space<vmem>>
      %dma_start3A_16 = tpu.memref_squeeze %dma_start3A_15 : memref<1x32x128xf32, #tpu.memory_space<vmem>> -> memref<32x128xf32, #tpu.memory_space<vmem>>
      %dma_start3A_17 = arith.constant 0 : i32
      %dma_start3A_18 = tpu.memref_slice %arg12[%dma_start3A_17] : memref<1600xi32, #tpu.memory_space<vmem>> -> memref<32xi32, #tpu.memory_space<vmem>>
      %dma_start3A_19 = arith.constant 0 : i32
      %dma_start3A_20 = arith.constant 0 : i32
      %dma_start3A_21 = tpu.memref_slice %arg9[%dma_start3A_19, %dma_start3A_20] : memref<100000x128xf32, #tpu.memory_space<hbm>> -> memref<100000x128xf32, #tpu.memory_space<hbm>>
      %dma_start3A_22 = tpu.memref_slice %arg24[%dma_start3A_12] : memref<2x!tpu.dma_semaphore, #tpu.memory_space<semaphore_mem>> -> memref<1x!tpu.dma_semaphore, #tpu.memory_space<semaphore_mem>>
      %dma_start3A_23 = tpu.memref_squeeze %dma_start3A_22 : memref<1x!tpu.dma_semaphore, #tpu.memory_space<semaphore_mem>> -> memref<!tpu.dma_semaphore, #tpu.memory_space<semaphore_mem>>
      tpu.enqueue_indirect_dma source(%dma_start3A_21 : memref<100000x128xf32, #tpu.memory_space<hbm>>) target(%dma_start3A_16 : memref<32x128xf32, #tpu.memory_space<vmem>>) offsets(%dma_start3A_18 : memref<32xi32, #tpu.memory_space<vmem>>) semaphore(%dma_start3A_23 : memref<!tpu.dma_semaphore, #tpu.memory_space<semaphore_mem>>)
      %dma_start3A_24 = arith.constant 1 : i32
      %dma_start3A_25 = arith.constant 0 : i32
      %dma_start3A_26 = arith.constant 0 : i32
      %dma_start3A_27 = arith.constant 0 : i32
      %dma_start3A_28 = tpu.memref_slice %arg18[%dma_start3A_24, %dma_start3A_26, %dma_start3A_27] : memref<4x32x128xf32, #tpu.memory_space<vmem>> -> memref<1x32x128xf32, #tpu.memory_space<vmem>>
      %dma_start3A_29 = tpu.memref_squeeze %dma_start3A_28 : memref<1x32x128xf32, #tpu.memory_space<vmem>> -> memref<32x128xf32, #tpu.memory_space<vmem>>
      %dma_start3A_30 = arith.constant 0 : i32
      %dma_start3A_31 = tpu.memref_slice %arg12[%dma_start3A_30] : memref<1600xi32, #tpu.memory_space<vmem>> -> memref<32xi32, #tpu.memory_space<vmem>>
      %dma_start3A_32 = arith.constant 0 : i32
      %dma_start3A_33 = arith.constant 0 : i32
      %dma_start3A_34 = tpu.memref_slice %arg10[%dma_start3A_32, %dma_start3A_33] : memref<100000x128xf32, #tpu.memory_space<hbm>> -> memref<100000x128xf32, #tpu.memory_space<hbm>>
      %dma_start3A_35 = tpu.memref_slice %arg24[%dma_start3A_25] : memref<2x!tpu.dma_semaphore, #tpu.memory_space<semaphore_mem>> -> memref<1x!tpu.dma_semaphore, #tpu.memory_space<semaphore_mem>>
      %dma_start3A_36 = tpu.memref_squeeze %dma_start3A_35 : memref<1x!tpu.dma_semaphore, #tpu.memory_space<semaphore_mem>> -> memref<!tpu.dma_semaphore, #tpu.memory_space<semaphore_mem>>
      tpu.enqueue_indirect_dma source(%dma_start3A_34 : memref<100000x128xf32, #tpu.memory_space<hbm>>) target(%dma_start3A_29 : memref<32x128xf32, #tpu.memory_space<vmem>>) offsets(%dma_start3A_31 : memref<32xi32, #tpu.memory_space<vmem>>) semaphore(%dma_start3A_36 : memref<!tpu.dma_semaphore, #tpu.memory_space<semaphore_mem>>)
      %dma_start3A_37 = arith.constant 2 : i32
      %dma_start3A_38 = arith.constant 0 : i32
      %dma_start3A_39 = arith.constant 0 : i32
      %dma_start3A_40 = arith.constant 0 : i32
      %dma_start3A_41 = tpu.memref_slice %arg18[%dma_start3A_37, %dma_start3A_39, %dma_start3A_40] : memref<4x32x128xf32, #tpu.memory_space<vmem>> -> memref<1x32x128xf32, #tpu.memory_space<vmem>>
      %dma_start3A_42 = tpu.memref_squeeze %dma_start3A_41 : memref<1x32x128xf32, #tpu.memory_space<vmem>> -> memref<32x128xf32, #tpu.memory_space<vmem>>
      %dma_start3A_43 = arith.constant 0 : i32
      %dma_start3A_44 = tpu.memref_slice %arg13[%dma_start3A_43] : memref<1600xi32, #tpu.memory_space<vmem>> -> memref<32xi32, #tpu.memory_space<vmem>>
      %dma_start3A_45 = arith.constant 0 : i32
      %dma_start3A_46 = arith.constant 0 : i32
      %dma_start3A_47 = tpu.memref_slice %arg9[%dma_start3A_45, %dma_start3A_46] : memref<100000x128xf32, #tpu.memory_space<hbm>> -> memref<100000x128xf32, #tpu.memory_space<hbm>>
      %dma_start3A_48 = tpu.memref_slice %arg24[%dma_start3A_38] : memref<2x!tpu.dma_semaphore, #tpu.memory_space<semaphore_mem>> -> memref<1x!tpu.dma_semaphore, #tpu.memory_space<semaphore_mem>>
      %dma_start3A_49 = tpu.memref_squeeze %dma_start3A_48 : memref<1x!tpu.dma_semaphore, #tpu.memory_space<semaphore_mem>> -> memref<!tpu.dma_semaphore, #tpu.memory_space<semaphore_mem>>
      tpu.enqueue_indirect_dma source(%dma_start3A_47 : memref<100000x128xf32, #tpu.memory_space<hbm>>) target(%dma_start3A_42 : memref<32x128xf32, #tpu.memory_space<vmem>>) offsets(%dma_start3A_44 : memref<32xi32, #tpu.memory_space<vmem>>) semaphore(%dma_start3A_49 : memref<!tpu.dma_semaphore, #tpu.memory_space<semaphore_mem>>)
      %dma_start3A_50 = arith.constant 3 : i32
      %dma_start3A_51 = arith.constant 0 : i32
      %dma_start3A_52 = arith.constant 0 : i32
      %dma_start3A_53 = arith.constant 0 : i32
      %dma_start3A_54 = tpu.memref_slice %arg18[%dma_start3A_50, %dma_start3A_52, %dma_start3A_53] : memref<4x32x128xf32, #tpu.memory_space<vmem>> -> memref<1x32x128xf32, #tpu.memory_space<vmem>>
      %dma_start3A_55 = tpu.memref_squeeze %dma_start3A_54 : memref<1x32x128xf32, #tpu.memory_space<vmem>> -> memref<32x128xf32, #tpu.memory_space<vmem>>
      %dma_start3A_56 = arith.constant 0 : i32
      %dma_start3A_57 = tpu.memref_slice %arg13[%dma_start3A_56] : memref<1600xi32, #tpu.memory_space<vmem>> -> memref<32xi32, #tpu.memory_space<vmem>>
      %dma_start3A_58 = arith.constant 0 : i32
      %dma_start3A_59 = arith.constant 0 : i32
      %dma_start3A_60 = tpu.memref_slice %arg10[%dma_start3A_58, %dma_start3A_59] : memref<100000x128xf32, #tpu.memory_space<hbm>> -> memref<100000x128xf32, #tpu.memory_space<hbm>>
      %dma_start3A_61 = tpu.memref_slice %arg24[%dma_start3A_51] : memref<2x!tpu.dma_semaphore, #tpu.memory_space<semaphore_mem>> -> memref<1x!tpu.dma_semaphore, #tpu.memory_space<semaphore_mem>>
      %dma_start3A_62 = tpu.memref_squeeze %dma_start3A_61 : memref<1x!tpu.dma_semaphore, #tpu.memory_space<semaphore_mem>> -> memref<!tpu.dma_semaphore, #tpu.memory_space<semaphore_mem>>
      tpu.enqueue_indirect_dma source(%dma_start3A_60 : memref<100000x128xf32, #tpu.memory_space<hbm>>) target(%dma_start3A_55 : memref<32x128xf32, #tpu.memory_space<vmem>>) offsets(%dma_start3A_57 : memref<32xi32, #tpu.memory_space<vmem>>) semaphore(%dma_start3A_62 : memref<!tpu.dma_semaphore, #tpu.memory_space<semaphore_mem>>)
      %dma_start3A_63 = arith.constant 0 : i32
      %dma_start3A_64 = arith.constant 0 : i32
      %dma_start3A_65 = tpu.memref_slice %arg14[%dma_start3A_64] : memref<1600xi32, #tpu.memory_space<vmem>> -> memref<32xi32, #tpu.memory_space<vmem>>
      %dma_start3A_66 = arith.constant 0 : i32
      %dma_start3A_67 = arith.constant 0 : i32
      %dma_start3A_68 = tpu.memref_slice %arg6[%dma_start3A_66, %dma_start3A_67] : memref<500x128xi32, #tpu.memory_space<hbm>> -> memref<500x128xi32, #tpu.memory_space<hbm>>
      %dma_start3A_69 = tpu.memref_slice %arg24[%dma_start3A_63] : memref<2x!tpu.dma_semaphore, #tpu.memory_space<semaphore_mem>> -> memref<1x!tpu.dma_semaphore, #tpu.memory_space<semaphore_mem>>
      %dma_start3A_70 = tpu.memref_squeeze %dma_start3A_69 : memref<1x!tpu.dma_semaphore, #tpu.memory_space<semaphore_mem>> -> memref<!tpu.dma_semaphore, #tpu.memory_space<semaphore_mem>>
      tpu.enqueue_indirect_dma source(%dma_start3A_68 : memref<500x128xi32, #tpu.memory_space<hbm>>) target(%arg20 : memref<32x128xi32, #tpu.memory_space<vmem>>) offsets(%dma_start3A_65 : memref<32xi32, #tpu.memory_space<vmem>>) semaphore(%dma_start3A_70 : memref<!tpu.dma_semaphore, #tpu.memory_space<semaphore_mem>>)
      %dma_start3A_71 = arith.constant 0 : i32
      %dma_start3A_72 = arith.constant 0 : i32
      %dma_start3A_73 = arith.constant 0 : i32
      %dma_start3A_74 = tpu.memref_slice %arg22[%dma_start3A_71, %dma_start3A_73] : memref<2x32xf32, #tpu.memory_space<vmem>> -> memref<1x32xf32, #tpu.memory_space<vmem>>
      %dma_start3A_75 = tpu.memref_squeeze %dma_start3A_74 : memref<1x32xf32, #tpu.memory_space<vmem>> -> memref<32xf32, #tpu.memory_space<vmem>>
      %dma_start3A_76 = arith.constant 0 : i32
      %dma_start3A_77 = tpu.memref_slice %arg12[%dma_start3A_76] : memref<1600xi32, #tpu.memory_space<vmem>> -> memref<32xi32, #tpu.memory_space<vmem>>
      %dma_start3A_78 = arith.constant 0 : i32
      %dma_start3A_79 = tpu.memref_slice %arg7[%dma_start3A_78] : memref<100000xf32, #tpu.memory_space<hbm>> -> memref<100000xf32, #tpu.memory_space<hbm>>
      %dma_start3A_80 = tpu.memref_slice %arg24[%dma_start3A_72] : memref<2x!tpu.dma_semaphore, #tpu.memory_space<semaphore_mem>> -> memref<1x!tpu.dma_semaphore, #tpu.memory_space<semaphore_mem>>
      %dma_start3A_81 = tpu.memref_squeeze %dma_start3A_80 : memref<1x!tpu.dma_semaphore, #tpu.memory_space<semaphore_mem>> -> memref<!tpu.dma_semaphore, #tpu.memory_space<semaphore_mem>>
      tpu.enqueue_indirect_dma source(%dma_start3A_79 : memref<100000xf32, #tpu.memory_space<hbm>>) target(%dma_start3A_75 : memref<32xf32, #tpu.memory_space<vmem>>) offsets(%dma_start3A_77 : memref<32xi32, #tpu.memory_space<vmem>>) semaphore(%dma_start3A_81 : memref<!tpu.dma_semaphore, #tpu.memory_space<semaphore_mem>>)
      %dma_start3A_82 = arith.constant 1 : i32
      %dma_start3A_83 = arith.constant 0 : i32
      %dma_start3A_84 = arith.constant 0 : i32
      %dma_start3A_85 = tpu.memref_slice %arg22[%dma_start3A_82, %dma_start3A_84] : memref<2x32xf32, #tpu.memory_space<vmem>> -> memref<1x32xf32, #tpu.memory_space<vmem>>
      %dma_start3A_86 = tpu.memref_squeeze %dma_start3A_85 : memref<1x32xf32, #tpu.memory_space<vmem>> -> memref<32xf32, #tpu.memory_space<vmem>>
      %dma_start3A_87 = arith.constant 0 : i32
      %dma_start3A_88 = tpu.memref_slice %arg13[%dma_start3A_87] : memref<1600xi32, #tpu.memory_space<vmem>> -> memref<32xi32, #tpu.memory_space<vmem>>
      %dma_start3A_89 = arith.constant 0 : i32
      %dma_start3A_90 = tpu.memref_slice %arg8[%dma_start3A_89] : memref<100000xf32, #tpu.memory_space<hbm>> -> memref<100000xf32, #tpu.memory_space<hbm>>
      %dma_start3A_91 = tpu.memref_slice %arg24[%dma_start3A_83] : memref<2x!tpu.dma_semaphore, #tpu.memory_space<semaphore_mem>> -> memref<1x!tpu.dma_semaphore, #tpu.memory_space<semaphore_mem>>
      %dma_start3A_92 = tpu.memref_squeeze %dma_start3A_91 : memref<1x!tpu.dma_semaphore, #tpu.memory_space<semaphore_mem>> -> memref<!tpu.dma_semaphore, #tpu.memory_space<semaphore_mem>>
      tpu.enqueue_indirect_dma source(%dma_start3A_90 : memref<100000xf32, #tpu.memory_space<hbm>>) target(%dma_start3A_86 : memref<32xf32, #tpu.memory_space<vmem>>) offsets(%dma_start3A_88 : memref<32xi32, #tpu.memory_space<vmem>>) semaphore(%dma_start3A_92 : memref<!tpu.dma_semaphore, #tpu.memory_space<semaphore_mem>>)
      %dma_start3A_93 = arith.constant 0 : i32
      %dma_start3A_94 = arith.constant 1 : i32
      %dma_start3A_95 = arith.constant 0 : i32
      %dma_start3A_96 = arith.constant 0 : i32
      %dma_start3A_97 = tpu.memref_slice %arg19[%dma_start3A_93, %dma_start3A_95, %dma_start3A_96] : memref<4x32x128xf32, #tpu.memory_space<vmem>> -> memref<1x32x128xf32, #tpu.memory_space<vmem>>
      %dma_start3A_98 = tpu.memref_squeeze %dma_start3A_97 : memref<1x32x128xf32, #tpu.memory_space<vmem>> -> memref<32x128xf32, #tpu.memory_space<vmem>>
      %dma_start3A_99 = arith.constant 32 : i32
      %dma_start3A_100 = tpu.memref_slice %arg12[%dma_start3A_99] : memref<1600xi32, #tpu.memory_space<vmem>> -> memref<32xi32, #tpu.memory_space<vmem>>
      %dma_start3A_101 = arith.constant 0 : i32
      %dma_start3A_102 = arith.constant 0 : i32
      %dma_start3A_103 = tpu.memref_slice %arg9[%dma_start3A_101, %dma_start3A_102] : memref<100000x128xf32, #tpu.memory_space<hbm>> -> memref<100000x128xf32, #tpu.memory_space<hbm>>
      %dma_start3A_104 = tpu.memref_slice %arg24[%dma_start3A_94] : memref<2x!tpu.dma_semaphore, #tpu.memory_space<semaphore_mem>> -> memref<1x!tpu.dma_semaphore, #tpu.memory_space<semaphore_mem>>
      %dma_start3A_105 = tpu.memref_squeeze %dma_start3A_104 : memref<1x!tpu.dma_semaphore, #tpu.memory_space<semaphore_mem>> -> memref<!tpu.dma_semaphore, #tpu.memory_space<semaphore_mem>>
      tpu.enqueue_indirect_dma source(%dma_start3A_103 : memref<100000x128xf32, #tpu.memory_space<hbm>>) target(%dma_start3A_98 : memref<32x128xf32, #tpu.memory_space<vmem>>) offsets(%dma_start3A_100 : memref<32xi32, #tpu.memory_space<vmem>>) semaphore(%dma_start3A_105 : memref<!tpu.dma_semaphore, #tpu.memory_space<semaphore_mem>>)
      %dma_start3A_106 = arith.constant 1 : i32
      %dma_start3A_107 = arith.constant 1 : i32
      %dma_start3A_108 = arith.constant 0 : i32
      %dma_start3A_109 = arith.constant 0 : i32
      %dma_start3A_110 = tpu.memref_slice %arg19[%dma_start3A_106, %dma_start3A_108, %dma_start3A_109] : memref<4x32x128xf32, #tpu.memory_space<vmem>> -> memref<1x32x128xf32, #tpu.memory_space<vmem>>
      %dma_start3A_111 = tpu.memref_squeeze %dma_start3A_110 : memref<1x32x128xf32, #tpu.memory_space<vmem>> -> memref<32x128xf32, #tpu.memory_space<vmem>>
      %dma_start3A_112 = arith.constant 32 : i32
      %dma_start3A_113 = tpu.memref_slice %arg12[%dma_start3A_112] : memref<1600xi32, #tpu.memory_space<vmem>> -> memref<32xi32, #tpu.memory_space<vmem>>
      %dma_start3A_114 = arith.constant 0 : i32
      %dma_start3A_115 = arith.constant 0 : i32
      %dma_start3A_116 = tpu.memref_slice %arg10[%dma_start3A_114, %dma_start3A_115] : memref<100000x128xf32, #tpu.memory_space<hbm>> -> memref<100000x128xf32, #tpu.memory_space<hbm>>
      %dma_start3A_117 = tpu.memref_slice %arg24[%dma_start3A_107] : memref<2x!tpu.dma_semaphore, #tpu.memory_space<semaphore_mem>> -> memref<1x!tpu.dma_semaphore, #tpu.memory_space<semaphore_mem>>
      %dma_start3A_118 = tpu.memref_squeeze %dma_start3A_117 : memref<1x!tpu.dma_semaphore, #tpu.memory_space<semaphore_mem>> -> memref<!tpu.dma_semaphore, #tpu.memory_space<semaphore_mem>>
      tpu.enqueue_indirect_dma source(%dma_start3A_116 : memref<100000x128xf32, #tpu.memory_space<hbm>>) target(%dma_start3A_111 : memref<32x128xf32, #tpu.memory_space<vmem>>) offsets(%dma_start3A_113 : memref<32xi32, #tpu.memory_space<vmem>>) semaphore(%dma_start3A_118 : memref<!tpu.dma_semaphore, #tpu.memory_space<semaphore_mem>>)
      %dma_start3A_119 = arith.constant 2 : i32
      %dma_start3A_120 = arith.constant 1 : i32
      %dma_start3A_121 = arith.constant 0 : i32
      %dma_start3A_122 = arith.constant 0 : i32
      %dma_start3A_123 = tpu.memref_slice %arg19[%dma_start3A_119, %dma_start3A_121, %dma_start3A_122] : memref<4x32x128xf32, #tpu.memory_space<vmem>> -> memref<1x32x128xf32, #tpu.memory_space<vmem>>
      %dma_start3A_124 = tpu.memref_squeeze %dma_start3A_123 : memref<1x32x128xf32, #tpu.memory_space<vmem>> -> memref<32x128xf32, #tpu.memory_space<vmem>>
      %dma_start3A_125 = arith.constant 32 : i32
      %dma_start3A_126 = tpu.memref_slice %arg13[%dma_start3A_125] : memref<1600xi32, #tpu.memory_space<vmem>> -> memref<32xi32, #tpu.memory_space<vmem>>
      %dma_start3A_127 = arith.constant 0 : i32
      %dma_start3A_128 = arith.constant 0 : i32
      %dma_start3A_129 = tpu.memref_slice %arg9[%dma_start3A_127, %dma_start3A_128] : memref<100000x128xf32, #tpu.memory_space<hbm>> -> memref<100000x128xf32, #tpu.memory_space<hbm>>
      %dma_start3A_130 = tpu.memref_slice %arg24[%dma_start3A_120] : memref<2x!tpu.dma_semaphore, #tpu.memory_space<semaphore_mem>> -> memref<1x!tpu.dma_semaphore, #tpu.memory_space<semaphore_mem>>
      %dma_start3A_131 = tpu.memref_squeeze %dma_start3A_130 : memref<1x!tpu.dma_semaphore, #tpu.memory_space<semaphore_mem>> -> memref<!tpu.dma_semaphore, #tpu.memory_space<semaphore_mem>>
      tpu.enqueue_indirect_dma source(%dma_start3A_129 : memref<100000x128xf32, #tpu.memory_space<hbm>>) target(%dma_start3A_124 : memref<32x128xf32, #tpu.memory_space<vmem>>) offsets(%dma_start3A_126 : memref<32xi32, #tpu.memory_space<vmem>>) semaphore(%dma_start3A_131 : memref<!tpu.dma_semaphore, #tpu.memory_space<semaphore_mem>>)
      %dma_start3A_132 = arith.constant 3 : i32
      %dma_start3A_133 = arith.constant 1 : i32
      %dma_start3A_134 = arith.constant 0 : i32
      %dma_start3A_135 = arith.constant 0 : i32
      %dma_start3A_136 = tpu.memref_slice %arg19[%dma_start3A_132, %dma_start3A_134, %dma_start3A_135] : memref<4x32x128xf32, #tpu.memory_space<vmem>> -> memref<1x32x128xf32, #tpu.memory_space<vmem>>
      %dma_start3A_137 = tpu.memref_squeeze %dma_start3A_136 : memref<1x32x128xf32, #tpu.memory_space<vmem>> -> memref<32x128xf32, #tpu.memory_space<vmem>>
      %dma_start3A_138 = arith.constant 32 : i32
      %dma_start3A_139 = tpu.memref_slice %arg13[%dma_start3A_138] : memref<1600xi32, #tpu.memory_space<vmem>> -> memref<32xi32, #tpu.memory_space<vmem>>
      %dma_start3A_140 = arith.constant 0 : i32
      %dma_start3A_141 = arith.constant 0 : i32
      %dma_start3A_142 = tpu.memref_slice %arg10[%dma_start3A_140, %dma_start3A_141] : memref<100000x128xf32, #tpu.memory_space<hbm>> -> memref<100000x128xf32, #tpu.memory_space<hbm>>
      %dma_start3A_143 = tpu.memref_slice %arg24[%dma_start3A_133] : memref<2x!tpu.dma_semaphore, #tpu.memory_space<semaphore_mem>> -> memref<1x!tpu.dma_semaphore, #tpu.memory_space<semaphore_mem>>
      %dma_start3A_144 = tpu.memref_squeeze %dma_start3A_143 : memref<1x!tpu.dma_semaphore, #tpu.memory_space<semaphore_mem>> -> memref<!tpu.dma_semaphore, #tpu.memory_space<semaphore_mem>>
      tpu.enqueue_indirect_dma source(%dma_start3A_142 : memref<100000x128xf32, #tpu.memory_space<hbm>>) target(%dma_start3A_137 : memref<32x128xf32, #tpu.memory_space<vmem>>) offsets(%dma_start3A_139 : memref<32xi32, #tpu.memory_space<vmem>>) semaphore(%dma_start3A_144 : memref<!tpu.dma_semaphore, #tpu.memory_space<semaphore_mem>>)
      %dma_start3A_145 = arith.constant 1 : i32
      %dma_start3A_146 = arith.constant 32 : i32
      %dma_start3A_147 = tpu.memref_slice %arg14[%dma_start3A_146] : memref<1600xi32, #tpu.memory_space<vmem>> -> memref<32xi32, #tpu.memory_space<vmem>>
      %dma_start3A_148 = arith.constant 0 : i32
      %dma_start3A_149 = arith.constant 0 : i32
      %dma_start3A_150 = tpu.memref_slice %arg6[%dma_start3A_148, %dma_start3A_149] : memref<500x128xi32, #tpu.memory_space<hbm>> -> memref<500x128xi32, #tpu.memory_space<hbm>>
      %dma_start3A_151 = tpu.memref_slice %arg24[%dma_start3A_145] : memref<2x!tpu.dma_semaphore, #tpu.memory_space<semaphore_mem>> -> memref<1x!tpu.dma_semaphore, #tpu.memory_space<semaphore_mem>>
      %dma_start3A_152 = tpu.memref_squeeze %dma_start3A_151 : memref<1x!tpu.dma_semaphore, #tpu.memory_space<semaphore_mem>> -> memref<!tpu.dma_semaphore, #tpu.memory_space<semaphore_mem>>
      tpu.enqueue_indirect_dma source(%dma_start3A_150 : memref<500x128xi32, #tpu.memory_space<hbm>>) target(%arg21 : memref<32x128xi32, #tpu.memory_space<vmem>>) offsets(%dma_start3A_147 : memref<32xi32, #tpu.memory_space<vmem>>) semaphore(%dma_start3A_152 : memref<!tpu.dma_semaphore, #tpu.memory_space<semaphore_mem>>)
      %dma_start3A_153 = arith.constant 0 : i32
      %dma_start3A_154 = arith.constant 1 : i32
      %dma_start3A_155 = arith.constant 0 : i32
      %dma_start3A_156 = tpu.memref_slice %arg23[%dma_start3A_153, %dma_start3A_155] : memref<2x32xf32, #tpu.memory_space<vmem>> -> memref<1x32xf32, #tpu.memory_space<vmem>>
      %dma_start3A_157 = tpu.memref_squeeze %dma_start3A_156 : memref<1x32xf32, #tpu.memory_space<vmem>> -> memref<32xf32, #tpu.memory_space<vmem>>
      %dma_start3A_158 = arith.constant 32 : i32
      %dma_start3A_159 = tpu.memref_slice %arg12[%dma_start3A_158] : memref<1600xi32, #tpu.memory_space<vmem>> -> memref<32xi32, #tpu.memory_space<vmem>>
      %dma_start3A_160 = arith.constant 0 : i32
      %dma_start3A_161 = tpu.memref_slice %arg7[%dma_start3A_160] : memref<100000xf32, #tpu.memory_space<hbm>> -> memref<100000xf32, #tpu.memory_space<hbm>>
      %dma_start3A_162 = tpu.memref_slice %arg24[%dma_start3A_154] : memref<2x!tpu.dma_semaphore, #tpu.memory_space<semaphore_mem>> -> memref<1x!tpu.dma_semaphore, #tpu.memory_space<semaphore_mem>>
      %dma_start3A_163 = tpu.memref_squeeze %dma_start3A_162 : memref<1x!tpu.dma_semaphore, #tpu.memory_space<semaphore_mem>> -> memref<!tpu.dma_semaphore, #tpu.memory_space<semaphore_mem>>
      tpu.enqueue_indirect_dma source(%dma_start3A_161 : memref<100000xf32, #tpu.memory_space<hbm>>) target(%dma_start3A_157 : memref<32xf32, #tpu.memory_space<vmem>>) offsets(%dma_start3A_159 : memref<32xi32, #tpu.memory_space<vmem>>) semaphore(%dma_start3A_163 : memref<!tpu.dma_semaphore, #tpu.memory_space<semaphore_mem>>)
      %dma_start3A_164 = arith.constant 1 : i32
      %dma_start3A_165 = arith.constant 1 : i32
      %dma_start3A_166 = arith.constant 0 : i32
      %dma_start3A_167 = tpu.memref_slice %arg23[%dma_start3A_164, %dma_start3A_166] : memref<2x32xf32, #tpu.memory_space<vmem>> -> memref<1x32xf32, #tpu.memory_space<vmem>>
      %dma_start3A_168 = tpu.memref_squeeze %dma_start3A_167 : memref<1x32xf32, #tpu.memory_space<vmem>> -> memref<32xf32, #tpu.memory_space<vmem>>
      %dma_start3A_169 = arith.constant 32 : i32
      %dma_start3A_170 = tpu.memref_slice %arg13[%dma_start3A_169] : memref<1600xi32, #tpu.memory_space<vmem>> -> memref<32xi32, #tpu.memory_space<vmem>>
      %dma_start3A_171 = arith.constant 0 : i32
      %dma_start3A_172 = tpu.memref_slice %arg8[%dma_start3A_171] : memref<100000xf32, #tpu.memory_space<hbm>> -> memref<100000xf32, #tpu.memory_space<hbm>>
      %dma_start3A_173 = tpu.memref_slice %arg24[%dma_start3A_165] : memref<2x!tpu.dma_semaphore, #tpu.memory_space<semaphore_mem>> -> memref<1x!tpu.dma_semaphore, #tpu.memory_space<semaphore_mem>>
      %dma_start3A_174 = tpu.memref_squeeze %dma_start3A_173 : memref<1x!tpu.dma_semaphore, #tpu.memory_space<semaphore_mem>> -> memref<!tpu.dma_semaphore, #tpu.memory_space<semaphore_mem>>
      tpu.enqueue_indirect_dma source(%dma_start3A_172 : memref<100000xf32, #tpu.memory_space<hbm>>) target(%dma_start3A_168 : memref<32xf32, #tpu.memory_space<vmem>>) offsets(%dma_start3A_170 : memref<32xi32, #tpu.memory_space<vmem>>) semaphore(%dma_start3A_174 : memref<!tpu.dma_semaphore, #tpu.memory_space<semaphore_mem>>)
      %scan3A_175 = arith.constant 0 : i32
      %scan3A_176 = arith.constant 0 : i32
      %scan3A_177 = arith.constant 25 : i32
      %scan3A_178 = arith.addi %scan3A_176, %scan3A_177 : i32
      %scan3A_179 = arith.constant 1 : i32
      scf.for %scan3A_181 = %scan3A_176 to %scan3A_178 step %scan3A_179  : i32 {
        %mul3A_182 = arith.constant 2 : i32
        %mul3A_183 = arith.muli %scan3A_181, %mul3A_182 : i32
        %add3A_184 = arith.constant 0 : i32
        %add3A_185 = arith.addi %mul3A_183, %add3A_184 : i32
        %mul3A_186 = arith.constant 32 : i32
        %mul3A_187 = arith.muli %add3A_185, %mul3A_186 : i32
        %dma_wait3A = arith.constant 0 : i32
        %dma_wait3A_188 = arith.constant 0 : i32
        %dma_wait3A_189 = arith.constant 0 : i32
        %dma_wait3A_190 = arith.constant 0 : i32
        %dma_wait3A_191 = tpu.memref_slice %arg18[%dma_wait3A, %dma_wait3A_189, %dma_wait3A_190] : memref<4x32x128xf32, #tpu.memory_space<vmem>> -> memref<1x32x128xf32, #tpu.memory_space<vmem>>
        %dma_wait3A_192 = tpu.memref_squeeze %dma_wait3A_191 : memref<1x32x128xf32, #tpu.memory_space<vmem>> -> memref<32x128xf32, #tpu.memory_space<vmem>>
        %dma_wait3A_193 = tpu.memref_slice %arg12[%mul3A_187] : memref<1600xi32, #tpu.memory_space<vmem>> -> memref<32xi32, #tpu.memory_space<vmem>>
        %dma_wait3A_194 = arith.constant 0 : i32
        %dma_wait3A_195 = arith.constant 0 : i32
        %dma_wait3A_196 = tpu.memref_slice %arg9[%dma_wait3A_194, %dma_wait3A_195] : memref<100000x128xf32, #tpu.memory_space<hbm>> -> memref<100000x128xf32, #tpu.memory_space<hbm>>
        %dma_wait3A_197 = tpu.memref_slice %arg24[%dma_wait3A_188] : memref<2x!tpu.dma_semaphore, #tpu.memory_space<semaphore_mem>> -> memref<1x!tpu.dma_semaphore, #tpu.memory_space<semaphore_mem>>
        %dma_wait3A_198 = tpu.memref_squeeze %dma_wait3A_197 : memref<1x!tpu.dma_semaphore, #tpu.memory_space<semaphore_mem>> -> memref<!tpu.dma_semaphore, #tpu.memory_space<semaphore_mem>>
        tpu.wait_indirect_dma semaphore(%dma_wait3A_198 : memref<!tpu.dma_semaphore, #tpu.memory_space<semaphore_mem>>) src(%dma_wait3A_196 : memref<100000x128xf32, #tpu.memory_space<hbm>>) dst(%dma_wait3A_192 : memref<32x128xf32, #tpu.memory_space<vmem>>)
        %dma_wait3A_199 = arith.constant 1 : i32
        %dma_wait3A_200 = arith.constant 0 : i32
        %dma_wait3A_201 = arith.constant 0 : i32
        %dma_wait3A_202 = arith.constant 0 : i32
        %dma_wait3A_203 = tpu.memref_slice %arg18[%dma_wait3A_199, %dma_wait3A_201, %dma_wait3A_202] : memref<4x32x128xf32, #tpu.memory_space<vmem>> -> memref<1x32x128xf32, #tpu.memory_space<vmem>>
        %dma_wait3A_204 = tpu.memref_squeeze %dma_wait3A_203 : memref<1x32x128xf32, #tpu.memory_space<vmem>> -> memref<32x128xf32, #tpu.memory_space<vmem>>
        %dma_wait3A_205 = tpu.memref_slice %arg12[%mul3A_187] : memref<1600xi32, #tpu.memory_space<vmem>> -> memref<32xi32, #tpu.memory_space<vmem>>
        %dma_wait3A_206 = arith.constant 0 : i32
        %dma_wait3A_207 = arith.constant 0 : i32
        %dma_wait3A_208 = tpu.memref_slice %arg10[%dma_wait3A_206, %dma_wait3A_207] : memref<100000x128xf32, #tpu.memory_space<hbm>> -> memref<100000x128xf32, #tpu.memory_space<hbm>>
        %dma_wait3A_209 = tpu.memref_slice %arg24[%dma_wait3A_200] : memref<2x!tpu.dma_semaphore, #tpu.memory_space<semaphore_mem>> -> memref<1x!tpu.dma_semaphore, #tpu.memory_space<semaphore_mem>>
        %dma_wait3A_210 = tpu.memref_squeeze %dma_wait3A_209 : memref<1x!tpu.dma_semaphore, #tpu.memory_space<semaphore_mem>> -> memref<!tpu.dma_semaphore, #tpu.memory_space<semaphore_mem>>
        tpu.wait_indirect_dma semaphore(%dma_wait3A_210 : memref<!tpu.dma_semaphore, #tpu.memory_space<semaphore_mem>>) src(%dma_wait3A_208 : memref<100000x128xf32, #tpu.memory_space<hbm>>) dst(%dma_wait3A_204 : memref<32x128xf32, #tpu.memory_space<vmem>>)
        %dma_wait3A_211 = arith.constant 2 : i32
        %dma_wait3A_212 = arith.constant 0 : i32
        %dma_wait3A_213 = arith.constant 0 : i32
        %dma_wait3A_214 = arith.constant 0 : i32
        %dma_wait3A_215 = tpu.memref_slice %arg18[%dma_wait3A_211, %dma_wait3A_213, %dma_wait3A_214] : memref<4x32x128xf32, #tpu.memory_space<vmem>> -> memref<1x32x128xf32, #tpu.memory_space<vmem>>
        %dma_wait3A_216 = tpu.memref_squeeze %dma_wait3A_215 : memref<1x32x128xf32, #tpu.memory_space<vmem>> -> memref<32x128xf32, #tpu.memory_space<vmem>>
        %dma_wait3A_217 = tpu.memref_slice %arg13[%mul3A_187] : memref<1600xi32, #tpu.memory_space<vmem>> -> memref<32xi32, #tpu.memory_space<vmem>>
        %dma_wait3A_218 = arith.constant 0 : i32
        %dma_wait3A_219 = arith.constant 0 : i32
        %dma_wait3A_220 = tpu.memref_slice %arg9[%dma_wait3A_218, %dma_wait3A_219] : memref<100000x128xf32, #tpu.memory_space<hbm>> -> memref<100000x128xf32, #tpu.memory_space<hbm>>
        %dma_wait3A_221 = tpu.memref_slice %arg24[%dma_wait3A_212] : memref<2x!tpu.dma_semaphore, #tpu.memory_space<semaphore_mem>> -> memref<1x!tpu.dma_semaphore, #tpu.memory_space<semaphore_mem>>
        %dma_wait3A_222 = tpu.memref_squeeze %dma_wait3A_221 : memref<1x!tpu.dma_semaphore, #tpu.memory_space<semaphore_mem>> -> memref<!tpu.dma_semaphore, #tpu.memory_space<semaphore_mem>>
        tpu.wait_indirect_dma semaphore(%dma_wait3A_222 : memref<!tpu.dma_semaphore, #tpu.memory_space<semaphore_mem>>) src(%dma_wait3A_220 : memref<100000x128xf32, #tpu.memory_space<hbm>>) dst(%dma_wait3A_216 : memref<32x128xf32, #tpu.memory_space<vmem>>)
        %dma_wait3A_223 = arith.constant 3 : i32
        %dma_wait3A_224 = arith.constant 0 : i32
        %dma_wait3A_225 = arith.constant 0 : i32
        %dma_wait3A_226 = arith.constant 0 : i32
        %dma_wait3A_227 = tpu.memref_slice %arg18[%dma_wait3A_223, %dma_wait3A_225, %dma_wait3A_226] : memref<4x32x128xf32, #tpu.memory_space<vmem>> -> memref<1x32x128xf32, #tpu.memory_space<vmem>>
        %dma_wait3A_228 = tpu.memref_squeeze %dma_wait3A_227 : memref<1x32x128xf32, #tpu.memory_space<vmem>> -> memref<32x128xf32, #tpu.memory_space<vmem>>
        %dma_wait3A_229 = tpu.memref_slice %arg13[%mul3A_187] : memref<1600xi32, #tpu.memory_space<vmem>> -> memref<32xi32, #tpu.memory_space<vmem>>
        %dma_wait3A_230 = arith.constant 0 : i32
        %dma_wait3A_231 = arith.constant 0 : i32
        %dma_wait3A_232 = tpu.memref_slice %arg10[%dma_wait3A_230, %dma_wait3A_231] : memref<100000x128xf32, #tpu.memory_space<hbm>> -> memref<100000x128xf32, #tpu.memory_space<hbm>>
        %dma_wait3A_233 = tpu.memref_slice %arg24[%dma_wait3A_224] : memref<2x!tpu.dma_semaphore, #tpu.memory_space<semaphore_mem>> -> memref<1x!tpu.dma_semaphore, #tpu.memory_space<semaphore_mem>>
        %dma_wait3A_234 = tpu.memref_squeeze %dma_wait3A_233 : memref<1x!tpu.dma_semaphore, #tpu.memory_space<semaphore_mem>> -> memref<!tpu.dma_semaphore, #tpu.memory_space<semaphore_mem>>
        tpu.wait_indirect_dma semaphore(%dma_wait3A_234 : memref<!tpu.dma_semaphore, #tpu.memory_space<semaphore_mem>>) src(%dma_wait3A_232 : memref<100000x128xf32, #tpu.memory_space<hbm>>) dst(%dma_wait3A_228 : memref<32x128xf32, #tpu.memory_space<vmem>>)
        %dma_wait3A_235 = arith.constant 0 : i32
        %dma_wait3A_236 = tpu.memref_slice %arg14[%mul3A_187] : memref<1600xi32, #tpu.memory_space<vmem>> -> memref<32xi32, #tpu.memory_space<vmem>>
        %dma_wait3A_237 = arith.constant 0 : i32
        %dma_wait3A_238 = arith.constant 0 : i32
        %dma_wait3A_239 = tpu.memref_slice %arg6[%dma_wait3A_237, %dma_wait3A_238] : memref<500x128xi32, #tpu.memory_space<hbm>> -> memref<500x128xi32, #tpu.memory_space<hbm>>
        %dma_wait3A_240 = tpu.memref_slice %arg24[%dma_wait3A_235] : memref<2x!tpu.dma_semaphore, #tpu.memory_space<semaphore_mem>> -> memref<1x!tpu.dma_semaphore, #tpu.memory_space<semaphore_mem>>
        %dma_wait3A_241 = tpu.memref_squeeze %dma_wait3A_240 : memref<1x!tpu.dma_semaphore, #tpu.memory_space<semaphore_mem>> -> memref<!tpu.dma_semaphore, #tpu.memory_space<semaphore_mem>>
        tpu.wait_indirect_dma semaphore(%dma_wait3A_241 : memref<!tpu.dma_semaphore, #tpu.memory_space<semaphore_mem>>) src(%dma_wait3A_239 : memref<500x128xi32, #tpu.memory_space<hbm>>) dst(%arg20 : memref<32x128xi32, #tpu.memory_space<vmem>>)
        %dma_wait3A_242 = arith.constant 0 : i32
        %dma_wait3A_243 = arith.constant 0 : i32
        %dma_wait3A_244 = arith.constant 0 : i32
        %dma_wait3A_245 = tpu.memref_slice %arg22[%dma_wait3A_242, %dma_wait3A_244] : memref<2x32xf32, #tpu.memory_space<vmem>> -> memref<1x32xf32, #tpu.memory_space<vmem>>
        %dma_wait3A_246 = tpu.memref_squeeze %dma_wait3A_245 : memref<1x32xf32, #tpu.memory_space<vmem>> -> memref<32xf32, #tpu.memory_space<vmem>>
        %dma_wait3A_247 = tpu.memref_slice %arg12[%mul3A_187] : memref<1600xi32, #tpu.memory_space<vmem>> -> memref<32xi32, #tpu.memory_space<vmem>>
        %dma_wait3A_248 = arith.constant 0 : i32
        %dma_wait3A_249 = tpu.memref_slice %arg7[%dma_wait3A_248] : memref<100000xf32, #tpu.memory_space<hbm>> -> memref<100000xf32, #tpu.memory_space<hbm>>
        %dma_wait3A_250 = tpu.memref_slice %arg24[%dma_wait3A_243] : memref<2x!tpu.dma_semaphore, #tpu.memory_space<semaphore_mem>> -> memref<1x!tpu.dma_semaphore, #tpu.memory_space<semaphore_mem>>
        %dma_wait3A_251 = tpu.memref_squeeze %dma_wait3A_250 : memref<1x!tpu.dma_semaphore, #tpu.memory_space<semaphore_mem>> -> memref<!tpu.dma_semaphore, #tpu.memory_space<semaphore_mem>>
        tpu.wait_indirect_dma semaphore(%dma_wait3A_251 : memref<!tpu.dma_semaphore, #tpu.memory_space<semaphore_mem>>) src(%dma_wait3A_249 : memref<100000xf32, #tpu.memory_space<hbm>>) dst(%dma_wait3A_246 : memref<32xf32, #tpu.memory_space<vmem>>)
        %dma_wait3A_252 = arith.constant 1 : i32
        %dma_wait3A_253 = arith.constant 0 : i32
        %dma_wait3A_254 = arith.constant 0 : i32
        %dma_wait3A_255 = tpu.memref_slice %arg22[%dma_wait3A_252, %dma_wait3A_254] : memref<2x32xf32, #tpu.memory_space<vmem>> -> memref<1x32xf32, #tpu.memory_space<vmem>>
        %dma_wait3A_256 = tpu.memref_squeeze %dma_wait3A_255 : memref<1x32xf32, #tpu.memory_space<vmem>> -> memref<32xf32, #tpu.memory_space<vmem>>
        %dma_wait3A_257 = tpu.memref_slice %arg13[%mul3A_187] : memref<1600xi32, #tpu.memory_space<vmem>> -> memref<32xi32, #tpu.memory_space<vmem>>
        %dma_wait3A_258 = arith.constant 0 : i32
        %dma_wait3A_259 = tpu.memref_slice %arg8[%dma_wait3A_258] : memref<100000xf32, #tpu.memory_space<hbm>> -> memref<100000xf32, #tpu.memory_space<hbm>>
        %dma_wait3A_260 = tpu.memref_slice %arg24[%dma_wait3A_253] : memref<2x!tpu.dma_semaphore, #tpu.memory_space<semaphore_mem>> -> memref<1x!tpu.dma_semaphore, #tpu.memory_space<semaphore_mem>>
        %dma_wait3A_261 = tpu.memref_squeeze %dma_wait3A_260 : memref<1x!tpu.dma_semaphore, #tpu.memory_space<semaphore_mem>> -> memref<!tpu.dma_semaphore, #tpu.memory_space<semaphore_mem>>
        tpu.wait_indirect_dma semaphore(%dma_wait3A_261 : memref<!tpu.dma_semaphore, #tpu.memory_space<semaphore_mem>>) src(%dma_wait3A_259 : memref<100000xf32, #tpu.memory_space<hbm>>) dst(%dma_wait3A_256 : memref<32xf32, #tpu.memory_space<vmem>>)
        %scan3A_262 = arith.constant 0 : i32
        %scan3A_263 = arith.constant 0 : i32
        %scan3A_264 = arith.constant 2 : i32
        %scan3A_265 = arith.constant 1 : i32
        %scan3A_266 = arith.constant 3 : i32
        %scan3A_267 = arith.constant 0 : i32
        %scan3A_268 = arith.constant 2 : i32
        %scan3A_269 = arith.addi %scan3A_267, %scan3A_268 : i32
        %scan3A_270 = arith.constant 1 : i32
        scf.for %scan3A_372 = %scan3A_267 to %scan3A_269 step %scan3A_270  : i32 {
          %mul3A_373 = arith.constant 16 : i32
          %mul3A_374 = arith.muli %scan3A_372, %mul3A_373 : i32
          %parallel_loop3A = arith.constant 0 : i32
          %parallel_loop3A_375 = arith.constant 16 : i32
          %parallel_loop3A_376 = arith.constant 1 : i32
          scf.for %parallel_loop3A_627 = %parallel_loop3A to %parallel_loop3A_375 step %parallel_loop3A_376  : i32 {
            %parallel_loop3A_628 = arith.constant 16 : i32
            %parallel_loop3A_629 = arith.muli %scan3A_372, %parallel_loop3A_628 : i32
            %parallel_loop3A_630 = arith.addi %parallel_loop3A_629, %parallel_loop3A_627 : i32
            %parallel_loop3A_631 = arith.constant 0.000000e+00 : f32
            %parallel_loop3A_632 = vector.broadcast %parallel_loop3A_631 : f32 to vector<16xf32>
            %parallel_loop3A_633 = arith.constant 0.000000e+00 : f32
            %parallel_loop3A_634 = vector.broadcast %parallel_loop3A_633 : f32 to vector<16xf32>
            %parallel_loop3A_635 = arith.constant 0.000000e+00 : f32
            %parallel_loop3A_636 = vector.broadcast %parallel_loop3A_635 : f32 to vector<16xf32>
            %parallel_loop3A_637 = arith.index_cast %parallel_loop3A_630 : i32 to index
            %parallel_loop3A_638 = arith.constant 0 : index
            %parallel_loop3A_639 = tpu.vector_load %arg20[%parallel_loop3A_637, %parallel_loop3A_638] {strides = array<i32>} : memref<32x128xi32, #tpu.memory_space<vmem>>, vector<16xi32>,
            %parallel_loop3A_640 = vector.bitcast %parallel_loop3A_639 : vector<16xi32> to vector<32xbf16>
            %parallel_loop3A_641 = arith.index_cast %parallel_loop3A_630 : i32 to index
            %parallel_loop3A_642 = arith.constant 64 : index
            %parallel_loop3A_643 = tpu.vector_load %arg20[%parallel_loop3A_641, %parallel_loop3A_642] {strides = array<i32>} : memref<32x128xi32, #tpu.memory_space<vmem>>, vector<16xi32>,
            %parallel_loop3A_644 = vector.bitcast %parallel_loop3A_643 : vector<16xi32> to vector<32xbf16>
            %parallel_loop3A_645 = tpu.unpack_subelements %parallel_loop3A_640, 0 {pack_format = #tpu.pack_format<interleaved>} : vector<32xbf16> -> vector<16xf32>
            %parallel_loop3A_646 = tpu.unpack_subelements %parallel_loop3A_640, 1 {pack_format = #tpu.pack_format<interleaved>} : vector<32xbf16> -> vector<16xf32>
            %parallel_loop3A_647 = tpu.unpack_subelements %parallel_loop3A_644, 0 {pack_format = #tpu.pack_format<interleaved>} : vector<32xbf16> -> vector<16xf32>
            %parallel_loop3A_648 = tpu.unpack_subelements %parallel_loop3A_644, 1 {pack_format = #tpu.pack_format<interleaved>} : vector<32xbf16> -> vector<16xf32>
            %parallel_loop3A_649 = arith.constant 0 : i32
            %parallel_loop3A_650 = arith.constant 0 : i32
            %parallel_loop3A_651 = tpu.memref_slice %arg18[%scan3A_263, %parallel_loop3A_649, %parallel_loop3A_650] : memref<4x32x128xf32, #tpu.memory_space<vmem>> -> memref<1x32x128xf32, #tpu.memory_space<vmem>>
            %parallel_loop3A_652 = tpu.memref_squeeze %parallel_loop3A_651 : memref<1x32x128xf32, #tpu.memory_space<vmem>> -> memref<32x128xf32, #tpu.memory_space<vmem>>
            %parallel_loop3A_653 = arith.index_cast %parallel_loop3A_630 : i32 to index
            %parallel_loop3A_654 = arith.constant 0 : index
            %parallel_loop3A_655 = tpu.vector_load %parallel_loop3A_652[%parallel_loop3A_653, %parallel_loop3A_654] {strides = array<i32>} : memref<32x128xf32, #tpu.memory_space<vmem>>, vector<16xf32>,
            %parallel_loop3A_656 = arith.mulf %parallel_loop3A_655, %parallel_loop3A_645 : vector<16xf32>
            %parallel_loop3A_657 = arith.constant 0 : i32
            %parallel_loop3A_658 = arith.constant 0 : i32
            %parallel_loop3A_659 = tpu.memref_slice %arg18[%scan3A_264, %parallel_loop3A_657, %parallel_loop3A_658] : memref<4x32x128xf32, #tpu.memory_space<vmem>> -> memref<1x32x128xf32, #tpu.memory_space<vmem>>
            %parallel_loop3A_660 = tpu.memref_squeeze %parallel_loop3A_659 : memref<1x32x128xf32, #tpu.memory_space<vmem>> -> memref<32x128xf32, #tpu.memory_space<vmem>>
            %parallel_loop3A_661 = arith.index_cast %parallel_loop3A_630 : i32 to index
            %parallel_loop3A_662 = arith.constant 0 : index
            %parallel_loop3A_663 = tpu.vector_load %parallel_loop3A_660[%parallel_loop3A_661, %parallel_loop3A_662] {strides = array<i32>} : memref<32x128xf32, #tpu.memory_space<vmem>>, vector<16xf32>,
            %parallel_loop3A_664 = arith.subf %parallel_loop3A_656, %parallel_loop3A_663 : vector<16xf32>
            %parallel_loop3A_665 = arith.subf %parallel_loop3A_664, %parallel_loop3A_647 : vector<16xf32>
            %parallel_loop3A_666 = arith.constant 0 : i32
            %parallel_loop3A_667 = arith.constant 0 : i32
            %parallel_loop3A_668 = tpu.memref_slice %arg18[%scan3A_265, %parallel_loop3A_666, %parallel_loop3A_667] : memref<4x32x128xf32, #tpu.memory_space<vmem>> -> memref<1x32x128xf32, #tpu.memory_space<vmem>>
            %parallel_loop3A_669 = tpu.memref_squeeze %parallel_loop3A_668 : memref<1x32x128xf32, #tpu.memory_space<vmem>> -> memref<32x128xf32, #tpu.memory_space<vmem>>
            %parallel_loop3A_670 = arith.index_cast %parallel_loop3A_630 : i32 to index
            %parallel_loop3A_671 = arith.constant 0 : index
            %parallel_loop3A_672 = tpu.vector_load %parallel_loop3A_669[%parallel_loop3A_670, %parallel_loop3A_671] {strides = array<i32>} : memref<32x128xf32, #tpu.memory_space<vmem>>, vector<16xf32>,
            %parallel_loop3A_673 = arith.mulf %parallel_loop3A_672, %parallel_loop3A_645 : vector<16xf32>
            %parallel_loop3A_674 = arith.constant 0 : i32
            %parallel_loop3A_675 = arith.constant 0 : i32
            %parallel_loop3A_676 = tpu.memref_slice %arg18[%scan3A_266, %parallel_loop3A_674, %parallel_loop3A_675] : memref<4x32x128xf32, #tpu.memory_space<vmem>> -> memref<1x32x128xf32, #tpu.memory_space<vmem>>
            %parallel_loop3A_677 = tpu.memref_squeeze %parallel_loop3A_676 : memref<1x32x128xf32, #tpu.memory_space<vmem>> -> memref<32x128xf32, #tpu.memory_space<vmem>>
            %parallel_loop3A_678 = arith.index_cast %parallel_loop3A_630 : i32 to index
            %parallel_loop3A_679 = arith.constant 0 : index
            %parallel_loop3A_680 = tpu.vector_load %parallel_loop3A_677[%parallel_loop3A_678, %parallel_loop3A_679] {strides = array<i32>} : memref<32x128xf32, #tpu.memory_space<vmem>>, vector<16xf32>,
            %parallel_loop3A_681 = arith.subf %parallel_loop3A_673, %parallel_loop3A_680 : vector<16xf32>
            %parallel_loop3A_682 = arith.mulf %parallel_loop3A_665, %parallel_loop3A_665 : vector<16xf32>
            %parallel_loop3A_683 = arith.addf %parallel_loop3A_632, %parallel_loop3A_682 : vector<16xf32>
            %parallel_loop3A_684 = arith.mulf %parallel_loop3A_665, %parallel_loop3A_681 : vector<16xf32>
            %parallel_loop3A_685 = arith.addf %parallel_loop3A_634, %parallel_loop3A_684 : vector<16xf32>
            %parallel_loop3A_686 = arith.mulf %parallel_loop3A_681, %parallel_loop3A_681 : vector<16xf32>
            %parallel_loop3A_687 = arith.addf %parallel_loop3A_636, %parallel_loop3A_686 : vector<16xf32>
            %parallel_loop3A_688 = arith.constant 0 : i32
            %parallel_loop3A_689 = arith.constant 0 : i32
            %parallel_loop3A_690 = tpu.memref_slice %arg18[%scan3A_263, %parallel_loop3A_688, %parallel_loop3A_689] : memref<4x32x128xf32, #tpu.memory_space<vmem>> -> memref<1x32x128xf32, #tpu.memory_space<vmem>>
            %parallel_loop3A_691 = tpu.memref_squeeze %parallel_loop3A_690 : memref<1x32x128xf32, #tpu.memory_space<vmem>> -> memref<32x128xf32, #tpu.memory_space<vmem>>
            %parallel_loop3A_692 = arith.index_cast %parallel_loop3A_630 : i32 to index
            %parallel_loop3A_693 = arith.constant 16 : index
            %parallel_loop3A_694 = tpu.vector_load %parallel_loop3A_691[%parallel_loop3A_692, %parallel_loop3A_693] {strides = array<i32>} : memref<32x128xf32, #tpu.memory_space<vmem>>, vector<16xf32>,
            %parallel_loop3A_695 = arith.mulf %parallel_loop3A_694, %parallel_loop3A_646 : vector<16xf32>
            %parallel_loop3A_696 = arith.constant 0 : i32
            %parallel_loop3A_697 = arith.constant 0 : i32
            %parallel_loop3A_698 = tpu.memref_slice %arg18[%scan3A_264, %parallel_loop3A_696, %parallel_loop3A_697] : memref<4x32x128xf32, #tpu.memory_space<vmem>> -> memref<1x32x128xf32, #tpu.memory_space<vmem>>
            %parallel_loop3A_699 = tpu.memref_squeeze %parallel_loop3A_698 : memref<1x32x128xf32, #tpu.memory_space<vmem>> -> memref<32x128xf32, #tpu.memory_space<vmem>>
            %parallel_loop3A_700 = arith.index_cast %parallel_loop3A_630 : i32 to index
            %parallel_loop3A_701 = arith.constant 16 : index
            %parallel_loop3A_702 = tpu.vector_load %parallel_loop3A_699[%parallel_loop3A_700, %parallel_loop3A_701] {strides = array<i32>} : memref<32x128xf32, #tpu.memory_space<vmem>>, vector<16xf32>,
            %parallel_loop3A_703 = arith.subf %parallel_loop3A_695, %parallel_loop3A_702 : vector<16xf32>
            %parallel_loop3A_704 = arith.subf %parallel_loop3A_703, %parallel_loop3A_648 : vector<16xf32>
            %parallel_loop3A_705 = arith.constant 0 : i32
            %parallel_loop3A_706 = arith.constant 0 : i32
            %parallel_loop3A_707 = tpu.memref_slice %arg18[%scan3A_265, %parallel_loop3A_705, %parallel_loop3A_706] : memref<4x32x128xf32, #tpu.memory_space<vmem>> -> memref<1x32x128xf32, #tpu.memory_space<vmem>>
            %parallel_loop3A_708 = tpu.memref_squeeze %parallel_loop3A_707 : memref<1x32x128xf32, #tpu.memory_space<vmem>> -> memref<32x128xf32, #tpu.memory_space<vmem>>
            %parallel_loop3A_709 = arith.index_cast %parallel_loop3A_630 : i32 to index
            %parallel_loop3A_710 = arith.constant 16 : index
            %parallel_loop3A_711 = tpu.vector_load %parallel_loop3A_708[%parallel_loop3A_709, %parallel_loop3A_710] {strides = array<i32>} : memref<32x128xf32, #tpu.memory_space<vmem>>, vector<16xf32>,
            %parallel_loop3A_712 = arith.mulf %parallel_loop3A_711, %parallel_loop3A_646 : vector<16xf32>
            %parallel_loop3A_713 = arith.constant 0 : i32
            %parallel_loop3A_714 = arith.constant 0 : i32
            %parallel_loop3A_715 = tpu.memref_slice %arg18[%scan3A_266, %parallel_loop3A_713, %parallel_loop3A_714] : memref<4x32x128xf32, #tpu.memory_space<vmem>> -> memref<1x32x128xf32, #tpu.memory_space<vmem>>
            %parallel_loop3A_716 = tpu.memref_squeeze %parallel_loop3A_715 : memref<1x32x128xf32, #tpu.memory_space<vmem>> -> memref<32x128xf32, #tpu.memory_space<vmem>>
            %parallel_loop3A_717 = arith.index_cast %parallel_loop3A_630 : i32 to index
            %parallel_loop3A_718 = arith.constant 16 : index
            %parallel_loop3A_719 = tpu.vector_load %parallel_loop3A_716[%parallel_loop3A_717, %parallel_loop3A_718] {strides = array<i32>} : memref<32x128xf32, #tpu.memory_space<vmem>>, vector<16xf32>,
            %parallel_loop3A_720 = arith.subf %parallel_loop3A_712, %parallel_loop3A_719 : vector<16xf32>
            %parallel_loop3A_721 = arith.mulf %parallel_loop3A_704, %parallel_loop3A_704 : vector<16xf32>
            %parallel_loop3A_722 = arith.addf %parallel_loop3A_683, %parallel_loop3A_721 : vector<16xf32>
            %parallel_loop3A_723 = arith.mulf %parallel_loop3A_704, %parallel_loop3A_720 : vector<16xf32>
            %parallel_loop3A_724 = arith.addf %parallel_loop3A_685, %parallel_loop3A_723 : vector<16xf32>
            %parallel_loop3A_725 = arith.mulf %parallel_loop3A_720, %parallel_loop3A_720 : vector<16xf32>
            %parallel_loop3A_726 = arith.addf %parallel_loop3A_687, %parallel_loop3A_725 : vector<16xf32>
            %parallel_loop3A_727 = arith.index_cast %parallel_loop3A_630 : i32 to index
            %parallel_loop3A_728 = arith.constant 16 : index
            %parallel_loop3A_729 = tpu.vector_load %arg20[%parallel_loop3A_727, %parallel_loop3A_728] {strides = array<i32>} : memref<32x128xi32, #tpu.memory_space<vmem>>, vector<16xi32>,
            %parallel_loop3A_730 = vector.bitcast %parallel_loop3A_729 : vector<16xi32> to vector<32xbf16>
            %parallel_loop3A_731 = arith.index_cast %parallel_loop3A_630 : i32 to index
            %parallel_loop3A_732 = arith.constant 80 : index
            %parallel_loop3A_733 = tpu.vector_load %arg20[%parallel_loop3A_731, %parallel_loop3A_732] {strides = array<i32>} : memref<32x128xi32, #tpu.memory_space<vmem>>, vector<16xi32>,
            %parallel_loop3A_734 = vector.bitcast %parallel_loop3A_733 : vector<16xi32> to vector<32xbf16>
            %parallel_loop3A_735 = tpu.unpack_subelements %parallel_loop3A_730, 0 {pack_format = #tpu.pack_format<interleaved>} : vector<32xbf16> -> vector<16xf32>
            %parallel_loop3A_736 = tpu.unpack_subelements %parallel_loop3A_730, 1 {pack_format = #tpu.pack_format<interleaved>} : vector<32xbf16> -> vector<16xf32>
            %parallel_loop3A_737 = tpu.unpack_subelements %parallel_loop3A_734, 0 {pack_format = #tpu.pack_format<interleaved>} : vector<32xbf16> -> vector<16xf32>
            %parallel_loop3A_738 = tpu.unpack_subelements %parallel_loop3A_734, 1 {pack_format = #tpu.pack_format<interleaved>} : vector<32xbf16> -> vector<16xf32>
            %parallel_loop3A_739 = arith.constant 0 : i32
            %parallel_loop3A_740 = arith.constant 0 : i32
            %parallel_loop3A_741 = tpu.memref_slice %arg18[%scan3A_263, %parallel_loop3A_739, %parallel_loop3A_740] : memref<4x32x128xf32, #tpu.memory_space<vmem>> -> memref<1x32x128xf32, #tpu.memory_space<vmem>>
            %parallel_loop3A_742 = tpu.memref_squeeze %parallel_loop3A_741 : memref<1x32x128xf32, #tpu.memory_space<vmem>> -> memref<32x128xf32, #tpu.memory_space<vmem>>
            %parallel_loop3A_743 = arith.index_cast %parallel_loop3A_630 : i32 to index
            %parallel_loop3A_744 = arith.constant 32 : index
            %parallel_loop3A_745 = tpu.vector_load %parallel_loop3A_742[%parallel_loop3A_743, %parallel_loop3A_744] {strides = array<i32>} : memref<32x128xf32, #tpu.memory_space<vmem>>, vector<16xf32>,
            %parallel_loop3A_746 = arith.mulf %parallel_loop3A_745, %parallel_loop3A_735 : vector<16xf32>
            %parallel_loop3A_747 = arith.constant 0 : i32
            %parallel_loop3A_748 = arith.constant 0 : i32
            %parallel_loop3A_749 = tpu.memref_slice %arg18[%scan3A_264, %parallel_loop3A_747, %parallel_loop3A_748] : memref<4x32x128xf32, #tpu.memory_space<vmem>> -> memref<1x32x128xf32, #tpu.memory_space<vmem>>
            %parallel_loop3A_750 = tpu.memref_squeeze %parallel_loop3A_749 : memref<1x32x128xf32, #tpu.memory_space<vmem>> -> memref<32x128xf32, #tpu.memory_space<vmem>>
            %parallel_loop3A_751 = arith.index_cast %parallel_loop3A_630 : i32 to index
            %parallel_loop3A_752 = arith.constant 32 : index
            %parallel_loop3A_753 = tpu.vector_load %parallel_loop3A_750[%parallel_loop3A_751, %parallel_loop3A_752] {strides = array<i32>} : memref<32x128xf32, #tpu.memory_space<vmem>>, vector<16xf32>,
            %parallel_loop3A_754 = arith.subf %parallel_loop3A_746, %parallel_loop3A_753 : vector<16xf32>
            %parallel_loop3A_755 = arith.subf %parallel_loop3A_754, %parallel_loop3A_737 : vector<16xf32>
            %parallel_loop3A_756 = arith.constant 0 : i32
            %parallel_loop3A_757 = arith.constant 0 : i32
            %parallel_loop3A_758 = tpu.memref_slice %arg18[%scan3A_265, %parallel_loop3A_756, %parallel_loop3A_757] : memref<4x32x128xf32, #tpu.memory_space<vmem>> -> memref<1x32x128xf32, #tpu.memory_space<vmem>>
            %parallel_loop3A_759 = tpu.memref_squeeze %parallel_loop3A_758 : memref<1x32x128xf32, #tpu.memory_space<vmem>> -> memref<32x128xf32, #tpu.memory_space<vmem>>
            %parallel_loop3A_760 = arith.index_cast %parallel_loop3A_630 : i32 to index
            %parallel_loop3A_761 = arith.constant 32 : index
            %parallel_loop3A_762 = tpu.vector_load %parallel_loop3A_759[%parallel_loop3A_760, %parallel_loop3A_761] {strides = array<i32>} : memref<32x128xf32, #tpu.memory_space<vmem>>, vector<16xf32>,
            %parallel_loop3A_763 = arith.mulf %parallel_loop3A_762, %parallel_loop3A_735 : vector<16xf32>
            %parallel_loop3A_764 = arith.constant 0 : i32
            %parallel_loop3A_765 = arith.constant 0 : i32
            %parallel_loop3A_766 = tpu.memref_slice %arg18[%scan3A_266, %parallel_loop3A_764, %parallel_loop3A_765] : memref<4x32x128xf32, #tpu.memory_space<vmem>> -> memref<1x32x128xf32, #tpu.memory_space<vmem>>
            %parallel_loop3A_767 = tpu.memref_squeeze %parallel_loop3A_766 : memref<1x32x128xf32, #tpu.memory_space<vmem>> -> memref<32x128xf32, #tpu.memory_space<vmem>>
            %parallel_loop3A_768 = arith.index_cast %parallel_loop3A_630 : i32 to index
            %parallel_loop3A_769 = arith.constant 32 : index
            %parallel_loop3A_770 = tpu.vector_load %parallel_loop3A_767[%parallel_loop3A_768, %parallel_loop3A_769] {strides = array<i32>} : memref<32x128xf32, #tpu.memory_space<vmem>>, vector<16xf32>,
            %parallel_loop3A_771 = arith.subf %parallel_loop3A_763, %parallel_loop3A_770 : vector<16xf32>
            %parallel_loop3A_772 = arith.mulf %parallel_loop3A_755, %parallel_loop3A_755 : vector<16xf32>
            %parallel_loop3A_773 = arith.addf %parallel_loop3A_722, %parallel_loop3A_772 : vector<16xf32>
            %parallel_loop3A_774 = arith.mulf %parallel_loop3A_755, %parallel_loop3A_771 : vector<16xf32>
            %parallel_loop3A_775 = arith.addf %parallel_loop3A_724, %parallel_loop3A_774 : vector<16xf32>
            %parallel_loop3A_776 = arith.mulf %parallel_loop3A_771, %parallel_loop3A_771 : vector<16xf32>
            %parallel_loop3A_777 = arith.addf %parallel_loop3A_726, %parallel_loop3A_776 : vector<16xf32>
            %parallel_loop3A_778 = arith.constant 0 : i32
            %parallel_loop3A_779 = arith.constant 0 : i32
            %parallel_loop3A_780 = tpu.memref_slice %arg18[%scan3A_263, %parallel_loop3A_778, %parallel_loop3A_779] : memref<4x32x128xf32, #tpu.memory_space<vmem>> -> memref<1x32x128xf32, #tpu.memory_space<vmem>>
            %parallel_loop3A_781 = tpu.memref_squeeze %parallel_loop3A_780 : memref<1x32x128xf32, #tpu.memory_space<vmem>> -> memref<32x128xf32, #tpu.memory_space<vmem>>
            %parallel_loop3A_782 = arith.index_cast %parallel_loop3A_630 : i32 to index
            %parallel_loop3A_783 = arith.constant 48 : index
            %parallel_loop3A_784 = tpu.vector_load %parallel_loop3A_781[%parallel_loop3A_782, %parallel_loop3A_783] {strides = array<i32>} : memref<32x128xf32, #tpu.memory_space<vmem>>, vector<16xf32>,
            %parallel_loop3A_785 = arith.mulf %parallel_loop3A_784, %parallel_loop3A_736 : vector<16xf32>
            %parallel_loop3A_786 = arith.constant 0 : i32
            %parallel_loop3A_787 = arith.constant 0 : i32
            %parallel_loop3A_788 = tpu.memref_slice %arg18[%scan3A_264, %parallel_loop3A_786, %parallel_loop3A_787] : memref<4x32x128xf32, #tpu.memory_space<vmem>> -> memref<1x32x128xf32, #tpu.memory_space<vmem>>
            %parallel_loop3A_789 = tpu.memref_squeeze %parallel_loop3A_788 : memref<1x32x128xf32, #tpu.memory_space<vmem>> -> memref<32x128xf32, #tpu.memory_space<vmem>>
            %parallel_loop3A_790 = arith.index_cast %parallel_loop3A_630 : i32 to index
            %parallel_loop3A_791 = arith.constant 48 : index
            %parallel_loop3A_792 = tpu.vector_load %parallel_loop3A_789[%parallel_loop3A_790, %parallel_loop3A_791] {strides = array<i32>} : memref<32x128xf32, #tpu.memory_space<vmem>>, vector<16xf32>,
            %parallel_loop3A_793 = arith.subf %parallel_loop3A_785, %parallel_loop3A_792 : vector<16xf32>
            %parallel_loop3A_794 = arith.subf %parallel_loop3A_793, %parallel_loop3A_738 : vector<16xf32>
            %parallel_loop3A_795 = arith.constant 0 : i32
            %parallel_loop3A_796 = arith.constant 0 : i32
            %parallel_loop3A_797 = tpu.memref_slice %arg18[%scan3A_265, %parallel_loop3A_795, %parallel_loop3A_796] : memref<4x32x128xf32, #tpu.memory_space<vmem>> -> memref<1x32x128xf32, #tpu.memory_space<vmem>>
            %parallel_loop3A_798 = tpu.memref_squeeze %parallel_loop3A_797 : memref<1x32x128xf32, #tpu.memory_space<vmem>> -> memref<32x128xf32, #tpu.memory_space<vmem>>
            %parallel_loop3A_799 = arith.index_cast %parallel_loop3A_630 : i32 to index
            %parallel_loop3A_800 = arith.constant 48 : index
            %parallel_loop3A_801 = tpu.vector_load %parallel_loop3A_798[%parallel_loop3A_799, %parallel_loop3A_800] {strides = array<i32>} : memref<32x128xf32, #tpu.memory_space<vmem>>, vector<16xf32>,
            %parallel_loop3A_802 = arith.mulf %parallel_loop3A_801, %parallel_loop3A_736 : vector<16xf32>
            %parallel_loop3A_803 = arith.constant 0 : i32
            %parallel_loop3A_804 = arith.constant 0 : i32
            %parallel_loop3A_805 = tpu.memref_slice %arg18[%scan3A_266, %parallel_loop3A_803, %parallel_loop3A_804] : memref<4x32x128xf32, #tpu.memory_space<vmem>> -> memref<1x32x128xf32, #tpu.memory_space<vmem>>
            %parallel_loop3A_806 = tpu.memref_squeeze %parallel_loop3A_805 : memref<1x32x128xf32, #tpu.memory_space<vmem>> -> memref<32x128xf32, #tpu.memory_space<vmem>>
            %parallel_loop3A_807 = arith.index_cast %parallel_loop3A_630 : i32 to index
            %parallel_loop3A_808 = arith.constant 48 : index
            %parallel_loop3A_809 = tpu.vector_load %parallel_loop3A_806[%parallel_loop3A_807, %parallel_loop3A_808] {strides = array<i32>} : memref<32x128xf32, #tpu.memory_space<vmem>>, vector<16xf32>,
            %parallel_loop3A_810 = arith.subf %parallel_loop3A_802, %parallel_loop3A_809 : vector<16xf32>
            %parallel_loop3A_811 = arith.mulf %parallel_loop3A_794, %parallel_loop3A_794 : vector<16xf32>
            %parallel_loop3A_812 = arith.addf %parallel_loop3A_773, %parallel_loop3A_811 : vector<16xf32>
            %parallel_loop3A_813 = arith.mulf %parallel_loop3A_794, %parallel_loop3A_810 : vector<16xf32>
            %parallel_loop3A_814 = arith.addf %parallel_loop3A_775, %parallel_loop3A_813 : vector<16xf32>
            %parallel_loop3A_815 = arith.mulf %parallel_loop3A_810, %parallel_loop3A_810 : vector<16xf32>
            %parallel_loop3A_816 = arith.addf %parallel_loop3A_777, %parallel_loop3A_815 : vector<16xf32>
            %parallel_loop3A_817 = arith.index_cast %parallel_loop3A_630 : i32 to index
            %parallel_loop3A_818 = arith.constant 32 : index
            %parallel_loop3A_819 = tpu.vector_load %arg20[%parallel_loop3A_817, %parallel_loop3A_818] {strides = array<i32>} : memref<32x128xi32, #tpu.memory_space<vmem>>, vector<16xi32>,
            %parallel_loop3A_820 = vector.bitcast %parallel_loop3A_819 : vector<16xi32> to vector<32xbf16>
            %parallel_loop3A_821 = arith.index_cast %parallel_loop3A_630 : i32 to index
            %parallel_loop3A_822 = arith.constant 96 : index
            %parallel_loop3A_823 = tpu.vector_load %arg20[%parallel_loop3A_821, %parallel_loop3A_822] {strides = array<i32>} : memref<32x128xi32, #tpu.memory_space<vmem>>, vector<16xi32>,
            %parallel_loop3A_824 = vector.bitcast %parallel_loop3A_823 : vector<16xi32> to vector<32xbf16>
            %parallel_loop3A_825 = tpu.unpack_subelements %parallel_loop3A_820, 0 {pack_format = #tpu.pack_format<interleaved>} : vector<32xbf16> -> vector<16xf32>
            %parallel_loop3A_826 = tpu.unpack_subelements %parallel_loop3A_820, 1 {pack_format = #tpu.pack_format<interleaved>} : vector<32xbf16> -> vector<16xf32>
            %parallel_loop3A_827 = tpu.unpack_subelements %parallel_loop3A_824, 0 {pack_format = #tpu.pack_format<interleaved>} : vector<32xbf16> -> vector<16xf32>
            %parallel_loop3A_828 = tpu.unpack_subelements %parallel_loop3A_824, 1 {pack_format = #tpu.pack_format<interleaved>} : vector<32xbf16> -> vector<16xf32>
            %parallel_loop3A_829 = arith.constant 0 : i32
            %parallel_loop3A_830 = arith.constant 0 : i32
            %parallel_loop3A_831 = tpu.memref_slice %arg18[%scan3A_263, %parallel_loop3A_829, %parallel_loop3A_830] : memref<4x32x128xf32, #tpu.memory_space<vmem>> -> memref<1x32x128xf32, #tpu.memory_space<vmem>>
            %parallel_loop3A_832 = tpu.memref_squeeze %parallel_loop3A_831 : memref<1x32x128xf32, #tpu.memory_space<vmem>> -> memref<32x128xf32, #tpu.memory_space<vmem>>
            %parallel_loop3A_833 = arith.index_cast %parallel_loop3A_630 : i32 to index
            %parallel_loop3A_834 = arith.constant 64 : index
            %parallel_loop3A_835 = tpu.vector_load %parallel_loop3A_832[%parallel_loop3A_833, %parallel_loop3A_834] {strides = array<i32>} : memref<32x128xf32, #tpu.memory_space<vmem>>, vector<16xf32>,
            %parallel_loop3A_836 = arith.mulf %parallel_loop3A_835, %parallel_loop3A_825 : vector<16xf32>
            %parallel_loop3A_837 = arith.constant 0 : i32
            %parallel_loop3A_838 = arith.constant 0 : i32
            %parallel_loop3A_839 = tpu.memref_slice %arg18[%scan3A_264, %parallel_loop3A_837, %parallel_loop3A_838] : memref<4x32x128xf32, #tpu.memory_space<vmem>> -> memref<1x32x128xf32, #tpu.memory_space<vmem>>
            %parallel_loop3A_840 = tpu.memref_squeeze %parallel_loop3A_839 : memref<1x32x128xf32, #tpu.memory_space<vmem>> -> memref<32x128xf32, #tpu.memory_space<vmem>>
            %parallel_loop3A_841 = arith.index_cast %parallel_loop3A_630 : i32 to index
            %parallel_loop3A_842 = arith.constant 64 : index
            %parallel_loop3A_843 = tpu.vector_load %parallel_loop3A_840[%parallel_loop3A_841, %parallel_loop3A_842] {strides = array<i32>} : memref<32x128xf32, #tpu.memory_space<vmem>>, vector<16xf32>,
            %parallel_loop3A_844 = arith.subf %parallel_loop3A_836, %parallel_loop3A_843 : vector<16xf32>
            %parallel_loop3A_845 = arith.subf %parallel_loop3A_844, %parallel_loop3A_827 : vector<16xf32>
            %parallel_loop3A_846 = arith.constant 0 : i32
            %parallel_loop3A_847 = arith.constant 0 : i32
            %parallel_loop3A_848 = tpu.memref_slice %arg18[%scan3A_265, %parallel_loop3A_846, %parallel_loop3A_847] : memref<4x32x128xf32, #tpu.memory_space<vmem>> -> memref<1x32x128xf32, #tpu.memory_space<vmem>>
            %parallel_loop3A_849 = tpu.memref_squeeze %parallel_loop3A_848 : memref<1x32x128xf32, #tpu.memory_space<vmem>> -> memref<32x128xf32, #tpu.memory_space<vmem>>
            %parallel_loop3A_850 = arith.index_cast %parallel_loop3A_630 : i32 to index
            %parallel_loop3A_851 = arith.constant 64 : index
            %parallel_loop3A_852 = tpu.vector_load %parallel_loop3A_849[%parallel_loop3A_850, %parallel_loop3A_851] {strides = array<i32>} : memref<32x128xf32, #tpu.memory_space<vmem>>, vector<16xf32>,
            %parallel_loop3A_853 = arith.mulf %parallel_loop3A_852, %parallel_loop3A_825 : vector<16xf32>
            %parallel_loop3A_854 = arith.constant 0 : i32
            %parallel_loop3A_855 = arith.constant 0 : i32
            %parallel_loop3A_856 = tpu.memref_slice %arg18[%scan3A_266, %parallel_loop3A_854, %parallel_loop3A_855] : memref<4x32x128xf32, #tpu.memory_space<vmem>> -> memref<1x32x128xf32, #tpu.memory_space<vmem>>
            %parallel_loop3A_857 = tpu.memref_squeeze %parallel_loop3A_856 : memref<1x32x128xf32, #tpu.memory_space<vmem>> -> memref<32x128xf32, #tpu.memory_space<vmem>>
            %parallel_loop3A_858 = arith.index_cast %parallel_loop3A_630 : i32 to index
            %parallel_loop3A_859 = arith.constant 64 : index
            %parallel_loop3A_860 = tpu.vector_load %parallel_loop3A_857[%parallel_loop3A_858, %parallel_loop3A_859] {strides = array<i32>} : memref<32x128xf32, #tpu.memory_space<vmem>>, vector<16xf32>,
            %parallel_loop3A_861 = arith.subf %parallel_loop3A_853, %parallel_loop3A_860 : vector<16xf32>
            %parallel_loop3A_862 = arith.mulf %parallel_loop3A_845, %parallel_loop3A_845 : vector<16xf32>
            %parallel_loop3A_863 = arith.addf %parallel_loop3A_812, %parallel_loop3A_862 : vector<16xf32>
            %parallel_loop3A_864 = arith.mulf %parallel_loop3A_845, %parallel_loop3A_861 : vector<16xf32>
            %parallel_loop3A_865 = arith.addf %parallel_loop3A_814, %parallel_loop3A_864 : vector<16xf32>
            %parallel_loop3A_866 = arith.mulf %parallel_loop3A_861, %parallel_loop3A_861 : vector<16xf32>
            %parallel_loop3A_867 = arith.addf %parallel_loop3A_816, %parallel_loop3A_866 : vector<16xf32>
            %parallel_loop3A_868 = arith.constant 0 : i32
            %parallel_loop3A_869 = arith.constant 0 : i32
            %parallel_loop3A_870 = tpu.memref_slice %arg18[%scan3A_263, %parallel_loop3A_868, %parallel_loop3A_869] : memref<4x32x128xf32, #tpu.memory_space<vmem>> -> memref<1x32x128xf32, #tpu.memory_space<vmem>>
            %parallel_loop3A_871 = tpu.memref_squeeze %parallel_loop3A_870 : memref<1x32x128xf32, #tpu.memory_space<vmem>> -> memref<32x128xf32, #tpu.memory_space<vmem>>
            %parallel_loop3A_872 = arith.index_cast %parallel_loop3A_630 : i32 to index
            %parallel_loop3A_873 = arith.constant 80 : index
            %parallel_loop3A_874 = tpu.vector_load %parallel_loop3A_871[%parallel_loop3A_872, %parallel_loop3A_873] {strides = array<i32>} : memref<32x128xf32, #tpu.memory_space<vmem>>, vector<16xf32>,
            %parallel_loop3A_875 = arith.mulf %parallel_loop3A_874, %parallel_loop3A_826 : vector<16xf32>
            %parallel_loop3A_876 = arith.constant 0 : i32
            %parallel_loop3A_877 = arith.constant 0 : i32
            %parallel_loop3A_878 = tpu.memref_slice %arg18[%scan3A_264, %parallel_loop3A_876, %parallel_loop3A_877] : memref<4x32x128xf32, #tpu.memory_space<vmem>> -> memref<1x32x128xf32, #tpu.memory_space<vmem>>
            %parallel_loop3A_879 = tpu.memref_squeeze %parallel_loop3A_878 : memref<1x32x128xf32, #tpu.memory_space<vmem>> -> memref<32x128xf32, #tpu.memory_space<vmem>>
            %parallel_loop3A_880 = arith.index_cast %parallel_loop3A_630 : i32 to index
            %parallel_loop3A_881 = arith.constant 80 : index
            %parallel_loop3A_882 = tpu.vector_load %parallel_loop3A_879[%parallel_loop3A_880, %parallel_loop3A_881] {strides = array<i32>} : memref<32x128xf32, #tpu.memory_space<vmem>>, vector<16xf32>,
            %parallel_loop3A_883 = arith.subf %parallel_loop3A_875, %parallel_loop3A_882 : vector<16xf32>
            %parallel_loop3A_884 = arith.subf %parallel_loop3A_883, %parallel_loop3A_828 : vector<16xf32>
            %parallel_loop3A_885 = arith.constant 0 : i32
            %parallel_loop3A_886 = arith.constant 0 : i32
            %parallel_loop3A_887 = tpu.memref_slice %arg18[%scan3A_265, %parallel_loop3A_885, %parallel_loop3A_886] : memref<4x32x128xf32, #tpu.memory_space<vmem>> -> memref<1x32x128xf32, #tpu.memory_space<vmem>>
            %parallel_loop3A_888 = tpu.memref_squeeze %parallel_loop3A_887 : memref<1x32x128xf32, #tpu.memory_space<vmem>> -> memref<32x128xf32, #tpu.memory_space<vmem>>
            %parallel_loop3A_889 = arith.index_cast %parallel_loop3A_630 : i32 to index
            %parallel_loop3A_890 = arith.constant 80 : index
            %parallel_loop3A_891 = tpu.vector_load %parallel_loop3A_888[%parallel_loop3A_889, %parallel_loop3A_890] {strides = array<i32>} : memref<32x128xf32, #tpu.memory_space<vmem>>, vector<16xf32>,
            %parallel_loop3A_892 = arith.mulf %parallel_loop3A_891, %parallel_loop3A_826 : vector<16xf32>
            %parallel_loop3A_893 = arith.constant 0 : i32
            %parallel_loop3A_894 = arith.constant 0 : i32
            %parallel_loop3A_895 = tpu.memref_slice %arg18[%scan3A_266, %parallel_loop3A_893, %parallel_loop3A_894] : memref<4x32x128xf32, #tpu.memory_space<vmem>> -> memref<1x32x128xf32, #tpu.memory_space<vmem>>
            %parallel_loop3A_896 = tpu.memref_squeeze %parallel_loop3A_895 : memref<1x32x128xf32, #tpu.memory_space<vmem>> -> memref<32x128xf32, #tpu.memory_space<vmem>>
            %parallel_loop3A_897 = arith.index_cast %parallel_loop3A_630 : i32 to index
            %parallel_loop3A_898 = arith.constant 80 : index
            %parallel_loop3A_899 = tpu.vector_load %parallel_loop3A_896[%parallel_loop3A_897, %parallel_loop3A_898] {strides = array<i32>} : memref<32x128xf32, #tpu.memory_space<vmem>>, vector<16xf32>,
            %parallel_loop3A_900 = arith.subf %parallel_loop3A_892, %parallel_loop3A_899 : vector<16xf32>
            %parallel_loop3A_901 = arith.mulf %parallel_loop3A_884, %parallel_loop3A_884 : vector<16xf32>
            %parallel_loop3A_902 = arith.addf %parallel_loop3A_863, %parallel_loop3A_901 : vector<16xf32>
            %parallel_loop3A_903 = arith.mulf %parallel_loop3A_884, %parallel_loop3A_900 : vector<16xf32>
            %parallel_loop3A_904 = arith.addf %parallel_loop3A_865, %parallel_loop3A_903 : vector<16xf32>
            %parallel_loop3A_905 = arith.mulf %parallel_loop3A_900, %parallel_loop3A_900 : vector<16xf32>
            %parallel_loop3A_906 = arith.addf %parallel_loop3A_867, %parallel_loop3A_905 : vector<16xf32>
            %parallel_loop3A_907 = arith.index_cast %parallel_loop3A_630 : i32 to index
            %parallel_loop3A_908 = arith.constant 48 : index
            %parallel_loop3A_909 = tpu.vector_load %arg20[%parallel_loop3A_907, %parallel_loop3A_908] {strides = array<i32>} : memref<32x128xi32, #tpu.memory_space<vmem>>, vector<16xi32>,
            %parallel_loop3A_910 = vector.bitcast %parallel_loop3A_909 : vector<16xi32> to vector<32xbf16>
            %parallel_loop3A_911 = arith.index_cast %parallel_loop3A_630 : i32 to index
            %parallel_loop3A_912 = arith.constant 112 : index
            %parallel_loop3A_913 = tpu.vector_load %arg20[%parallel_loop3A_911, %parallel_loop3A_912] {strides = array<i32>} : memref<32x128xi32, #tpu.memory_space<vmem>>, vector<16xi32>,
            %parallel_loop3A_914 = vector.bitcast %parallel_loop3A_913 : vector<16xi32> to vector<32xbf16>
            %parallel_loop3A_915 = tpu.unpack_subelements %parallel_loop3A_910, 0 {pack_format = #tpu.pack_format<interleaved>} : vector<32xbf16> -> vector<16xf32>
            %parallel_loop3A_916 = tpu.unpack_subelements %parallel_loop3A_910, 1 {pack_format = #tpu.pack_format<interleaved>} : vector<32xbf16> -> vector<16xf32>
            %parallel_loop3A_917 = tpu.unpack_subelements %parallel_loop3A_914, 0 {pack_format = #tpu.pack_format<interleaved>} : vector<32xbf16> -> vector<16xf32>
            %parallel_loop3A_918 = tpu.unpack_subelements %parallel_loop3A_914, 1 {pack_format = #tpu.pack_format<interleaved>} : vector<32xbf16> -> vector<16xf32>
            %parallel_loop3A_919 = arith.constant 0 : i32
            %parallel_loop3A_920 = arith.constant 0 : i32
            %parallel_loop3A_921 = tpu.memref_slice %arg18[%scan3A_263, %parallel_loop3A_919, %parallel_loop3A_920] : memref<4x32x128xf32, #tpu.memory_space<vmem>> -> memref<1x32x128xf32, #tpu.memory_space<vmem>>
            %parallel_loop3A_922 = tpu.memref_squeeze %parallel_loop3A_921 : memref<1x32x128xf32, #tpu.memory_space<vmem>> -> memref<32x128xf32, #tpu.memory_space<vmem>>
            %parallel_loop3A_923 = arith.index_cast %parallel_loop3A_630 : i32 to index
            %parallel_loop3A_924 = arith.constant 96 : index
            %parallel_loop3A_925 = tpu.vector_load %parallel_loop3A_922[%parallel_loop3A_923, %parallel_loop3A_924] {strides = array<i32>} : memref<32x128xf32, #tpu.memory_space<vmem>>, vector<16xf32>,
            %parallel_loop3A_926 = arith.mulf %parallel_loop3A_925, %parallel_loop3A_915 : vector<16xf32>
            %parallel_loop3A_927 = arith.constant 0 : i32
            %parallel_loop3A_928 = arith.constant 0 : i32
            %parallel_loop3A_929 = tpu.memref_slice %arg18[%scan3A_264, %parallel_loop3A_927, %parallel_loop3A_928] : memref<4x32x128xf32, #tpu.memory_space<vmem>> -> memref<1x32x128xf32, #tpu.memory_space<vmem>>
            %parallel_loop3A_930 = tpu.memref_squeeze %parallel_loop3A_929 : memref<1x32x128xf32, #tpu.memory_space<vmem>> -> memref<32x128xf32, #tpu.memory_space<vmem>>
            %parallel_loop3A_931 = arith.index_cast %parallel_loop3A_630 : i32 to index
            %parallel_loop3A_932 = arith.constant 96 : index
            %parallel_loop3A_933 = tpu.vector_load %parallel_loop3A_930[%parallel_loop3A_931, %parallel_loop3A_932] {strides = array<i32>} : memref<32x128xf32, #tpu.memory_space<vmem>>, vector<16xf32>,
            %parallel_loop3A_934 = arith.subf %parallel_loop3A_926, %parallel_loop3A_933 : vector<16xf32>
            %parallel_loop3A_935 = arith.subf %parallel_loop3A_934, %parallel_loop3A_917 : vector<16xf32>
            %parallel_loop3A_936 = arith.constant 0 : i32
            %parallel_loop3A_937 = arith.constant 0 : i32
            %parallel_loop3A_938 = tpu.memref_slice %arg18[%scan3A_265, %parallel_loop3A_936, %parallel_loop3A_937] : memref<4x32x128xf32, #tpu.memory_space<vmem>> -> memref<1x32x128xf32, #tpu.memory_space<vmem>>
            %parallel_loop3A_939 = tpu.memref_squeeze %parallel_loop3A_938 : memref<1x32x128xf32, #tpu.memory_space<vmem>> -> memref<32x128xf32, #tpu.memory_space<vmem>>
            %parallel_loop3A_940 = arith.index_cast %parallel_loop3A_630 : i32 to index
            %parallel_loop3A_941 = arith.constant 96 : index
            %parallel_loop3A_942 = tpu.vector_load %parallel_loop3A_939[%parallel_loop3A_940, %parallel_loop3A_941] {strides = array<i32>} : memref<32x128xf32, #tpu.memory_space<vmem>>, vector<16xf32>,
            %parallel_loop3A_943 = arith.mulf %parallel_loop3A_942, %parallel_loop3A_915 : vector<16xf32>
            %parallel_loop3A_944 = arith.constant 0 : i32
            %parallel_loop3A_945 = arith.constant 0 : i32
            %parallel_loop3A_946 = tpu.memref_slice %arg18[%scan3A_266, %parallel_loop3A_944, %parallel_loop3A_945] : memref<4x32x128xf32, #tpu.memory_space<vmem>> -> memref<1x32x128xf32, #tpu.memory_space<vmem>>
            %parallel_loop3A_947 = tpu.memref_squeeze %parallel_loop3A_946 : memref<1x32x128xf32, #tpu.memory_space<vmem>> -> memref<32x128xf32, #tpu.memory_space<vmem>>
            %parallel_loop3A_948 = arith.index_cast %parallel_loop3A_630 : i32 to index
            %parallel_loop3A_949 = arith.constant 96 : index
            %parallel_loop3A_950 = tpu.vector_load %parallel_loop3A_947[%parallel_loop3A_948, %parallel_loop3A_949] {strides = array<i32>} : memref<32x128xf32, #tpu.memory_space<vmem>>, vector<16xf32>,
            %parallel_loop3A_951 = arith.subf %parallel_loop3A_943, %parallel_loop3A_950 : vector<16xf32>
            %parallel_loop3A_952 = arith.mulf %parallel_loop3A_935, %parallel_loop3A_935 : vector<16xf32>
            %parallel_loop3A_953 = arith.addf %parallel_loop3A_902, %parallel_loop3A_952 : vector<16xf32>
            %parallel_loop3A_954 = arith.mulf %parallel_loop3A_935, %parallel_loop3A_951 : vector<16xf32>
            %parallel_loop3A_955 = arith.addf %parallel_loop3A_904, %parallel_loop3A_954 : vector<16xf32>
            %parallel_loop3A_956 = arith.mulf %parallel_loop3A_951, %parallel_loop3A_951 : vector<16xf32>
            %parallel_loop3A_957 = arith.addf %parallel_loop3A_906, %parallel_loop3A_956 : vector<16xf32>
            %parallel_loop3A_958 = arith.constant 0 : i32
            %parallel_loop3A_959 = arith.constant 0 : i32
            %parallel_loop3A_960 = tpu.memref_slice %arg18[%scan3A_263, %parallel_loop3A_958, %parallel_loop3A_959] : memref<4x32x128xf32, #tpu.memory_space<vmem>> -> memref<1x32x128xf32, #tpu.memory_space<vmem>>
            %parallel_loop3A_961 = tpu.memref_squeeze %parallel_loop3A_960 : memref<1x32x128xf32, #tpu.memory_space<vmem>> -> memref<32x128xf32, #tpu.memory_space<vmem>>
            %parallel_loop3A_962 = arith.index_cast %parallel_loop3A_630 : i32 to index
            %parallel_loop3A_963 = arith.constant 112 : index
            %parallel_loop3A_964 = tpu.vector_load %parallel_loop3A_961[%parallel_loop3A_962, %parallel_loop3A_963] {strides = array<i32>} : memref<32x128xf32, #tpu.memory_space<vmem>>, vector<16xf32>,
            %parallel_loop3A_965 = arith.mulf %parallel_loop3A_964, %parallel_loop3A_916 : vector<16xf32>
            %parallel_loop3A_966 = arith.constant 0 : i32
            %parallel_loop3A_967 = arith.constant 0 : i32
            %parallel_loop3A_968 = tpu.memref_slice %arg18[%scan3A_264, %parallel_loop3A_966, %parallel_loop3A_967] : memref<4x32x128xf32, #tpu.memory_space<vmem>> -> memref<1x32x128xf32, #tpu.memory_space<vmem>>
            %parallel_loop3A_969 = tpu.memref_squeeze %parallel_loop3A_968 : memref<1x32x128xf32, #tpu.memory_space<vmem>> -> memref<32x128xf32, #tpu.memory_space<vmem>>
            %parallel_loop3A_970 = arith.index_cast %parallel_loop3A_630 : i32 to index
            %parallel_loop3A_971 = arith.constant 112 : index
            %parallel_loop3A_972 = tpu.vector_load %parallel_loop3A_969[%parallel_loop3A_970, %parallel_loop3A_971] {strides = array<i32>} : memref<32x128xf32, #tpu.memory_space<vmem>>, vector<16xf32>,
            %parallel_loop3A_973 = arith.subf %parallel_loop3A_965, %parallel_loop3A_972 : vector<16xf32>
            %parallel_loop3A_974 = arith.subf %parallel_loop3A_973, %parallel_loop3A_918 : vector<16xf32>
            %parallel_loop3A_975 = arith.constant 0 : i32
            %parallel_loop3A_976 = arith.constant 0 : i32
            %parallel_loop3A_977 = tpu.memref_slice %arg18[%scan3A_265, %parallel_loop3A_975, %parallel_loop3A_976] : memref<4x32x128xf32, #tpu.memory_space<vmem>> -> memref<1x32x128xf32, #tpu.memory_space<vmem>>
            %parallel_loop3A_978 = tpu.memref_squeeze %parallel_loop3A_977 : memref<1x32x128xf32, #tpu.memory_space<vmem>> -> memref<32x128xf32, #tpu.memory_space<vmem>>
            %parallel_loop3A_979 = arith.index_cast %parallel_loop3A_630 : i32 to index
            %parallel_loop3A_980 = arith.constant 112 : index
            %parallel_loop3A_981 = tpu.vector_load %parallel_loop3A_978[%parallel_loop3A_979, %parallel_loop3A_980] {strides = array<i32>} : memref<32x128xf32, #tpu.memory_space<vmem>>, vector<16xf32>,
            %parallel_loop3A_982 = arith.mulf %parallel_loop3A_981, %parallel_loop3A_916 : vector<16xf32>
            %parallel_loop3A_983 = arith.constant 0 : i32
            %parallel_loop3A_984 = arith.constant 0 : i32
            %parallel_loop3A_985 = tpu.memref_slice %arg18[%scan3A_266, %parallel_loop3A_983, %parallel_loop3A_984] : memref<4x32x128xf32, #tpu.memory_space<vmem>> -> memref<1x32x128xf32, #tpu.memory_space<vmem>>
            %parallel_loop3A_986 = tpu.memref_squeeze %parallel_loop3A_985 : memref<1x32x128xf32, #tpu.memory_space<vmem>> -> memref<32x128xf32, #tpu.memory_space<vmem>>
            %parallel_loop3A_987 = arith.index_cast %parallel_loop3A_630 : i32 to index
            %parallel_loop3A_988 = arith.constant 112 : index
            %parallel_loop3A_989 = tpu.vector_load %parallel_loop3A_986[%parallel_loop3A_987, %parallel_loop3A_988] {strides = array<i32>} : memref<32x128xf32, #tpu.memory_space<vmem>>, vector<16xf32>,
            %parallel_loop3A_990 = arith.subf %parallel_loop3A_982, %parallel_loop3A_989 : vector<16xf32>
            %parallel_loop3A_991 = arith.mulf %parallel_loop3A_974, %parallel_loop3A_974 : vector<16xf32>
            %parallel_loop3A_992 = arith.addf %parallel_loop3A_953, %parallel_loop3A_991 : vector<16xf32>
            %parallel_loop3A_993 = arith.mulf %parallel_loop3A_974, %parallel_loop3A_990 : vector<16xf32>
            %parallel_loop3A_994 = arith.addf %parallel_loop3A_955, %parallel_loop3A_993 : vector<16xf32>
            %parallel_loop3A_995 = arith.mulf %parallel_loop3A_990, %parallel_loop3A_990 : vector<16xf32>
            %parallel_loop3A_996 = arith.addf %parallel_loop3A_957, %parallel_loop3A_995 : vector<16xf32>
            %parallel_loop3A_997 = arith.index_cast %parallel_loop3A_627 : i32 to index
            %parallel_loop3A_998 = arith.constant 0 : index
            %parallel_loop3A_999 = tpu.vector_load %arg17[%parallel_loop3A_997, %parallel_loop3A_998] {strides = array<i32>} : memref<48x17xf32, #tpu.memory_space<vmem>>, vector<16xf32>,
            tpu.vector_store %arg17[%parallel_loop3A_997, %parallel_loop3A_998], %parallel_loop3A_992 {strides = array<i32>} : memref<48x17xf32, #tpu.memory_space<vmem>>, vector<16xf32>,
            %parallel_loop3A_1000 = arith.constant 16 : i32
            %parallel_loop3A_1001 = arith.addi %parallel_loop3A_627, %parallel_loop3A_1000 : i32
            %parallel_loop3A_1002 = arith.index_cast %parallel_loop3A_1001 : i32 to index
            %parallel_loop3A_1003 = arith.constant 0 : index
            %parallel_loop3A_1004 = tpu.vector_load %arg17[%parallel_loop3A_1002, %parallel_loop3A_1003] {strides = array<i32>} : memref<48x17xf32, #tpu.memory_space<vmem>>, vector<16xf32>,
            tpu.vector_store %arg17[%parallel_loop3A_1002, %parallel_loop3A_1003], %parallel_loop3A_994 {strides = array<i32>} : memref<48x17xf32, #tpu.memory_space<vmem>>, vector<16xf32>,
            %parallel_loop3A_1005 = arith.constant 32 : i32
            %parallel_loop3A_1006 = arith.addi %parallel_loop3A_627, %parallel_loop3A_1005 : i32
            %parallel_loop3A_1007 = arith.index_cast %parallel_loop3A_1006 : i32 to index
            %parallel_loop3A_1008 = arith.constant 0 : index
            %parallel_loop3A_1009 = tpu.vector_load %arg17[%parallel_loop3A_1007, %parallel_loop3A_1008] {strides = array<i32>} : memref<48x17xf32, #tpu.memory_space<vmem>>, vector<16xf32>,
            tpu.vector_store %arg17[%parallel_loop3A_1007, %parallel_loop3A_1008], %parallel_loop3A_996 {strides = array<i32>} : memref<48x17xf32, #tpu.memory_space<vmem>>, vector<16xf32>,
          } {sc.loop_unroll_factor = 2 : i64, sc.parallel_access}
          %broadcast_in_dim3A = arith.constant 0.000000e+00 : f32
          %broadcast_in_dim3A_377 = vector.broadcast %broadcast_in_dim3A : f32 to vector<16xf32>
          %broadcast_in_dim3A_378 = arith.constant 0.000000e+00 : f32
          %broadcast_in_dim3A_379 = vector.broadcast %broadcast_in_dim3A_378 : f32 to vector<16xf32>
          %broadcast_in_dim3A_380 = arith.constant 0.000000e+00 : f32
          %broadcast_in_dim3A_381 = vector.broadcast %broadcast_in_dim3A_380 : f32 to vector<16xf32>
          %broadcast_in_dim3A_382 = arith.constant 0 : i32
          %broadcast_in_dim3A_383 = vector.broadcast %broadcast_in_dim3A_382 : i32 to vector<16xi32>
          %gather3A = tpu.vector_load_idx %arg17[%iota3A, %broadcast_in_dim3A_383] : memref<48x17xf32, #tpu.memory_space<vmem>>[vector<16xi32>, vector<16xi32>], vector<16xf32>,
          %add3A_384 = arith.addf %broadcast_in_dim3A_377, %gather3A : vector<16xf32>
          %add3A_385 = arith.constant 16 : i32
          %add3A_386 = vector.broadcast %add3A_385 : i32 to vector<16xi32>
          %add3A_387 = arith.addi %iota3A, %add3A_386 : vector<16xi32>
          %gather3A_388 = tpu.vector_load_idx %arg17[%add3A_387, %broadcast_in_dim3A_383] : memref<48x17xf32, #tpu.memory_space<vmem>>[vector<16xi32>, vector<16xi32>], vector<16xf32>,
          %add3A_389 = arith.addf %broadcast_in_dim3A_379, %gather3A_388 : vector<16xf32>
          %add3A_390 = arith.constant 32 : i32
          %add3A_391 = vector.broadcast %add3A_390 : i32 to vector<16xi32>
          %add3A_392 = arith.addi %iota3A, %add3A_391 : vector<16xi32>
          %gather3A_393 = tpu.vector_load_idx %arg17[%add3A_392, %broadcast_in_dim3A_383] : memref<48x17xf32, #tpu.memory_space<vmem>>[vector<16xi32>, vector<16xi32>], vector<16xf32>,
          %add3A_394 = arith.addf %broadcast_in_dim3A_381, %gather3A_393 : vector<16xf32>
          %broadcast_in_dim3A_395 = arith.constant 1 : i32
          %broadcast_in_dim3A_396 = vector.broadcast %broadcast_in_dim3A_395 : i32 to vector<16xi32>
          %gather3A_397 = tpu.vector_load_idx %arg17[%iota3A, %broadcast_in_dim3A_396] : memref<48x17xf32, #tpu.memory_space<vmem>>[vector<16xi32>, vector<16xi32>], vector<16xf32>,
          %add3A_398 = arith.addf %add3A_384, %gather3A_397 : vector<16xf32>
          %add3A_399 = arith.constant 16 : i32
          %add3A_400 = vector.broadcast %add3A_399 : i32 to vector<16xi32>
          %add3A_401 = arith.addi %iota3A, %add3A_400 : vector<16xi32>
          %gather3A_402 = tpu.vector_load_idx %arg17[%add3A_401, %broadcast_in_dim3A_396] : memref<48x17xf32, #tpu.memory_space<vmem>>[vector<16xi32>, vector<16xi32>], vector<16xf32>,
          %add3A_403 = arith.addf %add3A_389, %gather3A_402 : vector<16xf32>
          %add3A_404 = arith.constant 32 : i32
          %add3A_405 = vector.broadcast %add3A_404 : i32 to vector<16xi32>
          %add3A_406 = arith.addi %iota3A, %add3A_405 : vector<16xi32>
          %gather3A_407 = tpu.vector_load_idx %arg17[%add3A_406, %broadcast_in_dim3A_396] : memref<48x17xf32, #tpu.memory_space<vmem>>[vector<16xi32>, vector<16xi32>], vector<16xf32>,
          %add3A_408 = arith.addf %add3A_394, %gather3A_407 : vector<16xf32>
          %broadcast_in_dim3A_409 = arith.constant 2 : i32
          %broadcast_in_dim3A_410 = vector.broadcast %broadcast_in_dim3A_409 : i32 to vector<16xi32>
          %gather3A_411 = tpu.vector_load_idx %arg17[%iota3A, %broadcast_in_dim3A_410] : memref<48x17xf32, #tpu.memory_space<vmem>>[vector<16xi32>, vector<16xi32>], vector<16xf32>,
          %add3A_412 = arith.addf %add3A_398, %gather3A_411 : vector<16xf32>
          %add3A_413 = arith.constant 16 : i32
          %add3A_414 = vector.broadcast %add3A_413 : i32 to vector<16xi32>
          %add3A_415 = arith.addi %iota3A, %add3A_414 : vector<16xi32>
          %gather3A_416 = tpu.vector_load_idx %arg17[%add3A_415, %broadcast_in_dim3A_410] : memref<48x17xf32, #tpu.memory_space<vmem>>[vector<16xi32>, vector<16xi32>], vector<16xf32>,
          %add3A_417 = arith.addf %add3A_403, %gather3A_416 : vector<16xf32>
          %add3A_418 = arith.constant 32 : i32
          %add3A_419 = vector.broadcast %add3A_418 : i32 to vector<16xi32>
          %add3A_420 = arith.addi %iota3A, %add3A_419 : vector<16xi32>
          %gather3A_421 = tpu.vector_load_idx %arg17[%add3A_420, %broadcast_in_dim3A_410] : memref<48x17xf32, #tpu.memory_space<vmem>>[vector<16xi32>, vector<16xi32>], vector<16xf32>,
          %add3A_422 = arith.addf %add3A_408, %gather3A_421 : vector<16xf32>
          %broadcast_in_dim3A_423 = arith.constant 3 : i32
          %broadcast_in_dim3A_424 = vector.broadcast %broadcast_in_dim3A_423 : i32 to vector<16xi32>
          %gather3A_425 = tpu.vector_load_idx %arg17[%iota3A, %broadcast_in_dim3A_424] : memref<48x17xf32, #tpu.memory_space<vmem>>[vector<16xi32>, vector<16xi32>], vector<16xf32>,
          %add3A_426 = arith.addf %add3A_412, %gather3A_425 : vector<16xf32>
          %add3A_427 = arith.constant 16 : i32
          %add3A_428 = vector.broadcast %add3A_427 : i32 to vector<16xi32>
          %add3A_429 = arith.addi %iota3A, %add3A_428 : vector<16xi32>
          %gather3A_430 = tpu.vector_load_idx %arg17[%add3A_429, %broadcast_in_dim3A_424] : memref<48x17xf32, #tpu.memory_space<vmem>>[vector<16xi32>, vector<16xi32>], vector<16xf32>,
          %add3A_431 = arith.addf %add3A_417, %gather3A_430 : vector<16xf32>
          %add3A_432 = arith.constant 32 : i32
          %add3A_433 = vector.broadcast %add3A_432 : i32 to vector<16xi32>
          %add3A_434 = arith.addi %iota3A, %add3A_433 : vector<16xi32>
          %gather3A_435 = tpu.vector_load_idx %arg17[%add3A_434, %broadcast_in_dim3A_424] : memref<48x17xf32, #tpu.memory_space<vmem>>[vector<16xi32>, vector<16xi32>], vector<16xf32>,
          %add3A_436 = arith.addf %add3A_422, %gather3A_435 : vector<16xf32>
          %broadcast_in_dim3A_437 = arith.constant 4 : i32
          %broadcast_in_dim3A_438 = vector.broadcast %broadcast_in_dim3A_437 : i32 to vector<16xi32>
          %gather3A_439 = tpu.vector_load_idx %arg17[%iota3A, %broadcast_in_dim3A_438] : memref<48x17xf32, #tpu.memory_space<vmem>>[vector<16xi32>, vector<16xi32>], vector<16xf32>,
          %add3A_440 = arith.addf %add3A_426, %gather3A_439 : vector<16xf32>
          %add3A_441 = arith.constant 16 : i32
          %add3A_442 = vector.broadcast %add3A_441 : i32 to vector<16xi32>
          %add3A_443 = arith.addi %iota3A, %add3A_442 : vector<16xi32>
          %gather3A_444 = tpu.vector_load_idx %arg17[%add3A_443, %broadcast_in_dim3A_438] : memref<48x17xf32, #tpu.memory_space<vmem>>[vector<16xi32>, vector<16xi32>], vector<16xf32>,
          %add3A_445 = arith.addf %add3A_431, %gather3A_444 : vector<16xf32>
          %add3A_446 = arith.constant 32 : i32
          %add3A_447 = vector.broadcast %add3A_446 : i32 to vector<16xi32>
          %add3A_448 = arith.addi %iota3A, %add3A_447 : vector<16xi32>
          %gather3A_449 = tpu.vector_load_idx %arg17[%add3A_448, %broadcast_in_dim3A_438] : memref<48x17xf32, #tpu.memory_space<vmem>>[vector<16xi32>, vector<16xi32>], vector<16xf32>,
          %add3A_450 = arith.addf %add3A_436, %gather3A_449 : vector<16xf32>
          %broadcast_in_dim3A_451 = arith.constant 5 : i32
          %broadcast_in_dim3A_452 = vector.broadcast %broadcast_in_dim3A_451 : i32 to vector<16xi32>
          %gather3A_453 = tpu.vector_load_idx %arg17[%iota3A, %broadcast_in_dim3A_452] : memref<48x17xf32, #tpu.memory_space<vmem>>[vector<16xi32>, vector<16xi32>], vector<16xf32>,
          %add3A_454 = arith.addf %add3A_440, %gather3A_453 : vector<16xf32>
          %add3A_455 = arith.constant 16 : i32
          %add3A_456 = vector.broadcast %add3A_455 : i32 to vector<16xi32>
          %add3A_457 = arith.addi %iota3A, %add3A_456 : vector<16xi32>
          %gather3A_458 = tpu.vector_load_idx %arg17[%add3A_457, %broadcast_in_dim3A_452] : memref<48x17xf32, #tpu.memory_space<vmem>>[vector<16xi32>, vector<16xi32>], vector<16xf32>,
          %add3A_459 = arith.addf %add3A_445, %gather3A_458 : vector<16xf32>
          %add3A_460 = arith.constant 32 : i32
          %add3A_461 = vector.broadcast %add3A_460 : i32 to vector<16xi32>
          %add3A_462 = arith.addi %iota3A, %add3A_461 : vector<16xi32>
          %gather3A_463 = tpu.vector_load_idx %arg17[%add3A_462, %broadcast_in_dim3A_452] : memref<48x17xf32, #tpu.memory_space<vmem>>[vector<16xi32>, vector<16xi32>], vector<16xf32>,
          %add3A_464 = arith.addf %add3A_450, %gather3A_463 : vector<16xf32>
          %broadcast_in_dim3A_465 = arith.constant 6 : i32
          %broadcast_in_dim3A_466 = vector.broadcast %broadcast_in_dim3A_465 : i32 to vector<16xi32>
          %gather3A_467 = tpu.vector_load_idx %arg17[%iota3A, %broadcast_in_dim3A_466] : memref<48x17xf32, #tpu.memory_space<vmem>>[vector<16xi32>, vector<16xi32>], vector<16xf32>,
          %add3A_468 = arith.addf %add3A_454, %gather3A_467 : vector<16xf32>
          %add3A_469 = arith.constant 16 : i32
          %add3A_470 = vector.broadcast %add3A_469 : i32 to vector<16xi32>
          %add3A_471 = arith.addi %iota3A, %add3A_470 : vector<16xi32>
          %gather3A_472 = tpu.vector_load_idx %arg17[%add3A_471, %broadcast_in_dim3A_466] : memref<48x17xf32, #tpu.memory_space<vmem>>[vector<16xi32>, vector<16xi32>], vector<16xf32>,
          %add3A_473 = arith.addf %add3A_459, %gather3A_472 : vector<16xf32>
          %add3A_474 = arith.constant 32 : i32
          %add3A_475 = vector.broadcast %add3A_474 : i32 to vector<16xi32>
          %add3A_476 = arith.addi %iota3A, %add3A_475 : vector<16xi32>
          %gather3A_477 = tpu.vector_load_idx %arg17[%add3A_476, %broadcast_in_dim3A_466] : memref<48x17xf32, #tpu.memory_space<vmem>>[vector<16xi32>, vector<16xi32>], vector<16xf32>,
          %add3A_478 = arith.addf %add3A_464, %gather3A_477 : vector<16xf32>
          %broadcast_in_dim3A_479 = arith.constant 7 : i32
          %broadcast_in_dim3A_480 = vector.broadcast %broadcast_in_dim3A_479 : i32 to vector<16xi32>
          %gather3A_481 = tpu.vector_load_idx %arg17[%iota3A, %broadcast_in_dim3A_480] : memref<48x17xf32, #tpu.memory_space<vmem>>[vector<16xi32>, vector<16xi32>], vector<16xf32>,
          %add3A_482 = arith.addf %add3A_468, %gather3A_481 : vector<16xf32>
          %add3A_483 = arith.constant 16 : i32
          %add3A_484 = vector.broadcast %add3A_483 : i32 to vector<16xi32>
          %add3A_485 = arith.addi %iota3A, %add3A_484 : vector<16xi32>
          %gather3A_486 = tpu.vector_load_idx %arg17[%add3A_485, %broadcast_in_dim3A_480] : memref<48x17xf32, #tpu.memory_space<vmem>>[vector<16xi32>, vector<16xi32>], vector<16xf32>,
          %add3A_487 = arith.addf %add3A_473, %gather3A_486 : vector<16xf32>
          %add3A_488 = arith.constant 32 : i32
          %add3A_489 = vector.broadcast %add3A_488 : i32 to vector<16xi32>
          %add3A_490 = arith.addi %iota3A, %add3A_489 : vector<16xi32>
          %gather3A_491 = tpu.vector_load_idx %arg17[%add3A_490, %broadcast_in_dim3A_480] : memref<48x17xf32, #tpu.memory_space<vmem>>[vector<16xi32>, vector<16xi32>], vector<16xf32>,
          %add3A_492 = arith.addf %add3A_478, %gather3A_491 : vector<16xf32>
          %broadcast_in_dim3A_493 = arith.constant 8 : i32
          %broadcast_in_dim3A_494 = vector.broadcast %broadcast_in_dim3A_493 : i32 to vector<16xi32>
          %gather3A_495 = tpu.vector_load_idx %arg17[%iota3A, %broadcast_in_dim3A_494] : memref<48x17xf32, #tpu.memory_space<vmem>>[vector<16xi32>, vector<16xi32>], vector<16xf32>,
          %add3A_496 = arith.addf %add3A_482, %gather3A_495 : vector<16xf32>
          %add3A_497 = arith.constant 16 : i32
          %add3A_498 = vector.broadcast %add3A_497 : i32 to vector<16xi32>
          %add3A_499 = arith.addi %iota3A, %add3A_498 : vector<16xi32>
          %gather3A_500 = tpu.vector_load_idx %arg17[%add3A_499, %broadcast_in_dim3A_494] : memref<48x17xf32, #tpu.memory_space<vmem>>[vector<16xi32>, vector<16xi32>], vector<16xf32>,
          %add3A_501 = arith.addf %add3A_487, %gather3A_500 : vector<16xf32>
          %add3A_502 = arith.constant 32 : i32
          %add3A_503 = vector.broadcast %add3A_502 : i32 to vector<16xi32>
          %add3A_504 = arith.addi %iota3A, %add3A_503 : vector<16xi32>
          %gather3A_505 = tpu.vector_load_idx %arg17[%add3A_504, %broadcast_in_dim3A_494] : memref<48x17xf32, #tpu.memory_space<vmem>>[vector<16xi32>, vector<16xi32>], vector<16xf32>,
          %add3A_506 = arith.addf %add3A_492, %gather3A_505 : vector<16xf32>
          %broadcast_in_dim3A_507 = arith.constant 9 : i32
          %broadcast_in_dim3A_508 = vector.broadcast %broadcast_in_dim3A_507 : i32 to vector<16xi32>
          %gather3A_509 = tpu.vector_load_idx %arg17[%iota3A, %broadcast_in_dim3A_508] : memref<48x17xf32, #tpu.memory_space<vmem>>[vector<16xi32>, vector<16xi32>], vector<16xf32>,
          %add3A_510 = arith.addf %add3A_496, %gather3A_509 : vector<16xf32>
          %add3A_511 = arith.constant 16 : i32
          %add3A_512 = vector.broadcast %add3A_511 : i32 to vector<16xi32>
          %add3A_513 = arith.addi %iota3A, %add3A_512 : vector<16xi32>
          %gather3A_514 = tpu.vector_load_idx %arg17[%add3A_513, %broadcast_in_dim3A_508] : memref<48x17xf32, #tpu.memory_space<vmem>>[vector<16xi32>, vector<16xi32>], vector<16xf32>,
          %add3A_515 = arith.addf %add3A_501, %gather3A_514 : vector<16xf32>
          %add3A_516 = arith.constant 32 : i32
          %add3A_517 = vector.broadcast %add3A_516 : i32 to vector<16xi32>
          %add3A_518 = arith.addi %iota3A, %add3A_517 : vector<16xi32>
          %gather3A_519 = tpu.vector_load_idx %arg17[%add3A_518, %broadcast_in_dim3A_508] : memref<48x17xf32, #tpu.memory_space<vmem>>[vector<16xi32>, vector<16xi32>], vector<16xf32>,
          %add3A_520 = arith.addf %add3A_506, %gather3A_519 : vector<16xf32>
          %broadcast_in_dim3A_521 = arith.constant 10 : i32
          %broadcast_in_dim3A_522 = vector.broadcast %broadcast_in_dim3A_521 : i32 to vector<16xi32>
          %gather3A_523 = tpu.vector_load_idx %arg17[%iota3A, %broadcast_in_dim3A_522] : memref<48x17xf32, #tpu.memory_space<vmem>>[vector<16xi32>, vector<16xi32>], vector<16xf32>,
          %add3A_524 = arith.addf %add3A_510, %gather3A_523 : vector<16xf32>
          %add3A_525 = arith.constant 16 : i32
          %add3A_526 = vector.broadcast %add3A_525 : i32 to vector<16xi32>
          %add3A_527 = arith.addi %iota3A, %add3A_526 : vector<16xi32>
          %gather3A_528 = tpu.vector_load_idx %arg17[%add3A_527, %broadcast_in_dim3A_522] : memref<48x17xf32, #tpu.memory_space<vmem>>[vector<16xi32>, vector<16xi32>], vector<16xf32>,
          %add3A_529 = arith.addf %add3A_515, %gather3A_528 : vector<16xf32>
          %add3A_530 = arith.constant 32 : i32
          %add3A_531 = vector.broadcast %add3A_530 : i32 to vector<16xi32>
          %add3A_532 = arith.addi %iota3A, %add3A_531 : vector<16xi32>
          %gather3A_533 = tpu.vector_load_idx %arg17[%add3A_532, %broadcast_in_dim3A_522] : memref<48x17xf32, #tpu.memory_space<vmem>>[vector<16xi32>, vector<16xi32>], vector<16xf32>,
          %add3A_534 = arith.addf %add3A_520, %gather3A_533 : vector<16xf32>
          %broadcast_in_dim3A_535 = arith.constant 11 : i32
          %broadcast_in_dim3A_536 = vector.broadcast %broadcast_in_dim3A_535 : i32 to vector<16xi32>
          %gather3A_537 = tpu.vector_load_idx %arg17[%iota3A, %broadcast_in_dim3A_536] : memref<48x17xf32, #tpu.memory_space<vmem>>[vector<16xi32>, vector<16xi32>], vector<16xf32>,
          %add3A_538 = arith.addf %add3A_524, %gather3A_537 : vector<16xf32>
          %add3A_539 = arith.constant 16 : i32
          %add3A_540 = vector.broadcast %add3A_539 : i32 to vector<16xi32>
          %add3A_541 = arith.addi %iota3A, %add3A_540 : vector<16xi32>
          %gather3A_542 = tpu.vector_load_idx %arg17[%add3A_541, %broadcast_in_dim3A_536] : memref<48x17xf32, #tpu.memory_space<vmem>>[vector<16xi32>, vector<16xi32>], vector<16xf32>,
          %add3A_543 = arith.addf %add3A_529, %gather3A_542 : vector<16xf32>
          %add3A_544 = arith.constant 32 : i32
          %add3A_545 = vector.broadcast %add3A_544 : i32 to vector<16xi32>
          %add3A_546 = arith.addi %iota3A, %add3A_545 : vector<16xi32>
          %gather3A_547 = tpu.vector_load_idx %arg17[%add3A_546, %broadcast_in_dim3A_536] : memref<48x17xf32, #tpu.memory_space<vmem>>[vector<16xi32>, vector<16xi32>], vector<16xf32>,
          %add3A_548 = arith.addf %add3A_534, %gather3A_547 : vector<16xf32>
          %broadcast_in_dim3A_549 = arith.constant 12 : i32
          %broadcast_in_dim3A_550 = vector.broadcast %broadcast_in_dim3A_549 : i32 to vector<16xi32>
          %gather3A_551 = tpu.vector_load_idx %arg17[%iota3A, %broadcast_in_dim3A_550] : memref<48x17xf32, #tpu.memory_space<vmem>>[vector<16xi32>, vector<16xi32>], vector<16xf32>,
          %add3A_552 = arith.addf %add3A_538, %gather3A_551 : vector<16xf32>
          %add3A_553 = arith.constant 16 : i32
          %add3A_554 = vector.broadcast %add3A_553 : i32 to vector<16xi32>
          %add3A_555 = arith.addi %iota3A, %add3A_554 : vector<16xi32>
          %gather3A_556 = tpu.vector_load_idx %arg17[%add3A_555, %broadcast_in_dim3A_550] : memref<48x17xf32, #tpu.memory_space<vmem>>[vector<16xi32>, vector<16xi32>], vector<16xf32>,
          %add3A_557 = arith.addf %add3A_543, %gather3A_556 : vector<16xf32>
          %add3A_558 = arith.constant 32 : i32
          %add3A_559 = vector.broadcast %add3A_558 : i32 to vector<16xi32>
          %add3A_560 = arith.addi %iota3A, %add3A_559 : vector<16xi32>
          %gather3A_561 = tpu.vector_load_idx %arg17[%add3A_560, %broadcast_in_dim3A_550] : memref<48x17xf32, #tpu.memory_space<vmem>>[vector<16xi32>, vector<16xi32>], vector<16xf32>,
          %add3A_562 = arith.addf %add3A_548, %gather3A_561 : vector<16xf32>
          %broadcast_in_dim3A_563 = arith.constant 13 : i32
          %broadcast_in_dim3A_564 = vector.broadcast %broadcast_in_dim3A_563 : i32 to vector<16xi32>
          %gather3A_565 = tpu.vector_load_idx %arg17[%iota3A, %broadcast_in_dim3A_564] : memref<48x17xf32, #tpu.memory_space<vmem>>[vector<16xi32>, vector<16xi32>], vector<16xf32>,
          %add3A_566 = arith.addf %add3A_552, %gather3A_565 : vector<16xf32>
          %add3A_567 = arith.constant 16 : i32
          %add3A_568 = vector.broadcast %add3A_567 : i32 to vector<16xi32>
          %add3A_569 = arith.addi %iota3A, %add3A_568 : vector<16xi32>
          %gather3A_570 = tpu.vector_load_idx %arg17[%add3A_569, %broadcast_in_dim3A_564] : memref<48x17xf32, #tpu.memory_space<vmem>>[vector<16xi32>, vector<16xi32>], vector<16xf32>,
          %add3A_571 = arith.addf %add3A_557, %gather3A_570 : vector<16xf32>
          %add3A_572 = arith.constant 32 : i32
          %add3A_573 = vector.broadcast %add3A_572 : i32 to vector<16xi32>
          %add3A_574 = arith.addi %iota3A, %add3A_573 : vector<16xi32>
          %gather3A_575 = tpu.vector_load_idx %arg17[%add3A_574, %broadcast_in_dim3A_564] : memref<48x17xf32, #tpu.memory_space<vmem>>[vector<16xi32>, vector<16xi32>], vector<16xf32>,
          %add3A_576 = arith.addf %add3A_562, %gather3A_575 : vector<16xf32>
          %broadcast_in_dim3A_577 = arith.constant 14 : i32
          %broadcast_in_dim3A_578 = vector.broadcast %broadcast_in_dim3A_577 : i32 to vector<16xi32>
          %gather3A_579 = tpu.vector_load_idx %arg17[%iota3A, %broadcast_in_dim3A_578] : memref<48x17xf32, #tpu.memory_space<vmem>>[vector<16xi32>, vector<16xi32>], vector<16xf32>,
          %add3A_580 = arith.addf %add3A_566, %gather3A_579 : vector<16xf32>
          %add3A_581 = arith.constant 16 : i32
          %add3A_582 = vector.broadcast %add3A_581 : i32 to vector<16xi32>
          %add3A_583 = arith.addi %iota3A, %add3A_582 : vector<16xi32>
          %gather3A_584 = tpu.vector_load_idx %arg17[%add3A_583, %broadcast_in_dim3A_578] : memref<48x17xf32, #tpu.memory_space<vmem>>[vector<16xi32>, vector<16xi32>], vector<16xf32>,
          %add3A_585 = arith.addf %add3A_571, %gather3A_584 : vector<16xf32>
          %add3A_586 = arith.constant 32 : i32
          %add3A_587 = vector.broadcast %add3A_586 : i32 to vector<16xi32>
          %add3A_588 = arith.addi %iota3A, %add3A_587 : vector<16xi32>
          %gather3A_589 = tpu.vector_load_idx %arg17[%add3A_588, %broadcast_in_dim3A_578] : memref<48x17xf32, #tpu.memory_space<vmem>>[vector<16xi32>, vector<16xi32>], vector<16xf32>,
          %add3A_590 = arith.addf %add3A_576, %gather3A_589 : vector<16xf32>
          %broadcast_in_dim3A_591 = arith.constant 15 : i32
          %broadcast_in_dim3A_592 = vector.broadcast %broadcast_in_dim3A_591 : i32 to vector<16xi32>
          %gather3A_593 = tpu.vector_load_idx %arg17[%iota3A, %broadcast_in_dim3A_592] : memref<48x17xf32, #tpu.memory_space<vmem>>[vector<16xi32>, vector<16xi32>], vector<16xf32>,
          %add3A_594 = arith.addf %add3A_580, %gather3A_593 : vector<16xf32>
          %add3A_595 = arith.constant 16 : i32
          %add3A_596 = vector.broadcast %add3A_595 : i32 to vector<16xi32>
          %add3A_597 = arith.addi %iota3A, %add3A_596 : vector<16xi32>
          %gather3A_598 = tpu.vector_load_idx %arg17[%add3A_597, %broadcast_in_dim3A_592] : memref<48x17xf32, #tpu.memory_space<vmem>>[vector<16xi32>, vector<16xi32>], vector<16xf32>,
          %add3A_599 = arith.addf %add3A_585, %gather3A_598 : vector<16xf32>
          %add3A_600 = arith.constant 32 : i32
          %add3A_601 = vector.broadcast %add3A_600 : i32 to vector<16xi32>
          %add3A_602 = arith.addi %iota3A, %add3A_601 : vector<16xi32>
          %gather3A_603 = tpu.vector_load_idx %arg17[%add3A_602, %broadcast_in_dim3A_592] : memref<48x17xf32, #tpu.memory_space<vmem>>[vector<16xi32>, vector<16xi32>], vector<16xf32>,
          %add3A_604 = arith.addf %add3A_590, %gather3A_603 : vector<16xf32>
          %mul3A_605 = arith.constant 32 : i32
          %mul3A_606 = arith.muli %add3A_185, %mul3A_605 : i32
          %mul3A_607 = arith.constant 16 : i32
          %mul3A_608 = arith.muli %scan3A_372, %mul3A_607 : i32
          %add3A_609 = arith.addi %mul3A_606, %mul3A_608 : i32
          %get3A = arith.index_cast %add3A_609 : i32 to index
          %get3A_610 = tpu.vector_load %arg15[%get3A] {strides = array<i32>} : memref<1600xf32, #tpu.memory_space<vmem>>, vector<16xf32>,
          %add3A_611 = arith.addf %add3A_599, %add3A_599 : vector<16xf32>
          %mul3A_612 = arith.mulf %add3A_611, %get3A_610 : vector<16xf32>
          %add3A_613 = arith.addf %add3A_594, %mul3A_612 : vector<16xf32>
          %mul3A_614 = arith.mulf %add3A_604, %get3A_610 : vector<16xf32>
          %mul3A_615 = arith.mulf %mul3A_614, %get3A_610 : vector<16xf32>
          %add3A_616 = arith.addf %add3A_613, %mul3A_615 : vector<16xf32>
          %get3A_617 = arith.constant 0 : i32
          %get3A_618 = arith.index_cast %get3A_617 : i32 to index
          %get3A_619 = arith.index_cast %mul3A_374 : i32 to index
          %get3A_620 = tpu.vector_load %arg22[%get3A_618, %get3A_619] {strides = array<i32>} : memref<2x32xf32, #tpu.memory_space<vmem>>, vector<16xf32>,
          %get3A_621 = arith.constant 1 : i32
          %get3A_622 = arith.index_cast %get3A_621 : i32 to index
          %get3A_623 = arith.index_cast %mul3A_374 : i32 to index
          %get3A_624 = tpu.vector_load %arg22[%get3A_622, %get3A_623] {strides = array<i32>} : memref<2x32xf32, #tpu.memory_space<vmem>>, vector<16xf32>,
          %add3A_625 = arith.addf %get3A_620, %get3A_624 : vector<16xf32>
          %sub3A = arith.subf %add3A_625, %add3A_616 : vector<16xf32>
          %swap3A = arith.index_cast %add3A_609 : i32 to index
          %swap3A_626 = tpu.vector_load %arg16[%swap3A] {strides = array<i32>} : memref<1600xf32, #tpu.memory_space<vmem>>, vector<16xf32>,
          tpu.vector_store %arg16[%swap3A], %sub3A {strides = array<i32>} : memref<1600xf32, #tpu.memory_space<vmem>>, vector<16xf32>,
        }
        %scan3A_271 = arith.constant 2 : i32
        %add3A_272 = arith.constant 2 : i32
        %add3A_273 = arith.addi %add3A_185, %add3A_272 : i32
        %lt3A = arith.constant 50 : i32
        %lt3A_274 = arith.cmpi slt, %add3A_273, %lt3A : i32
        %convert_element_type3A = arith.extui %lt3A_274 : i1 to i32
        %cond3A = arith.constant 0 : i32
        %cond3A_275 = arith.cmpi ne, %convert_element_type3A, %cond3A : i32
        scf.if %cond3A_275 {
          %add3A_372 = arith.constant 2 : i32
          %add3A_373 = arith.addi %add3A_185, %add3A_372 : i32
          %mul3A_374 = arith.constant 32 : i32
          %mul3A_375 = arith.muli %add3A_373, %mul3A_374 : i32
          %dma_start3A_376 = arith.constant 0 : i32
          %dma_start3A_377 = arith.constant 0 : i32
          %dma_start3A_378 = arith.constant 0 : i32
          %dma_start3A_379 = arith.constant 0 : i32
          %dma_start3A_380 = tpu.memref_slice %arg18[%dma_start3A_376, %dma_start3A_378, %dma_start3A_379] : memref<4x32x128xf32, #tpu.memory_space<vmem>> -> memref<1x32x128xf32, #tpu.memory_space<vmem>>
          %dma_start3A_381 = tpu.memref_squeeze %dma_start3A_380 : memref<1x32x128xf32, #tpu.memory_space<vmem>> -> memref<32x128xf32, #tpu.memory_space<vmem>>
          %dma_start3A_382 = tpu.memref_slice %arg12[%mul3A_375] : memref<1600xi32, #tpu.memory_space<vmem>> -> memref<32xi32, #tpu.memory_space<vmem>>
          %dma_start3A_383 = arith.constant 0 : i32
          %dma_start3A_384 = arith.constant 0 : i32
          %dma_start3A_385 = tpu.memref_slice %arg9[%dma_start3A_383, %dma_start3A_384] : memref<100000x128xf32, #tpu.memory_space<hbm>> -> memref<100000x128xf32, #tpu.memory_space<hbm>>
          %dma_start3A_386 = tpu.memref_slice %arg24[%dma_start3A_377] : memref<2x!tpu.dma_semaphore, #tpu.memory_space<semaphore_mem>> -> memref<1x!tpu.dma_semaphore, #tpu.memory_space<semaphore_mem>>
          %dma_start3A_387 = tpu.memref_squeeze %dma_start3A_386 : memref<1x!tpu.dma_semaphore, #tpu.memory_space<semaphore_mem>> -> memref<!tpu.dma_semaphore, #tpu.memory_space<semaphore_mem>>
          tpu.enqueue_indirect_dma source(%dma_start3A_385 : memref<100000x128xf32, #tpu.memory_space<hbm>>) target(%dma_start3A_381 : memref<32x128xf32, #tpu.memory_space<vmem>>) offsets(%dma_start3A_382 : memref<32xi32, #tpu.memory_space<vmem>>) semaphore(%dma_start3A_387 : memref<!tpu.dma_semaphore, #tpu.memory_space<semaphore_mem>>)
          %dma_start3A_388 = arith.constant 1 : i32
          %dma_start3A_389 = arith.constant 0 : i32
          %dma_start3A_390 = arith.constant 0 : i32
          %dma_start3A_391 = arith.constant 0 : i32
          %dma_start3A_392 = tpu.memref_slice %arg18[%dma_start3A_388, %dma_start3A_390, %dma_start3A_391] : memref<4x32x128xf32, #tpu.memory_space<vmem>> -> memref<1x32x128xf32, #tpu.memory_space<vmem>>
          %dma_start3A_393 = tpu.memref_squeeze %dma_start3A_392 : memref<1x32x128xf32, #tpu.memory_space<vmem>> -> memref<32x128xf32, #tpu.memory_space<vmem>>
          %dma_start3A_394 = tpu.memref_slice %arg12[%mul3A_375] : memref<1600xi32, #tpu.memory_space<vmem>> -> memref<32xi32, #tpu.memory_space<vmem>>
          %dma_start3A_395 = arith.constant 0 : i32
          %dma_start3A_396 = arith.constant 0 : i32
          %dma_start3A_397 = tpu.memref_slice %arg10[%dma_start3A_395, %dma_start3A_396] : memref<100000x128xf32, #tpu.memory_space<hbm>> -> memref<100000x128xf32, #tpu.memory_space<hbm>>
          %dma_start3A_398 = tpu.memref_slice %arg24[%dma_start3A_389] : memref<2x!tpu.dma_semaphore, #tpu.memory_space<semaphore_mem>> -> memref<1x!tpu.dma_semaphore, #tpu.memory_space<semaphore_mem>>
          %dma_start3A_399 = tpu.memref_squeeze %dma_start3A_398 : memref<1x!tpu.dma_semaphore, #tpu.memory_space<semaphore_mem>> -> memref<!tpu.dma_semaphore, #tpu.memory_space<semaphore_mem>>
          tpu.enqueue_indirect_dma source(%dma_start3A_397 : memref<100000x128xf32, #tpu.memory_space<hbm>>) target(%dma_start3A_393 : memref<32x128xf32, #tpu.memory_space<vmem>>) offsets(%dma_start3A_394 : memref<32xi32, #tpu.memory_space<vmem>>) semaphore(%dma_start3A_399 : memref<!tpu.dma_semaphore, #tpu.memory_space<semaphore_mem>>)
          %dma_start3A_400 = arith.constant 2 : i32
          %dma_start3A_401 = arith.constant 0 : i32
          %dma_start3A_402 = arith.constant 0 : i32
          %dma_start3A_403 = arith.constant 0 : i32
          %dma_start3A_404 = tpu.memref_slice %arg18[%dma_start3A_400, %dma_start3A_402, %dma_start3A_403] : memref<4x32x128xf32, #tpu.memory_space<vmem>> -> memref<1x32x128xf32, #tpu.memory_space<vmem>>
          %dma_start3A_405 = tpu.memref_squeeze %dma_start3A_404 : memref<1x32x128xf32, #tpu.memory_space<vmem>> -> memref<32x128xf32, #tpu.memory_space<vmem>>
          %dma_start3A_406 = tpu.memref_slice %arg13[%mul3A_375] : memref<1600xi32, #tpu.memory_space<vmem>> -> memref<32xi32, #tpu.memory_space<vmem>>
          %dma_start3A_407 = arith.constant 0 : i32
          %dma_start3A_408 = arith.constant 0 : i32
          %dma_start3A_409 = tpu.memref_slice %arg9[%dma_start3A_407, %dma_start3A_408] : memref<100000x128xf32, #tpu.memory_space<hbm>> -> memref<100000x128xf32, #tpu.memory_space<hbm>>
          %dma_start3A_410 = tpu.memref_slice %arg24[%dma_start3A_401] : memref<2x!tpu.dma_semaphore, #tpu.memory_space<semaphore_mem>> -> memref<1x!tpu.dma_semaphore, #tpu.memory_space<semaphore_mem>>
          %dma_start3A_411 = tpu.memref_squeeze %dma_start3A_410 : memref<1x!tpu.dma_semaphore, #tpu.memory_space<semaphore_mem>> -> memref<!tpu.dma_semaphore, #tpu.memory_space<semaphore_mem>>
          tpu.enqueue_indirect_dma source(%dma_start3A_409 : memref<100000x128xf32, #tpu.memory_space<hbm>>) target(%dma_start3A_405 : memref<32x128xf32, #tpu.memory_space<vmem>>) offsets(%dma_start3A_406 : memref<32xi32, #tpu.memory_space<vmem>>) semaphore(%dma_start3A_411 : memref<!tpu.dma_semaphore, #tpu.memory_space<semaphore_mem>>)
          %dma_start3A_412 = arith.constant 3 : i32
          %dma_start3A_413 = arith.constant 0 : i32
          %dma_start3A_414 = arith.constant 0 : i32
          %dma_start3A_415 = arith.constant 0 : i32
          %dma_start3A_416 = tpu.memref_slice %arg18[%dma_start3A_412, %dma_start3A_414, %dma_start3A_415] : memref<4x32x128xf32, #tpu.memory_space<vmem>> -> memref<1x32x128xf32, #tpu.memory_space<vmem>>
          %dma_start3A_417 = tpu.memref_squeeze %dma_start3A_416 : memref<1x32x128xf32, #tpu.memory_space<vmem>> -> memref<32x128xf32, #tpu.memory_space<vmem>>
          %dma_start3A_418 = tpu.memref_slice %arg13[%mul3A_375] : memref<1600xi32, #tpu.memory_space<vmem>> -> memref<32xi32, #tpu.memory_space<vmem>>
          %dma_start3A_419 = arith.constant 0 : i32
          %dma_start3A_420 = arith.constant 0 : i32
          %dma_start3A_421 = tpu.memref_slice %arg10[%dma_start3A_419, %dma_start3A_420] : memref<100000x128xf32, #tpu.memory_space<hbm>> -> memref<100000x128xf32, #tpu.memory_space<hbm>>
          %dma_start3A_422 = tpu.memref_slice %arg24[%dma_start3A_413] : memref<2x!tpu.dma_semaphore, #tpu.memory_space<semaphore_mem>> -> memref<1x!tpu.dma_semaphore, #tpu.memory_space<semaphore_mem>>
          %dma_start3A_423 = tpu.memref_squeeze %dma_start3A_422 : memref<1x!tpu.dma_semaphore, #tpu.memory_space<semaphore_mem>> -> memref<!tpu.dma_semaphore, #tpu.memory_space<semaphore_mem>>
          tpu.enqueue_indirect_dma source(%dma_start3A_421 : memref<100000x128xf32, #tpu.memory_space<hbm>>) target(%dma_start3A_417 : memref<32x128xf32, #tpu.memory_space<vmem>>) offsets(%dma_start3A_418 : memref<32xi32, #tpu.memory_space<vmem>>) semaphore(%dma_start3A_423 : memref<!tpu.dma_semaphore, #tpu.memory_space<semaphore_mem>>)
          %dma_start3A_424 = arith.constant 0 : i32
          %dma_start3A_425 = tpu.memref_slice %arg14[%mul3A_375] : memref<1600xi32, #tpu.memory_space<vmem>> -> memref<32xi32, #tpu.memory_space<vmem>>
          %dma_start3A_426 = arith.constant 0 : i32
          %dma_start3A_427 = arith.constant 0 : i32
          %dma_start3A_428 = tpu.memref_slice %arg6[%dma_start3A_426, %dma_start3A_427] : memref<500x128xi32, #tpu.memory_space<hbm>> -> memref<500x128xi32, #tpu.memory_space<hbm>>
          %dma_start3A_429 = tpu.memref_slice %arg24[%dma_start3A_424] : memref<2x!tpu.dma_semaphore, #tpu.memory_space<semaphore_mem>> -> memref<1x!tpu.dma_semaphore, #tpu.memory_space<semaphore_mem>>
          %dma_start3A_430 = tpu.memref_squeeze %dma_start3A_429 : memref<1x!tpu.dma_semaphore, #tpu.memory_space<semaphore_mem>> -> memref<!tpu.dma_semaphore, #tpu.memory_space<semaphore_mem>>
          tpu.enqueue_indirect_dma source(%dma_start3A_428 : memref<500x128xi32, #tpu.memory_space<hbm>>) target(%arg20 : memref<32x128xi32, #tpu.memory_space<vmem>>) offsets(%dma_start3A_425 : memref<32xi32, #tpu.memory_space<vmem>>) semaphore(%dma_start3A_430 : memref<!tpu.dma_semaphore, #tpu.memory_space<semaphore_mem>>)
          %dma_start3A_431 = arith.constant 0 : i32
          %dma_start3A_432 = arith.constant 0 : i32
          %dma_start3A_433 = arith.constant 0 : i32
          %dma_start3A_434 = tpu.memref_slice %arg22[%dma_start3A_431, %dma_start3A_433] : memref<2x32xf32, #tpu.memory_space<vmem>> -> memref<1x32xf32, #tpu.memory_space<vmem>>
          %dma_start3A_435 = tpu.memref_squeeze %dma_start3A_434 : memref<1x32xf32, #tpu.memory_space<vmem>> -> memref<32xf32, #tpu.memory_space<vmem>>
          %dma_start3A_436 = tpu.memref_slice %arg12[%mul3A_375] : memref<1600xi32, #tpu.memory_space<vmem>> -> memref<32xi32, #tpu.memory_space<vmem>>
          %dma_start3A_437 = arith.constant 0 : i32
          %dma_start3A_438 = tpu.memref_slice %arg7[%dma_start3A_437] : memref<100000xf32, #tpu.memory_space<hbm>> -> memref<100000xf32, #tpu.memory_space<hbm>>
          %dma_start3A_439 = tpu.memref_slice %arg24[%dma_start3A_432] : memref<2x!tpu.dma_semaphore, #tpu.memory_space<semaphore_mem>> -> memref<1x!tpu.dma_semaphore, #tpu.memory_space<semaphore_mem>>
          %dma_start3A_440 = tpu.memref_squeeze %dma_start3A_439 : memref<1x!tpu.dma_semaphore, #tpu.memory_space<semaphore_mem>> -> memref<!tpu.dma_semaphore, #tpu.memory_space<semaphore_mem>>
          tpu.enqueue_indirect_dma source(%dma_start3A_438 : memref<100000xf32, #tpu.memory_space<hbm>>) target(%dma_start3A_435 : memref<32xf32, #tpu.memory_space<vmem>>) offsets(%dma_start3A_436 : memref<32xi32, #tpu.memory_space<vmem>>) semaphore(%dma_start3A_440 : memref<!tpu.dma_semaphore, #tpu.memory_space<semaphore_mem>>)
          %dma_start3A_441 = arith.constant 1 : i32
          %dma_start3A_442 = arith.constant 0 : i32
          %dma_start3A_443 = arith.constant 0 : i32
          %dma_start3A_444 = tpu.memref_slice %arg22[%dma_start3A_441, %dma_start3A_443] : memref<2x32xf32, #tpu.memory_space<vmem>> -> memref<1x32xf32, #tpu.memory_space<vmem>>
          %dma_start3A_445 = tpu.memref_squeeze %dma_start3A_444 : memref<1x32xf32, #tpu.memory_space<vmem>> -> memref<32xf32, #tpu.memory_space<vmem>>
          %dma_start3A_446 = tpu.memref_slice %arg13[%mul3A_375] : memref<1600xi32, #tpu.memory_space<vmem>> -> memref<32xi32, #tpu.memory_space<vmem>>
          %dma_start3A_447 = arith.constant 0 : i32
          %dma_start3A_448 = tpu.memref_slice %arg8[%dma_start3A_447] : memref<100000xf32, #tpu.memory_space<hbm>> -> memref<100000xf32, #tpu.memory_space<hbm>>
          %dma_start3A_449 = tpu.memref_slice %arg24[%dma_start3A_442] : memref<2x!tpu.dma_semaphore, #tpu.memory_space<semaphore_mem>> -> memref<1x!tpu.dma_semaphore, #tpu.memory_space<semaphore_mem>>
          %dma_start3A_450 = tpu.memref_squeeze %dma_start3A_449 : memref<1x!tpu.dma_semaphore, #tpu.memory_space<semaphore_mem>> -> memref<!tpu.dma_semaphore, #tpu.memory_space<semaphore_mem>>
          tpu.enqueue_indirect_dma source(%dma_start3A_448 : memref<100000xf32, #tpu.memory_space<hbm>>) target(%dma_start3A_445 : memref<32xf32, #tpu.memory_space<vmem>>) offsets(%dma_start3A_446 : memref<32xi32, #tpu.memory_space<vmem>>) semaphore(%dma_start3A_450 : memref<!tpu.dma_semaphore, #tpu.memory_space<semaphore_mem>>)
        } else {
        }
        %add3A_276 = arith.constant 1 : i32
        %add3A_277 = arith.addi %mul3A_183, %add3A_276 : i32
        %mul3A_278 = arith.constant 32 : i32
        %mul3A_279 = arith.muli %add3A_277, %mul3A_278 : i32
        %dma_wait3A_280 = arith.constant 0 : i32
        %dma_wait3A_281 = arith.constant 1 : i32
        %dma_wait3A_282 = arith.constant 0 : i32
        %dma_wait3A_283 = arith.constant 0 : i32
        %dma_wait3A_284 = tpu.memref_slice %arg19[%dma_wait3A_280, %dma_wait3A_282, %dma_wait3A_283] : memref<4x32x128xf32, #tpu.memory_space<vmem>> -> memref<1x32x128xf32, #tpu.memory_space<vmem>>
        %dma_wait3A_285 = tpu.memref_squeeze %dma_wait3A_284 : memref<1x32x128xf32, #tpu.memory_space<vmem>> -> memref<32x128xf32, #tpu.memory_space<vmem>>
        %dma_wait3A_286 = tpu.memref_slice %arg12[%mul3A_279] : memref<1600xi32, #tpu.memory_space<vmem>> -> memref<32xi32, #tpu.memory_space<vmem>>
        %dma_wait3A_287 = arith.constant 0 : i32
        %dma_wait3A_288 = arith.constant 0 : i32
        %dma_wait3A_289 = tpu.memref_slice %arg9[%dma_wait3A_287, %dma_wait3A_288] : memref<100000x128xf32, #tpu.memory_space<hbm>> -> memref<100000x128xf32, #tpu.memory_space<hbm>>
        %dma_wait3A_290 = tpu.memref_slice %arg24[%dma_wait3A_281] : memref<2x!tpu.dma_semaphore, #tpu.memory_space<semaphore_mem>> -> memref<1x!tpu.dma_semaphore, #tpu.memory_space<semaphore_mem>>
        %dma_wait3A_291 = tpu.memref_squeeze %dma_wait3A_290 : memref<1x!tpu.dma_semaphore, #tpu.memory_space<semaphore_mem>> -> memref<!tpu.dma_semaphore, #tpu.memory_space<semaphore_mem>>
        tpu.wait_indirect_dma semaphore(%dma_wait3A_291 : memref<!tpu.dma_semaphore, #tpu.memory_space<semaphore_mem>>) src(%dma_wait3A_289 : memref<100000x128xf32, #tpu.memory_space<hbm>>) dst(%dma_wait3A_285 : memref<32x128xf32, #tpu.memory_space<vmem>>)
        %dma_wait3A_292 = arith.constant 1 : i32
        %dma_wait3A_293 = arith.constant 1 : i32
        %dma_wait3A_294 = arith.constant 0 : i32
        %dma_wait3A_295 = arith.constant 0 : i32
        %dma_wait3A_296 = tpu.memref_slice %arg19[%dma_wait3A_292, %dma_wait3A_294, %dma_wait3A_295] : memref<4x32x128xf32, #tpu.memory_space<vmem>> -> memref<1x32x128xf32, #tpu.memory_space<vmem>>
        %dma_wait3A_297 = tpu.memref_squeeze %dma_wait3A_296 : memref<1x32x128xf32, #tpu.memory_space<vmem>> -> memref<32x128xf32, #tpu.memory_space<vmem>>
        %dma_wait3A_298 = tpu.memref_slice %arg12[%mul3A_279] : memref<1600xi32, #tpu.memory_space<vmem>> -> memref<32xi32, #tpu.memory_space<vmem>>
        %dma_wait3A_299 = arith.constant 0 : i32
        %dma_wait3A_300 = arith.constant 0 : i32
        %dma_wait3A_301 = tpu.memref_slice %arg10[%dma_wait3A_299, %dma_wait3A_300] : memref<100000x128xf32, #tpu.memory_space<hbm>> -> memref<100000x128xf32, #tpu.memory_space<hbm>>
        %dma_wait3A_302 = tpu.memref_slice %arg24[%dma_wait3A_293] : memref<2x!tpu.dma_semaphore, #tpu.memory_space<semaphore_mem>> -> memref<1x!tpu.dma_semaphore, #tpu.memory_space<semaphore_mem>>
        %dma_wait3A_303 = tpu.memref_squeeze %dma_wait3A_302 : memref<1x!tpu.dma_semaphore, #tpu.memory_space<semaphore_mem>> -> memref<!tpu.dma_semaphore, #tpu.memory_space<semaphore_mem>>
        tpu.wait_indirect_dma semaphore(%dma_wait3A_303 : memref<!tpu.dma_semaphore, #tpu.memory_space<semaphore_mem>>) src(%dma_wait3A_301 : memref<100000x128xf32, #tpu.memory_space<hbm>>) dst(%dma_wait3A_297 : memref<32x128xf32, #tpu.memory_space<vmem>>)
        %dma_wait3A_304 = arith.constant 2 : i32
        %dma_wait3A_305 = arith.constant 1 : i32
        %dma_wait3A_306 = arith.constant 0 : i32
        %dma_wait3A_307 = arith.constant 0 : i32
        %dma_wait3A_308 = tpu.memref_slice %arg19[%dma_wait3A_304, %dma_wait3A_306, %dma_wait3A_307] : memref<4x32x128xf32, #tpu.memory_space<vmem>> -> memref<1x32x128xf32, #tpu.memory_space<vmem>>
        %dma_wait3A_309 = tpu.memref_squeeze %dma_wait3A_308 : memref<1x32x128xf32, #tpu.memory_space<vmem>> -> memref<32x128xf32, #tpu.memory_space<vmem>>
        %dma_wait3A_310 = tpu.memref_slice %arg13[%mul3A_279] : memref<1600xi32, #tpu.memory_space<vmem>> -> memref<32xi32, #tpu.memory_space<vmem>>
        %dma_wait3A_311 = arith.constant 0 : i32
        %dma_wait3A_312 = arith.constant 0 : i32
        %dma_wait3A_313 = tpu.memref_slice %arg9[%dma_wait3A_311, %dma_wait3A_312] : memref<100000x128xf32, #tpu.memory_space<hbm>> -> memref<100000x128xf32, #tpu.memory_space<hbm>>
        %dma_wait3A_314 = tpu.memref_slice %arg24[%dma_wait3A_305] : memref<2x!tpu.dma_semaphore, #tpu.memory_space<semaphore_mem>> -> memref<1x!tpu.dma_semaphore, #tpu.memory_space<semaphore_mem>>
        %dma_wait3A_315 = tpu.memref_squeeze %dma_wait3A_314 : memref<1x!tpu.dma_semaphore, #tpu.memory_space<semaphore_mem>> -> memref<!tpu.dma_semaphore, #tpu.memory_space<semaphore_mem>>
        tpu.wait_indirect_dma semaphore(%dma_wait3A_315 : memref<!tpu.dma_semaphore, #tpu.memory_space<semaphore_mem>>) src(%dma_wait3A_313 : memref<100000x128xf32, #tpu.memory_space<hbm>>) dst(%dma_wait3A_309 : memref<32x128xf32, #tpu.memory_space<vmem>>)
        %dma_wait3A_316 = arith.constant 3 : i32
        %dma_wait3A_317 = arith.constant 1 : i32
        %dma_wait3A_318 = arith.constant 0 : i32
        %dma_wait3A_319 = arith.constant 0 : i32
        %dma_wait3A_320 = tpu.memref_slice %arg19[%dma_wait3A_316, %dma_wait3A_318, %dma_wait3A_319] : memref<4x32x128xf32, #tpu.memory_space<vmem>> -> memref<1x32x128xf32, #tpu.memory_space<vmem>>
        %dma_wait3A_321 = tpu.memref_squeeze %dma_wait3A_320 : memref<1x32x128xf32, #tpu.memory_space<vmem>> -> memref<32x128xf32, #tpu.memory_space<vmem>>
        %dma_wait3A_322 = tpu.memref_slice %arg13[%mul3A_279] : memref<1600xi32, #tpu.memory_space<vmem>> -> memref<32xi32, #tpu.memory_space<vmem>>
        %dma_wait3A_323 = arith.constant 0 : i32
        %dma_wait3A_324 = arith.constant 0 : i32
        %dma_wait3A_325 = tpu.memref_slice %arg10[%dma_wait3A_323, %dma_wait3A_324] : memref<100000x128xf32, #tpu.memory_space<hbm>> -> memref<100000x128xf32, #tpu.memory_space<hbm>>
        %dma_wait3A_326 = tpu.memref_slice %arg24[%dma_wait3A_317] : memref<2x!tpu.dma_semaphore, #tpu.memory_space<semaphore_mem>> -> memref<1x!tpu.dma_semaphore, #tpu.memory_space<semaphore_mem>>
        %dma_wait3A_327 = tpu.memref_squeeze %dma_wait3A_326 : memref<1x!tpu.dma_semaphore, #tpu.memory_space<semaphore_mem>> -> memref<!tpu.dma_semaphore, #tpu.memory_space<semaphore_mem>>
        tpu.wait_indirect_dma semaphore(%dma_wait3A_327 : memref<!tpu.dma_semaphore, #tpu.memory_space<semaphore_mem>>) src(%dma_wait3A_325 : memref<100000x128xf32, #tpu.memory_space<hbm>>) dst(%dma_wait3A_321 : memref<32x128xf32, #tpu.memory_space<vmem>>)
        %dma_wait3A_328 = arith.constant 1 : i32
        %dma_wait3A_329 = tpu.memref_slice %arg14[%mul3A_279] : memref<1600xi32, #tpu.memory_space<vmem>> -> memref<32xi32, #tpu.memory_space<vmem>>
        %dma_wait3A_330 = arith.constant 0 : i32
        %dma_wait3A_331 = arith.constant 0 : i32
        %dma_wait3A_332 = tpu.memref_slice %arg6[%dma_wait3A_330, %dma_wait3A_331] : memref<500x128xi32, #tpu.memory_space<hbm>> -> memref<500x128xi32, #tpu.memory_space<hbm>>
        %dma_wait3A_333 = tpu.memref_slice %arg24[%dma_wait3A_328] : memref<2x!tpu.dma_semaphore, #tpu.memory_space<semaphore_mem>> -> memref<1x!tpu.dma_semaphore, #tpu.memory_space<semaphore_mem>>
        %dma_wait3A_334 = tpu.memref_squeeze %dma_wait3A_333 : memref<1x!tpu.dma_semaphore, #tpu.memory_space<semaphore_mem>> -> memref<!tpu.dma_semaphore, #tpu.memory_space<semaphore_mem>>
        tpu.wait_indirect_dma semaphore(%dma_wait3A_334 : memref<!tpu.dma_semaphore, #tpu.memory_space<semaphore_mem>>) src(%dma_wait3A_332 : memref<500x128xi32, #tpu.memory_space<hbm>>) dst(%arg21 : memref<32x128xi32, #tpu.memory_space<vmem>>)
        %dma_wait3A_335 = arith.constant 0 : i32
        %dma_wait3A_336 = arith.constant 1 : i32
        %dma_wait3A_337 = arith.constant 0 : i32
        %dma_wait3A_338 = tpu.memref_slice %arg23[%dma_wait3A_335, %dma_wait3A_337] : memref<2x32xf32, #tpu.memory_space<vmem>> -> memref<1x32xf32, #tpu.memory_space<vmem>>
        %dma_wait3A_339 = tpu.memref_squeeze %dma_wait3A_338 : memref<1x32xf32, #tpu.memory_space<vmem>> -> memref<32xf32, #tpu.memory_space<vmem>>
        %dma_wait3A_340 = tpu.memref_slice %arg12[%mul3A_279] : memref<1600xi32, #tpu.memory_space<vmem>> -> memref<32xi32, #tpu.memory_space<vmem>>
        %dma_wait3A_341 = arith.constant 0 : i32
        %dma_wait3A_342 = tpu.memref_slice %arg7[%dma_wait3A_341] : memref<100000xf32, #tpu.memory_space<hbm>> -> memref<100000xf32, #tpu.memory_space<hbm>>
        %dma_wait3A_343 = tpu.memref_slice %arg24[%dma_wait3A_336] : memref<2x!tpu.dma_semaphore, #tpu.memory_space<semaphore_mem>> -> memref<1x!tpu.dma_semaphore, #tpu.memory_space<semaphore_mem>>
        %dma_wait3A_344 = tpu.memref_squeeze %dma_wait3A_343 : memref<1x!tpu.dma_semaphore, #tpu.memory_space<semaphore_mem>> -> memref<!tpu.dma_semaphore, #tpu.memory_space<semaphore_mem>>
        tpu.wait_indirect_dma semaphore(%dma_wait3A_344 : memref<!tpu.dma_semaphore, #tpu.memory_space<semaphore_mem>>) src(%dma_wait3A_342 : memref<100000xf32, #tpu.memory_space<hbm>>) dst(%dma_wait3A_339 : memref<32xf32, #tpu.memory_space<vmem>>)
        %dma_wait3A_345 = arith.constant 1 : i32
        %dma_wait3A_346 = arith.constant 1 : i32
        %dma_wait3A_347 = arith.constant 0 : i32
        %dma_wait3A_348 = tpu.memref_slice %arg23[%dma_wait3A_345, %dma_wait3A_347] : memref<2x32xf32, #tpu.memory_space<vmem>> -> memref<1x32xf32, #tpu.memory_space<vmem>>
        %dma_wait3A_349 = tpu.memref_squeeze %dma_wait3A_348 : memref<1x32xf32, #tpu.memory_space<vmem>> -> memref<32xf32, #tpu.memory_space<vmem>>
        %dma_wait3A_350 = tpu.memref_slice %arg13[%mul3A_279] : memref<1600xi32, #tpu.memory_space<vmem>> -> memref<32xi32, #tpu.memory_space<vmem>>
        %dma_wait3A_351 = arith.constant 0 : i32
        %dma_wait3A_352 = tpu.memref_slice %arg8[%dma_wait3A_351] : memref<100000xf32, #tpu.memory_space<hbm>> -> memref<100000xf32, #tpu.memory_space<hbm>>
        %dma_wait3A_353 = tpu.memref_slice %arg24[%dma_wait3A_346] : memref<2x!tpu.dma_semaphore, #tpu.memory_space<semaphore_mem>> -> memref<1x!tpu.dma_semaphore, #tpu.memory_space<semaphore_mem>>
        %dma_wait3A_354 = tpu.memref_squeeze %dma_wait3A_353 : memref<1x!tpu.dma_semaphore, #tpu.memory_space<semaphore_mem>> -> memref<!tpu.dma_semaphore, #tpu.memory_space<semaphore_mem>>
        tpu.wait_indirect_dma semaphore(%dma_wait3A_354 : memref<!tpu.dma_semaphore, #tpu.memory_space<semaphore_mem>>) src(%dma_wait3A_352 : memref<100000xf32, #tpu.memory_space<hbm>>) dst(%dma_wait3A_349 : memref<32xf32, #tpu.memory_space<vmem>>)
        %scan3A_355 = arith.constant 0 : i32
        %scan3A_356 = arith.constant 0 : i32
        %scan3A_357 = arith.constant 2 : i32
        %scan3A_358 = arith.constant 1 : i32
        %scan3A_359 = arith.constant 3 : i32
        %scan3A_360 = arith.constant 0 : i32
        %scan3A_361 = arith.constant 2 : i32
        %scan3A_362 = arith.addi %scan3A_360, %scan3A_361 : i32
        %scan3A_363 = arith.constant 1 : i32
        scf.for %scan3A_372 = %scan3A_360 to %scan3A_362 step %scan3A_363  : i32 {
          %mul3A_373 = arith.constant 16 : i32
          %mul3A_374 = arith.muli %scan3A_372, %mul3A_373 : i32
          %parallel_loop3A = arith.constant 0 : i32
          %parallel_loop3A_375 = arith.constant 16 : i32
          %parallel_loop3A_376 = arith.constant 1 : i32
          scf.for %parallel_loop3A_627 = %parallel_loop3A to %parallel_loop3A_375 step %parallel_loop3A_376  : i32 {
            %parallel_loop3A_628 = arith.constant 16 : i32
            %parallel_loop3A_629 = arith.muli %scan3A_372, %parallel_loop3A_628 : i32
            %parallel_loop3A_630 = arith.addi %parallel_loop3A_629, %parallel_loop3A_627 : i32
            %parallel_loop3A_631 = arith.constant 0.000000e+00 : f32
            %parallel_loop3A_632 = vector.broadcast %parallel_loop3A_631 : f32 to vector<16xf32>
            %parallel_loop3A_633 = arith.constant 0.000000e+00 : f32
            %parallel_loop3A_634 = vector.broadcast %parallel_loop3A_633 : f32 to vector<16xf32>
            %parallel_loop3A_635 = arith.constant 0.000000e+00 : f32
            %parallel_loop3A_636 = vector.broadcast %parallel_loop3A_635 : f32 to vector<16xf32>
            %parallel_loop3A_637 = arith.index_cast %parallel_loop3A_630 : i32 to index
            %parallel_loop3A_638 = arith.constant 0 : index
            %parallel_loop3A_639 = tpu.vector_load %arg21[%parallel_loop3A_637, %parallel_loop3A_638] {strides = array<i32>} : memref<32x128xi32, #tpu.memory_space<vmem>>, vector<16xi32>,
            %parallel_loop3A_640 = vector.bitcast %parallel_loop3A_639 : vector<16xi32> to vector<32xbf16>
            %parallel_loop3A_641 = arith.index_cast %parallel_loop3A_630 : i32 to index
            %parallel_loop3A_642 = arith.constant 64 : index
            %parallel_loop3A_643 = tpu.vector_load %arg21[%parallel_loop3A_641, %parallel_loop3A_642] {strides = array<i32>} : memref<32x128xi32, #tpu.memory_space<vmem>>, vector<16xi32>,
            %parallel_loop3A_644 = vector.bitcast %parallel_loop3A_643 : vector<16xi32> to vector<32xbf16>
            %parallel_loop3A_645 = tpu.unpack_subelements %parallel_loop3A_640, 0 {pack_format = #tpu.pack_format<interleaved>} : vector<32xbf16> -> vector<16xf32>
            %parallel_loop3A_646 = tpu.unpack_subelements %parallel_loop3A_640, 1 {pack_format = #tpu.pack_format<interleaved>} : vector<32xbf16> -> vector<16xf32>
            %parallel_loop3A_647 = tpu.unpack_subelements %parallel_loop3A_644, 0 {pack_format = #tpu.pack_format<interleaved>} : vector<32xbf16> -> vector<16xf32>
            %parallel_loop3A_648 = tpu.unpack_subelements %parallel_loop3A_644, 1 {pack_format = #tpu.pack_format<interleaved>} : vector<32xbf16> -> vector<16xf32>
            %parallel_loop3A_649 = arith.constant 0 : i32
            %parallel_loop3A_650 = arith.constant 0 : i32
            %parallel_loop3A_651 = tpu.memref_slice %arg19[%scan3A_356, %parallel_loop3A_649, %parallel_loop3A_650] : memref<4x32x128xf32, #tpu.memory_space<vmem>> -> memref<1x32x128xf32, #tpu.memory_space<vmem>>
            %parallel_loop3A_652 = tpu.memref_squeeze %parallel_loop3A_651 : memref<1x32x128xf32, #tpu.memory_space<vmem>> -> memref<32x128xf32, #tpu.memory_space<vmem>>
            %parallel_loop3A_653 = arith.index_cast %parallel_loop3A_630 : i32 to index
            %parallel_loop3A_654 = arith.constant 0 : index
            %parallel_loop3A_655 = tpu.vector_load %parallel_loop3A_652[%parallel_loop3A_653, %parallel_loop3A_654] {strides = array<i32>} : memref<32x128xf32, #tpu.memory_space<vmem>>, vector<16xf32>,
            %parallel_loop3A_656 = arith.mulf %parallel_loop3A_655, %parallel_loop3A_645 : vector<16xf32>
            %parallel_loop3A_657 = arith.constant 0 : i32
            %parallel_loop3A_658 = arith.constant 0 : i32
            %parallel_loop3A_659 = tpu.memref_slice %arg19[%scan3A_357, %parallel_loop3A_657, %parallel_loop3A_658] : memref<4x32x128xf32, #tpu.memory_space<vmem>> -> memref<1x32x128xf32, #tpu.memory_space<vmem>>
            %parallel_loop3A_660 = tpu.memref_squeeze %parallel_loop3A_659 : memref<1x32x128xf32, #tpu.memory_space<vmem>> -> memref<32x128xf32, #tpu.memory_space<vmem>>
            %parallel_loop3A_661 = arith.index_cast %parallel_loop3A_630 : i32 to index
            %parallel_loop3A_662 = arith.constant 0 : index
            %parallel_loop3A_663 = tpu.vector_load %parallel_loop3A_660[%parallel_loop3A_661, %parallel_loop3A_662] {strides = array<i32>} : memref<32x128xf32, #tpu.memory_space<vmem>>, vector<16xf32>,
            %parallel_loop3A_664 = arith.subf %parallel_loop3A_656, %parallel_loop3A_663 : vector<16xf32>
            %parallel_loop3A_665 = arith.subf %parallel_loop3A_664, %parallel_loop3A_647 : vector<16xf32>
            %parallel_loop3A_666 = arith.constant 0 : i32
            %parallel_loop3A_667 = arith.constant 0 : i32
            %parallel_loop3A_668 = tpu.memref_slice %arg19[%scan3A_358, %parallel_loop3A_666, %parallel_loop3A_667] : memref<4x32x128xf32, #tpu.memory_space<vmem>> -> memref<1x32x128xf32, #tpu.memory_space<vmem>>
            %parallel_loop3A_669 = tpu.memref_squeeze %parallel_loop3A_668 : memref<1x32x128xf32, #tpu.memory_space<vmem>> -> memref<32x128xf32, #tpu.memory_space<vmem>>
            %parallel_loop3A_670 = arith.index_cast %parallel_loop3A_630 : i32 to index
            %parallel_loop3A_671 = arith.constant 0 : index
            %parallel_loop3A_672 = tpu.vector_load %parallel_loop3A_669[%parallel_loop3A_670, %parallel_loop3A_671] {strides = array<i32>} : memref<32x128xf32, #tpu.memory_space<vmem>>, vector<16xf32>,
            %parallel_loop3A_673 = arith.mulf %parallel_loop3A_672, %parallel_loop3A_645 : vector<16xf32>
            %parallel_loop3A_674 = arith.constant 0 : i32
            %parallel_loop3A_675 = arith.constant 0 : i32
            %parallel_loop3A_676 = tpu.memref_slice %arg19[%scan3A_359, %parallel_loop3A_674, %parallel_loop3A_675] : memref<4x32x128xf32, #tpu.memory_space<vmem>> -> memref<1x32x128xf32, #tpu.memory_space<vmem>>
            %parallel_loop3A_677 = tpu.memref_squeeze %parallel_loop3A_676 : memref<1x32x128xf32, #tpu.memory_space<vmem>> -> memref<32x128xf32, #tpu.memory_space<vmem>>
            %parallel_loop3A_678 = arith.index_cast %parallel_loop3A_630 : i32 to index
            %parallel_loop3A_679 = arith.constant 0 : index
            %parallel_loop3A_680 = tpu.vector_load %parallel_loop3A_677[%parallel_loop3A_678, %parallel_loop3A_679] {strides = array<i32>} : memref<32x128xf32, #tpu.memory_space<vmem>>, vector<16xf32>,
            %parallel_loop3A_681 = arith.subf %parallel_loop3A_673, %parallel_loop3A_680 : vector<16xf32>
            %parallel_loop3A_682 = arith.mulf %parallel_loop3A_665, %parallel_loop3A_665 : vector<16xf32>
            %parallel_loop3A_683 = arith.addf %parallel_loop3A_632, %parallel_loop3A_682 : vector<16xf32>
            %parallel_loop3A_684 = arith.mulf %parallel_loop3A_665, %parallel_loop3A_681 : vector<16xf32>
            %parallel_loop3A_685 = arith.addf %parallel_loop3A_634, %parallel_loop3A_684 : vector<16xf32>
            %parallel_loop3A_686 = arith.mulf %parallel_loop3A_681, %parallel_loop3A_681 : vector<16xf32>
            %parallel_loop3A_687 = arith.addf %parallel_loop3A_636, %parallel_loop3A_686 : vector<16xf32>
            %parallel_loop3A_688 = arith.constant 0 : i32
            %parallel_loop3A_689 = arith.constant 0 : i32
            %parallel_loop3A_690 = tpu.memref_slice %arg19[%scan3A_356, %parallel_loop3A_688, %parallel_loop3A_689] : memref<4x32x128xf32, #tpu.memory_space<vmem>> -> memref<1x32x128xf32, #tpu.memory_space<vmem>>
            %parallel_loop3A_691 = tpu.memref_squeeze %parallel_loop3A_690 : memref<1x32x128xf32, #tpu.memory_space<vmem>> -> memref<32x128xf32, #tpu.memory_space<vmem>>
            %parallel_loop3A_692 = arith.index_cast %parallel_loop3A_630 : i32 to index
            %parallel_loop3A_693 = arith.constant 16 : index
            %parallel_loop3A_694 = tpu.vector_load %parallel_loop3A_691[%parallel_loop3A_692, %parallel_loop3A_693] {strides = array<i32>} : memref<32x128xf32, #tpu.memory_space<vmem>>, vector<16xf32>,
            %parallel_loop3A_695 = arith.mulf %parallel_loop3A_694, %parallel_loop3A_646 : vector<16xf32>
            %parallel_loop3A_696 = arith.constant 0 : i32
            %parallel_loop3A_697 = arith.constant 0 : i32
            %parallel_loop3A_698 = tpu.memref_slice %arg19[%scan3A_357, %parallel_loop3A_696, %parallel_loop3A_697] : memref<4x32x128xf32, #tpu.memory_space<vmem>> -> memref<1x32x128xf32, #tpu.memory_space<vmem>>
            %parallel_loop3A_699 = tpu.memref_squeeze %parallel_loop3A_698 : memref<1x32x128xf32, #tpu.memory_space<vmem>> -> memref<32x128xf32, #tpu.memory_space<vmem>>
            %parallel_loop3A_700 = arith.index_cast %parallel_loop3A_630 : i32 to index
            %parallel_loop3A_701 = arith.constant 16 : index
            %parallel_loop3A_702 = tpu.vector_load %parallel_loop3A_699[%parallel_loop3A_700, %parallel_loop3A_701] {strides = array<i32>} : memref<32x128xf32, #tpu.memory_space<vmem>>, vector<16xf32>,
            %parallel_loop3A_703 = arith.subf %parallel_loop3A_695, %parallel_loop3A_702 : vector<16xf32>
            %parallel_loop3A_704 = arith.subf %parallel_loop3A_703, %parallel_loop3A_648 : vector<16xf32>
            %parallel_loop3A_705 = arith.constant 0 : i32
            %parallel_loop3A_706 = arith.constant 0 : i32
            %parallel_loop3A_707 = tpu.memref_slice %arg19[%scan3A_358, %parallel_loop3A_705, %parallel_loop3A_706] : memref<4x32x128xf32, #tpu.memory_space<vmem>> -> memref<1x32x128xf32, #tpu.memory_space<vmem>>
            %parallel_loop3A_708 = tpu.memref_squeeze %parallel_loop3A_707 : memref<1x32x128xf32, #tpu.memory_space<vmem>> -> memref<32x128xf32, #tpu.memory_space<vmem>>
            %parallel_loop3A_709 = arith.index_cast %parallel_loop3A_630 : i32 to index
            %parallel_loop3A_710 = arith.constant 16 : index
            %parallel_loop3A_711 = tpu.vector_load %parallel_loop3A_708[%parallel_loop3A_709, %parallel_loop3A_710] {strides = array<i32>} : memref<32x128xf32, #tpu.memory_space<vmem>>, vector<16xf32>,
            %parallel_loop3A_712 = arith.mulf %parallel_loop3A_711, %parallel_loop3A_646 : vector<16xf32>
            %parallel_loop3A_713 = arith.constant 0 : i32
            %parallel_loop3A_714 = arith.constant 0 : i32
            %parallel_loop3A_715 = tpu.memref_slice %arg19[%scan3A_359, %parallel_loop3A_713, %parallel_loop3A_714] : memref<4x32x128xf32, #tpu.memory_space<vmem>> -> memref<1x32x128xf32, #tpu.memory_space<vmem>>
            %parallel_loop3A_716 = tpu.memref_squeeze %parallel_loop3A_715 : memref<1x32x128xf32, #tpu.memory_space<vmem>> -> memref<32x128xf32, #tpu.memory_space<vmem>>
            %parallel_loop3A_717 = arith.index_cast %parallel_loop3A_630 : i32 to index
            %parallel_loop3A_718 = arith.constant 16 : index
            %parallel_loop3A_719 = tpu.vector_load %parallel_loop3A_716[%parallel_loop3A_717, %parallel_loop3A_718] {strides = array<i32>} : memref<32x128xf32, #tpu.memory_space<vmem>>, vector<16xf32>,
            %parallel_loop3A_720 = arith.subf %parallel_loop3A_712, %parallel_loop3A_719 : vector<16xf32>
            %parallel_loop3A_721 = arith.mulf %parallel_loop3A_704, %parallel_loop3A_704 : vector<16xf32>
            %parallel_loop3A_722 = arith.addf %parallel_loop3A_683, %parallel_loop3A_721 : vector<16xf32>
            %parallel_loop3A_723 = arith.mulf %parallel_loop3A_704, %parallel_loop3A_720 : vector<16xf32>
            %parallel_loop3A_724 = arith.addf %parallel_loop3A_685, %parallel_loop3A_723 : vector<16xf32>
            %parallel_loop3A_725 = arith.mulf %parallel_loop3A_720, %parallel_loop3A_720 : vector<16xf32>
            %parallel_loop3A_726 = arith.addf %parallel_loop3A_687, %parallel_loop3A_725 : vector<16xf32>
            %parallel_loop3A_727 = arith.index_cast %parallel_loop3A_630 : i32 to index
            %parallel_loop3A_728 = arith.constant 16 : index
            %parallel_loop3A_729 = tpu.vector_load %arg21[%parallel_loop3A_727, %parallel_loop3A_728] {strides = array<i32>} : memref<32x128xi32, #tpu.memory_space<vmem>>, vector<16xi32>,
            %parallel_loop3A_730 = vector.bitcast %parallel_loop3A_729 : vector<16xi32> to vector<32xbf16>
            %parallel_loop3A_731 = arith.index_cast %parallel_loop3A_630 : i32 to index
            %parallel_loop3A_732 = arith.constant 80 : index
            %parallel_loop3A_733 = tpu.vector_load %arg21[%parallel_loop3A_731, %parallel_loop3A_732] {strides = array<i32>} : memref<32x128xi32, #tpu.memory_space<vmem>>, vector<16xi32>,
            %parallel_loop3A_734 = vector.bitcast %parallel_loop3A_733 : vector<16xi32> to vector<32xbf16>
            %parallel_loop3A_735 = tpu.unpack_subelements %parallel_loop3A_730, 0 {pack_format = #tpu.pack_format<interleaved>} : vector<32xbf16> -> vector<16xf32>
            %parallel_loop3A_736 = tpu.unpack_subelements %parallel_loop3A_730, 1 {pack_format = #tpu.pack_format<interleaved>} : vector<32xbf16> -> vector<16xf32>
            %parallel_loop3A_737 = tpu.unpack_subelements %parallel_loop3A_734, 0 {pack_format = #tpu.pack_format<interleaved>} : vector<32xbf16> -> vector<16xf32>
            %parallel_loop3A_738 = tpu.unpack_subelements %parallel_loop3A_734, 1 {pack_format = #tpu.pack_format<interleaved>} : vector<32xbf16> -> vector<16xf32>
            %parallel_loop3A_739 = arith.constant 0 : i32
            %parallel_loop3A_740 = arith.constant 0 : i32
            %parallel_loop3A_741 = tpu.memref_slice %arg19[%scan3A_356, %parallel_loop3A_739, %parallel_loop3A_740] : memref<4x32x128xf32, #tpu.memory_space<vmem>> -> memref<1x32x128xf32, #tpu.memory_space<vmem>>
            %parallel_loop3A_742 = tpu.memref_squeeze %parallel_loop3A_741 : memref<1x32x128xf32, #tpu.memory_space<vmem>> -> memref<32x128xf32, #tpu.memory_space<vmem>>
            %parallel_loop3A_743 = arith.index_cast %parallel_loop3A_630 : i32 to index
            %parallel_loop3A_744 = arith.constant 32 : index
            %parallel_loop3A_745 = tpu.vector_load %parallel_loop3A_742[%parallel_loop3A_743, %parallel_loop3A_744] {strides = array<i32>} : memref<32x128xf32, #tpu.memory_space<vmem>>, vector<16xf32>,
            %parallel_loop3A_746 = arith.mulf %parallel_loop3A_745, %parallel_loop3A_735 : vector<16xf32>
            %parallel_loop3A_747 = arith.constant 0 : i32
            %parallel_loop3A_748 = arith.constant 0 : i32
            %parallel_loop3A_749 = tpu.memref_slice %arg19[%scan3A_357, %parallel_loop3A_747, %parallel_loop3A_748] : memref<4x32x128xf32, #tpu.memory_space<vmem>> -> memref<1x32x128xf32, #tpu.memory_space<vmem>>
            %parallel_loop3A_750 = tpu.memref_squeeze %parallel_loop3A_749 : memref<1x32x128xf32, #tpu.memory_space<vmem>> -> memref<32x128xf32, #tpu.memory_space<vmem>>
            %parallel_loop3A_751 = arith.index_cast %parallel_loop3A_630 : i32 to index
            %parallel_loop3A_752 = arith.constant 32 : index
            %parallel_loop3A_753 = tpu.vector_load %parallel_loop3A_750[%parallel_loop3A_751, %parallel_loop3A_752] {strides = array<i32>} : memref<32x128xf32, #tpu.memory_space<vmem>>, vector<16xf32>,
            %parallel_loop3A_754 = arith.subf %parallel_loop3A_746, %parallel_loop3A_753 : vector<16xf32>
            %parallel_loop3A_755 = arith.subf %parallel_loop3A_754, %parallel_loop3A_737 : vector<16xf32>
            %parallel_loop3A_756 = arith.constant 0 : i32
            %parallel_loop3A_757 = arith.constant 0 : i32
            %parallel_loop3A_758 = tpu.memref_slice %arg19[%scan3A_358, %parallel_loop3A_756, %parallel_loop3A_757] : memref<4x32x128xf32, #tpu.memory_space<vmem>> -> memref<1x32x128xf32, #tpu.memory_space<vmem>>
            %parallel_loop3A_759 = tpu.memref_squeeze %parallel_loop3A_758 : memref<1x32x128xf32, #tpu.memory_space<vmem>> -> memref<32x128xf32, #tpu.memory_space<vmem>>
            %parallel_loop3A_760 = arith.index_cast %parallel_loop3A_630 : i32 to index
            %parallel_loop3A_761 = arith.constant 32 : index
            %parallel_loop3A_762 = tpu.vector_load %parallel_loop3A_759[%parallel_loop3A_760, %parallel_loop3A_761] {strides = array<i32>} : memref<32x128xf32, #tpu.memory_space<vmem>>, vector<16xf32>,
            %parallel_loop3A_763 = arith.mulf %parallel_loop3A_762, %parallel_loop3A_735 : vector<16xf32>
            %parallel_loop3A_764 = arith.constant 0 : i32
            %parallel_loop3A_765 = arith.constant 0 : i32
            %parallel_loop3A_766 = tpu.memref_slice %arg19[%scan3A_359, %parallel_loop3A_764, %parallel_loop3A_765] : memref<4x32x128xf32, #tpu.memory_space<vmem>> -> memref<1x32x128xf32, #tpu.memory_space<vmem>>
            %parallel_loop3A_767 = tpu.memref_squeeze %parallel_loop3A_766 : memref<1x32x128xf32, #tpu.memory_space<vmem>> -> memref<32x128xf32, #tpu.memory_space<vmem>>
            %parallel_loop3A_768 = arith.index_cast %parallel_loop3A_630 : i32 to index
            %parallel_loop3A_769 = arith.constant 32 : index
            %parallel_loop3A_770 = tpu.vector_load %parallel_loop3A_767[%parallel_loop3A_768, %parallel_loop3A_769] {strides = array<i32>} : memref<32x128xf32, #tpu.memory_space<vmem>>, vector<16xf32>,
            %parallel_loop3A_771 = arith.subf %parallel_loop3A_763, %parallel_loop3A_770 : vector<16xf32>
            %parallel_loop3A_772 = arith.mulf %parallel_loop3A_755, %parallel_loop3A_755 : vector<16xf32>
            %parallel_loop3A_773 = arith.addf %parallel_loop3A_722, %parallel_loop3A_772 : vector<16xf32>
            %parallel_loop3A_774 = arith.mulf %parallel_loop3A_755, %parallel_loop3A_771 : vector<16xf32>
            %parallel_loop3A_775 = arith.addf %parallel_loop3A_724, %parallel_loop3A_774 : vector<16xf32>
            %parallel_loop3A_776 = arith.mulf %parallel_loop3A_771, %parallel_loop3A_771 : vector<16xf32>
            %parallel_loop3A_777 = arith.addf %parallel_loop3A_726, %parallel_loop3A_776 : vector<16xf32>
            %parallel_loop3A_778 = arith.constant 0 : i32
            %parallel_loop3A_779 = arith.constant 0 : i32
            %parallel_loop3A_780 = tpu.memref_slice %arg19[%scan3A_356, %parallel_loop3A_778, %parallel_loop3A_779] : memref<4x32x128xf32, #tpu.memory_space<vmem>> -> memref<1x32x128xf32, #tpu.memory_space<vmem>>
            %parallel_loop3A_781 = tpu.memref_squeeze %parallel_loop3A_780 : memref<1x32x128xf32, #tpu.memory_space<vmem>> -> memref<32x128xf32, #tpu.memory_space<vmem>>
            %parallel_loop3A_782 = arith.index_cast %parallel_loop3A_630 : i32 to index
            %parallel_loop3A_783 = arith.constant 48 : index
            %parallel_loop3A_784 = tpu.vector_load %parallel_loop3A_781[%parallel_loop3A_782, %parallel_loop3A_783] {strides = array<i32>} : memref<32x128xf32, #tpu.memory_space<vmem>>, vector<16xf32>,
            %parallel_loop3A_785 = arith.mulf %parallel_loop3A_784, %parallel_loop3A_736 : vector<16xf32>
            %parallel_loop3A_786 = arith.constant 0 : i32
            %parallel_loop3A_787 = arith.constant 0 : i32
            %parallel_loop3A_788 = tpu.memref_slice %arg19[%scan3A_357, %parallel_loop3A_786, %parallel_loop3A_787] : memref<4x32x128xf32, #tpu.memory_space<vmem>> -> memref<1x32x128xf32, #tpu.memory_space<vmem>>
            %parallel_loop3A_789 = tpu.memref_squeeze %parallel_loop3A_788 : memref<1x32x128xf32, #tpu.memory_space<vmem>> -> memref<32x128xf32, #tpu.memory_space<vmem>>
            %parallel_loop3A_790 = arith.index_cast %parallel_loop3A_630 : i32 to index
            %parallel_loop3A_791 = arith.constant 48 : index
            %parallel_loop3A_792 = tpu.vector_load %parallel_loop3A_789[%parallel_loop3A_790, %parallel_loop3A_791] {strides = array<i32>} : memref<32x128xf32, #tpu.memory_space<vmem>>, vector<16xf32>,
            %parallel_loop3A_793 = arith.subf %parallel_loop3A_785, %parallel_loop3A_792 : vector<16xf32>
            %parallel_loop3A_794 = arith.subf %parallel_loop3A_793, %parallel_loop3A_738 : vector<16xf32>
            %parallel_loop3A_795 = arith.constant 0 : i32
            %parallel_loop3A_796 = arith.constant 0 : i32
            %parallel_loop3A_797 = tpu.memref_slice %arg19[%scan3A_358, %parallel_loop3A_795, %parallel_loop3A_796] : memref<4x32x128xf32, #tpu.memory_space<vmem>> -> memref<1x32x128xf32, #tpu.memory_space<vmem>>
            %parallel_loop3A_798 = tpu.memref_squeeze %parallel_loop3A_797 : memref<1x32x128xf32, #tpu.memory_space<vmem>> -> memref<32x128xf32, #tpu.memory_space<vmem>>
            %parallel_loop3A_799 = arith.index_cast %parallel_loop3A_630 : i32 to index
            %parallel_loop3A_800 = arith.constant 48 : index
            %parallel_loop3A_801 = tpu.vector_load %parallel_loop3A_798[%parallel_loop3A_799, %parallel_loop3A_800] {strides = array<i32>} : memref<32x128xf32, #tpu.memory_space<vmem>>, vector<16xf32>,
            %parallel_loop3A_802 = arith.mulf %parallel_loop3A_801, %parallel_loop3A_736 : vector<16xf32>
            %parallel_loop3A_803 = arith.constant 0 : i32
            %parallel_loop3A_804 = arith.constant 0 : i32
            %parallel_loop3A_805 = tpu.memref_slice %arg19[%scan3A_359, %parallel_loop3A_803, %parallel_loop3A_804] : memref<4x32x128xf32, #tpu.memory_space<vmem>> -> memref<1x32x128xf32, #tpu.memory_space<vmem>>
            %parallel_loop3A_806 = tpu.memref_squeeze %parallel_loop3A_805 : memref<1x32x128xf32, #tpu.memory_space<vmem>> -> memref<32x128xf32, #tpu.memory_space<vmem>>
            %parallel_loop3A_807 = arith.index_cast %parallel_loop3A_630 : i32 to index
            %parallel_loop3A_808 = arith.constant 48 : index
            %parallel_loop3A_809 = tpu.vector_load %parallel_loop3A_806[%parallel_loop3A_807, %parallel_loop3A_808] {strides = array<i32>} : memref<32x128xf32, #tpu.memory_space<vmem>>, vector<16xf32>,
            %parallel_loop3A_810 = arith.subf %parallel_loop3A_802, %parallel_loop3A_809 : vector<16xf32>
            %parallel_loop3A_811 = arith.mulf %parallel_loop3A_794, %parallel_loop3A_794 : vector<16xf32>
            %parallel_loop3A_812 = arith.addf %parallel_loop3A_773, %parallel_loop3A_811 : vector<16xf32>
            %parallel_loop3A_813 = arith.mulf %parallel_loop3A_794, %parallel_loop3A_810 : vector<16xf32>
            %parallel_loop3A_814 = arith.addf %parallel_loop3A_775, %parallel_loop3A_813 : vector<16xf32>
            %parallel_loop3A_815 = arith.mulf %parallel_loop3A_810, %parallel_loop3A_810 : vector<16xf32>
            %parallel_loop3A_816 = arith.addf %parallel_loop3A_777, %parallel_loop3A_815 : vector<16xf32>
            %parallel_loop3A_817 = arith.index_cast %parallel_loop3A_630 : i32 to index
            %parallel_loop3A_818 = arith.constant 32 : index
            %parallel_loop3A_819 = tpu.vector_load %arg21[%parallel_loop3A_817, %parallel_loop3A_818] {strides = array<i32>} : memref<32x128xi32, #tpu.memory_space<vmem>>, vector<16xi32>,
            %parallel_loop3A_820 = vector.bitcast %parallel_loop3A_819 : vector<16xi32> to vector<32xbf16>
            %parallel_loop3A_821 = arith.index_cast %parallel_loop3A_630 : i32 to index
            %parallel_loop3A_822 = arith.constant 96 : index
            %parallel_loop3A_823 = tpu.vector_load %arg21[%parallel_loop3A_821, %parallel_loop3A_822] {strides = array<i32>} : memref<32x128xi32, #tpu.memory_space<vmem>>, vector<16xi32>,
            %parallel_loop3A_824 = vector.bitcast %parallel_loop3A_823 : vector<16xi32> to vector<32xbf16>
            %parallel_loop3A_825 = tpu.unpack_subelements %parallel_loop3A_820, 0 {pack_format = #tpu.pack_format<interleaved>} : vector<32xbf16> -> vector<16xf32>
            %parallel_loop3A_826 = tpu.unpack_subelements %parallel_loop3A_820, 1 {pack_format = #tpu.pack_format<interleaved>} : vector<32xbf16> -> vector<16xf32>
            %parallel_loop3A_827 = tpu.unpack_subelements %parallel_loop3A_824, 0 {pack_format = #tpu.pack_format<interleaved>} : vector<32xbf16> -> vector<16xf32>
            %parallel_loop3A_828 = tpu.unpack_subelements %parallel_loop3A_824, 1 {pack_format = #tpu.pack_format<interleaved>} : vector<32xbf16> -> vector<16xf32>
            %parallel_loop3A_829 = arith.constant 0 : i32
            %parallel_loop3A_830 = arith.constant 0 : i32
            %parallel_loop3A_831 = tpu.memref_slice %arg19[%scan3A_356, %parallel_loop3A_829, %parallel_loop3A_830] : memref<4x32x128xf32, #tpu.memory_space<vmem>> -> memref<1x32x128xf32, #tpu.memory_space<vmem>>
            %parallel_loop3A_832 = tpu.memref_squeeze %parallel_loop3A_831 : memref<1x32x128xf32, #tpu.memory_space<vmem>> -> memref<32x128xf32, #tpu.memory_space<vmem>>
            %parallel_loop3A_833 = arith.index_cast %parallel_loop3A_630 : i32 to index
            %parallel_loop3A_834 = arith.constant 64 : index
            %parallel_loop3A_835 = tpu.vector_load %parallel_loop3A_832[%parallel_loop3A_833, %parallel_loop3A_834] {strides = array<i32>} : memref<32x128xf32, #tpu.memory_space<vmem>>, vector<16xf32>,
            %parallel_loop3A_836 = arith.mulf %parallel_loop3A_835, %parallel_loop3A_825 : vector<16xf32>
            %parallel_loop3A_837 = arith.constant 0 : i32
            %parallel_loop3A_838 = arith.constant 0 : i32
            %parallel_loop3A_839 = tpu.memref_slice %arg19[%scan3A_357, %parallel_loop3A_837, %parallel_loop3A_838] : memref<4x32x128xf32, #tpu.memory_space<vmem>> -> memref<1x32x128xf32, #tpu.memory_space<vmem>>
            %parallel_loop3A_840 = tpu.memref_squeeze %parallel_loop3A_839 : memref<1x32x128xf32, #tpu.memory_space<vmem>> -> memref<32x128xf32, #tpu.memory_space<vmem>>
            %parallel_loop3A_841 = arith.index_cast %parallel_loop3A_630 : i32 to index
            %parallel_loop3A_842 = arith.constant 64 : index
            %parallel_loop3A_843 = tpu.vector_load %parallel_loop3A_840[%parallel_loop3A_841, %parallel_loop3A_842] {strides = array<i32>} : memref<32x128xf32, #tpu.memory_space<vmem>>, vector<16xf32>,
            %parallel_loop3A_844 = arith.subf %parallel_loop3A_836, %parallel_loop3A_843 : vector<16xf32>
            %parallel_loop3A_845 = arith.subf %parallel_loop3A_844, %parallel_loop3A_827 : vector<16xf32>
            %parallel_loop3A_846 = arith.constant 0 : i32
            %parallel_loop3A_847 = arith.constant 0 : i32
            %parallel_loop3A_848 = tpu.memref_slice %arg19[%scan3A_358, %parallel_loop3A_846, %parallel_loop3A_847] : memref<4x32x128xf32, #tpu.memory_space<vmem>> -> memref<1x32x128xf32, #tpu.memory_space<vmem>>
            %parallel_loop3A_849 = tpu.memref_squeeze %parallel_loop3A_848 : memref<1x32x128xf32, #tpu.memory_space<vmem>> -> memref<32x128xf32, #tpu.memory_space<vmem>>
            %parallel_loop3A_850 = arith.index_cast %parallel_loop3A_630 : i32 to index
            %parallel_loop3A_851 = arith.constant 64 : index
            %parallel_loop3A_852 = tpu.vector_load %parallel_loop3A_849[%parallel_loop3A_850, %parallel_loop3A_851] {strides = array<i32>} : memref<32x128xf32, #tpu.memory_space<vmem>>, vector<16xf32>,
            %parallel_loop3A_853 = arith.mulf %parallel_loop3A_852, %parallel_loop3A_825 : vector<16xf32>
            %parallel_loop3A_854 = arith.constant 0 : i32
            %parallel_loop3A_855 = arith.constant 0 : i32
            %parallel_loop3A_856 = tpu.memref_slice %arg19[%scan3A_359, %parallel_loop3A_854, %parallel_loop3A_855] : memref<4x32x128xf32, #tpu.memory_space<vmem>> -> memref<1x32x128xf32, #tpu.memory_space<vmem>>
            %parallel_loop3A_857 = tpu.memref_squeeze %parallel_loop3A_856 : memref<1x32x128xf32, #tpu.memory_space<vmem>> -> memref<32x128xf32, #tpu.memory_space<vmem>>
            %parallel_loop3A_858 = arith.index_cast %parallel_loop3A_630 : i32 to index
            %parallel_loop3A_859 = arith.constant 64 : index
            %parallel_loop3A_860 = tpu.vector_load %parallel_loop3A_857[%parallel_loop3A_858, %parallel_loop3A_859] {strides = array<i32>} : memref<32x128xf32, #tpu.memory_space<vmem>>, vector<16xf32>,
            %parallel_loop3A_861 = arith.subf %parallel_loop3A_853, %parallel_loop3A_860 : vector<16xf32>
            %parallel_loop3A_862 = arith.mulf %parallel_loop3A_845, %parallel_loop3A_845 : vector<16xf32>
            %parallel_loop3A_863 = arith.addf %parallel_loop3A_812, %parallel_loop3A_862 : vector<16xf32>
            %parallel_loop3A_864 = arith.mulf %parallel_loop3A_845, %parallel_loop3A_861 : vector<16xf32>
            %parallel_loop3A_865 = arith.addf %parallel_loop3A_814, %parallel_loop3A_864 : vector<16xf32>
            %parallel_loop3A_866 = arith.mulf %parallel_loop3A_861, %parallel_loop3A_861 : vector<16xf32>
            %parallel_loop3A_867 = arith.addf %parallel_loop3A_816, %parallel_loop3A_866 : vector<16xf32>
            %parallel_loop3A_868 = arith.constant 0 : i32
            %parallel_loop3A_869 = arith.constant 0 : i32
            %parallel_loop3A_870 = tpu.memref_slice %arg19[%scan3A_356, %parallel_loop3A_868, %parallel_loop3A_869] : memref<4x32x128xf32, #tpu.memory_space<vmem>> -> memref<1x32x128xf32, #tpu.memory_space<vmem>>
            %parallel_loop3A_871 = tpu.memref_squeeze %parallel_loop3A_870 : memref<1x32x128xf32, #tpu.memory_space<vmem>> -> memref<32x128xf32, #tpu.memory_space<vmem>>
            %parallel_loop3A_872 = arith.index_cast %parallel_loop3A_630 : i32 to index
            %parallel_loop3A_873 = arith.constant 80 : index
            %parallel_loop3A_874 = tpu.vector_load %parallel_loop3A_871[%parallel_loop3A_872, %parallel_loop3A_873] {strides = array<i32>} : memref<32x128xf32, #tpu.memory_space<vmem>>, vector<16xf32>,
            %parallel_loop3A_875 = arith.mulf %parallel_loop3A_874, %parallel_loop3A_826 : vector<16xf32>
            %parallel_loop3A_876 = arith.constant 0 : i32
            %parallel_loop3A_877 = arith.constant 0 : i32
            %parallel_loop3A_878 = tpu.memref_slice %arg19[%scan3A_357, %parallel_loop3A_876, %parallel_loop3A_877] : memref<4x32x128xf32, #tpu.memory_space<vmem>> -> memref<1x32x128xf32, #tpu.memory_space<vmem>>
            %parallel_loop3A_879 = tpu.memref_squeeze %parallel_loop3A_878 : memref<1x32x128xf32, #tpu.memory_space<vmem>> -> memref<32x128xf32, #tpu.memory_space<vmem>>
            %parallel_loop3A_880 = arith.index_cast %parallel_loop3A_630 : i32 to index
            %parallel_loop3A_881 = arith.constant 80 : index
            %parallel_loop3A_882 = tpu.vector_load %parallel_loop3A_879[%parallel_loop3A_880, %parallel_loop3A_881] {strides = array<i32>} : memref<32x128xf32, #tpu.memory_space<vmem>>, vector<16xf32>,
            %parallel_loop3A_883 = arith.subf %parallel_loop3A_875, %parallel_loop3A_882 : vector<16xf32>
            %parallel_loop3A_884 = arith.subf %parallel_loop3A_883, %parallel_loop3A_828 : vector<16xf32>
            %parallel_loop3A_885 = arith.constant 0 : i32
            %parallel_loop3A_886 = arith.constant 0 : i32
            %parallel_loop3A_887 = tpu.memref_slice %arg19[%scan3A_358, %parallel_loop3A_885, %parallel_loop3A_886] : memref<4x32x128xf32, #tpu.memory_space<vmem>> -> memref<1x32x128xf32, #tpu.memory_space<vmem>>
            %parallel_loop3A_888 = tpu.memref_squeeze %parallel_loop3A_887 : memref<1x32x128xf32, #tpu.memory_space<vmem>> -> memref<32x128xf32, #tpu.memory_space<vmem>>
            %parallel_loop3A_889 = arith.index_cast %parallel_loop3A_630 : i32 to index
            %parallel_loop3A_890 = arith.constant 80 : index
            %parallel_loop3A_891 = tpu.vector_load %parallel_loop3A_888[%parallel_loop3A_889, %parallel_loop3A_890] {strides = array<i32>} : memref<32x128xf32, #tpu.memory_space<vmem>>, vector<16xf32>,
            %parallel_loop3A_892 = arith.mulf %parallel_loop3A_891, %parallel_loop3A_826 : vector<16xf32>
            %parallel_loop3A_893 = arith.constant 0 : i32
            %parallel_loop3A_894 = arith.constant 0 : i32
            %parallel_loop3A_895 = tpu.memref_slice %arg19[%scan3A_359, %parallel_loop3A_893, %parallel_loop3A_894] : memref<4x32x128xf32, #tpu.memory_space<vmem>> -> memref<1x32x128xf32, #tpu.memory_space<vmem>>
            %parallel_loop3A_896 = tpu.memref_squeeze %parallel_loop3A_895 : memref<1x32x128xf32, #tpu.memory_space<vmem>> -> memref<32x128xf32, #tpu.memory_space<vmem>>
            %parallel_loop3A_897 = arith.index_cast %parallel_loop3A_630 : i32 to index
            %parallel_loop3A_898 = arith.constant 80 : index
            %parallel_loop3A_899 = tpu.vector_load %parallel_loop3A_896[%parallel_loop3A_897, %parallel_loop3A_898] {strides = array<i32>} : memref<32x128xf32, #tpu.memory_space<vmem>>, vector<16xf32>,
            %parallel_loop3A_900 = arith.subf %parallel_loop3A_892, %parallel_loop3A_899 : vector<16xf32>
            %parallel_loop3A_901 = arith.mulf %parallel_loop3A_884, %parallel_loop3A_884 : vector<16xf32>
            %parallel_loop3A_902 = arith.addf %parallel_loop3A_863, %parallel_loop3A_901 : vector<16xf32>
            %parallel_loop3A_903 = arith.mulf %parallel_loop3A_884, %parallel_loop3A_900 : vector<16xf32>
            %parallel_loop3A_904 = arith.addf %parallel_loop3A_865, %parallel_loop3A_903 : vector<16xf32>
            %parallel_loop3A_905 = arith.mulf %parallel_loop3A_900, %parallel_loop3A_900 : vector<16xf32>
            %parallel_loop3A_906 = arith.addf %parallel_loop3A_867, %parallel_loop3A_905 : vector<16xf32>
            %parallel_loop3A_907 = arith.index_cast %parallel_loop3A_630 : i32 to index
            %parallel_loop3A_908 = arith.constant 48 : index
            %parallel_loop3A_909 = tpu.vector_load %arg21[%parallel_loop3A_907, %parallel_loop3A_908] {strides = array<i32>} : memref<32x128xi32, #tpu.memory_space<vmem>>, vector<16xi32>,
            %parallel_loop3A_910 = vector.bitcast %parallel_loop3A_909 : vector<16xi32> to vector<32xbf16>
            %parallel_loop3A_911 = arith.index_cast %parallel_loop3A_630 : i32 to index
            %parallel_loop3A_912 = arith.constant 112 : index
            %parallel_loop3A_913 = tpu.vector_load %arg21[%parallel_loop3A_911, %parallel_loop3A_912] {strides = array<i32>} : memref<32x128xi32, #tpu.memory_space<vmem>>, vector<16xi32>,
            %parallel_loop3A_914 = vector.bitcast %parallel_loop3A_913 : vector<16xi32> to vector<32xbf16>
            %parallel_loop3A_915 = tpu.unpack_subelements %parallel_loop3A_910, 0 {pack_format = #tpu.pack_format<interleaved>} : vector<32xbf16> -> vector<16xf32>
            %parallel_loop3A_916 = tpu.unpack_subelements %parallel_loop3A_910, 1 {pack_format = #tpu.pack_format<interleaved>} : vector<32xbf16> -> vector<16xf32>
            %parallel_loop3A_917 = tpu.unpack_subelements %parallel_loop3A_914, 0 {pack_format = #tpu.pack_format<interleaved>} : vector<32xbf16> -> vector<16xf32>
            %parallel_loop3A_918 = tpu.unpack_subelements %parallel_loop3A_914, 1 {pack_format = #tpu.pack_format<interleaved>} : vector<32xbf16> -> vector<16xf32>
            %parallel_loop3A_919 = arith.constant 0 : i32
            %parallel_loop3A_920 = arith.constant 0 : i32
            %parallel_loop3A_921 = tpu.memref_slice %arg19[%scan3A_356, %parallel_loop3A_919, %parallel_loop3A_920] : memref<4x32x128xf32, #tpu.memory_space<vmem>> -> memref<1x32x128xf32, #tpu.memory_space<vmem>>
            %parallel_loop3A_922 = tpu.memref_squeeze %parallel_loop3A_921 : memref<1x32x128xf32, #tpu.memory_space<vmem>> -> memref<32x128xf32, #tpu.memory_space<vmem>>
            %parallel_loop3A_923 = arith.index_cast %parallel_loop3A_630 : i32 to index
            %parallel_loop3A_924 = arith.constant 96 : index
            %parallel_loop3A_925 = tpu.vector_load %parallel_loop3A_922[%parallel_loop3A_923, %parallel_loop3A_924] {strides = array<i32>} : memref<32x128xf32, #tpu.memory_space<vmem>>, vector<16xf32>,
            %parallel_loop3A_926 = arith.mulf %parallel_loop3A_925, %parallel_loop3A_915 : vector<16xf32>
            %parallel_loop3A_927 = arith.constant 0 : i32
            %parallel_loop3A_928 = arith.constant 0 : i32
            %parallel_loop3A_929 = tpu.memref_slice %arg19[%scan3A_357, %parallel_loop3A_927, %parallel_loop3A_928] : memref<4x32x128xf32, #tpu.memory_space<vmem>> -> memref<1x32x128xf32, #tpu.memory_space<vmem>>
            %parallel_loop3A_930 = tpu.memref_squeeze %parallel_loop3A_929 : memref<1x32x128xf32, #tpu.memory_space<vmem>> -> memref<32x128xf32, #tpu.memory_space<vmem>>
            %parallel_loop3A_931 = arith.index_cast %parallel_loop3A_630 : i32 to index
            %parallel_loop3A_932 = arith.constant 96 : index
            %parallel_loop3A_933 = tpu.vector_load %parallel_loop3A_930[%parallel_loop3A_931, %parallel_loop3A_932] {strides = array<i32>} : memref<32x128xf32, #tpu.memory_space<vmem>>, vector<16xf32>,
            %parallel_loop3A_934 = arith.subf %parallel_loop3A_926, %parallel_loop3A_933 : vector<16xf32>
            %parallel_loop3A_935 = arith.subf %parallel_loop3A_934, %parallel_loop3A_917 : vector<16xf32>
            %parallel_loop3A_936 = arith.constant 0 : i32
            %parallel_loop3A_937 = arith.constant 0 : i32
            %parallel_loop3A_938 = tpu.memref_slice %arg19[%scan3A_358, %parallel_loop3A_936, %parallel_loop3A_937] : memref<4x32x128xf32, #tpu.memory_space<vmem>> -> memref<1x32x128xf32, #tpu.memory_space<vmem>>
            %parallel_loop3A_939 = tpu.memref_squeeze %parallel_loop3A_938 : memref<1x32x128xf32, #tpu.memory_space<vmem>> -> memref<32x128xf32, #tpu.memory_space<vmem>>
            %parallel_loop3A_940 = arith.index_cast %parallel_loop3A_630 : i32 to index
            %parallel_loop3A_941 = arith.constant 96 : index
            %parallel_loop3A_942 = tpu.vector_load %parallel_loop3A_939[%parallel_loop3A_940, %parallel_loop3A_941] {strides = array<i32>} : memref<32x128xf32, #tpu.memory_space<vmem>>, vector<16xf32>,
            %parallel_loop3A_943 = arith.mulf %parallel_loop3A_942, %parallel_loop3A_915 : vector<16xf32>
            %parallel_loop3A_944 = arith.constant 0 : i32
            %parallel_loop3A_945 = arith.constant 0 : i32
            %parallel_loop3A_946 = tpu.memref_slice %arg19[%scan3A_359, %parallel_loop3A_944, %parallel_loop3A_945] : memref<4x32x128xf32, #tpu.memory_space<vmem>> -> memref<1x32x128xf32, #tpu.memory_space<vmem>>
            %parallel_loop3A_947 = tpu.memref_squeeze %parallel_loop3A_946 : memref<1x32x128xf32, #tpu.memory_space<vmem>> -> memref<32x128xf32, #tpu.memory_space<vmem>>
            %parallel_loop3A_948 = arith.index_cast %parallel_loop3A_630 : i32 to index
            %parallel_loop3A_949 = arith.constant 96 : index
            %parallel_loop3A_950 = tpu.vector_load %parallel_loop3A_947[%parallel_loop3A_948, %parallel_loop3A_949] {strides = array<i32>} : memref<32x128xf32, #tpu.memory_space<vmem>>, vector<16xf32>,
            %parallel_loop3A_951 = arith.subf %parallel_loop3A_943, %parallel_loop3A_950 : vector<16xf32>
            %parallel_loop3A_952 = arith.mulf %parallel_loop3A_935, %parallel_loop3A_935 : vector<16xf32>
            %parallel_loop3A_953 = arith.addf %parallel_loop3A_902, %parallel_loop3A_952 : vector<16xf32>
            %parallel_loop3A_954 = arith.mulf %parallel_loop3A_935, %parallel_loop3A_951 : vector<16xf32>
            %parallel_loop3A_955 = arith.addf %parallel_loop3A_904, %parallel_loop3A_954 : vector<16xf32>
            %parallel_loop3A_956 = arith.mulf %parallel_loop3A_951, %parallel_loop3A_951 : vector<16xf32>
            %parallel_loop3A_957 = arith.addf %parallel_loop3A_906, %parallel_loop3A_956 : vector<16xf32>
            %parallel_loop3A_958 = arith.constant 0 : i32
            %parallel_loop3A_959 = arith.constant 0 : i32
            %parallel_loop3A_960 = tpu.memref_slice %arg19[%scan3A_356, %parallel_loop3A_958, %parallel_loop3A_959] : memref<4x32x128xf32, #tpu.memory_space<vmem>> -> memref<1x32x128xf32, #tpu.memory_space<vmem>>
            %parallel_loop3A_961 = tpu.memref_squeeze %parallel_loop3A_960 : memref<1x32x128xf32, #tpu.memory_space<vmem>> -> memref<32x128xf32, #tpu.memory_space<vmem>>
            %parallel_loop3A_962 = arith.index_cast %parallel_loop3A_630 : i32 to index
            %parallel_loop3A_963 = arith.constant 112 : index
            %parallel_loop3A_964 = tpu.vector_load %parallel_loop3A_961[%parallel_loop3A_962, %parallel_loop3A_963] {strides = array<i32>} : memref<32x128xf32, #tpu.memory_space<vmem>>, vector<16xf32>,
            %parallel_loop3A_965 = arith.mulf %parallel_loop3A_964, %parallel_loop3A_916 : vector<16xf32>
            %parallel_loop3A_966 = arith.constant 0 : i32
            %parallel_loop3A_967 = arith.constant 0 : i32
            %parallel_loop3A_968 = tpu.memref_slice %arg19[%scan3A_357, %parallel_loop3A_966, %parallel_loop3A_967] : memref<4x32x128xf32, #tpu.memory_space<vmem>> -> memref<1x32x128xf32, #tpu.memory_space<vmem>>
            %parallel_loop3A_969 = tpu.memref_squeeze %parallel_loop3A_968 : memref<1x32x128xf32, #tpu.memory_space<vmem>> -> memref<32x128xf32, #tpu.memory_space<vmem>>
            %parallel_loop3A_970 = arith.index_cast %parallel_loop3A_630 : i32 to index
            %parallel_loop3A_971 = arith.constant 112 : index
            %parallel_loop3A_972 = tpu.vector_load %parallel_loop3A_969[%parallel_loop3A_970, %parallel_loop3A_971] {strides = array<i32>} : memref<32x128xf32, #tpu.memory_space<vmem>>, vector<16xf32>,
            %parallel_loop3A_973 = arith.subf %parallel_loop3A_965, %parallel_loop3A_972 : vector<16xf32>
            %parallel_loop3A_974 = arith.subf %parallel_loop3A_973, %parallel_loop3A_918 : vector<16xf32>
            %parallel_loop3A_975 = arith.constant 0 : i32
            %parallel_loop3A_976 = arith.constant 0 : i32
            %parallel_loop3A_977 = tpu.memref_slice %arg19[%scan3A_358, %parallel_loop3A_975, %parallel_loop3A_976] : memref<4x32x128xf32, #tpu.memory_space<vmem>> -> memref<1x32x128xf32, #tpu.memory_space<vmem>>
            %parallel_loop3A_978 = tpu.memref_squeeze %parallel_loop3A_977 : memref<1x32x128xf32, #tpu.memory_space<vmem>> -> memref<32x128xf32, #tpu.memory_space<vmem>>
            %parallel_loop3A_979 = arith.index_cast %parallel_loop3A_630 : i32 to index
            %parallel_loop3A_980 = arith.constant 112 : index
            %parallel_loop3A_981 = tpu.vector_load %parallel_loop3A_978[%parallel_loop3A_979, %parallel_loop3A_980] {strides = array<i32>} : memref<32x128xf32, #tpu.memory_space<vmem>>, vector<16xf32>,
            %parallel_loop3A_982 = arith.mulf %parallel_loop3A_981, %parallel_loop3A_916 : vector<16xf32>
            %parallel_loop3A_983 = arith.constant 0 : i32
            %parallel_loop3A_984 = arith.constant 0 : i32
            %parallel_loop3A_985 = tpu.memref_slice %arg19[%scan3A_359, %parallel_loop3A_983, %parallel_loop3A_984] : memref<4x32x128xf32, #tpu.memory_space<vmem>> -> memref<1x32x128xf32, #tpu.memory_space<vmem>>
            %parallel_loop3A_986 = tpu.memref_squeeze %parallel_loop3A_985 : memref<1x32x128xf32, #tpu.memory_space<vmem>> -> memref<32x128xf32, #tpu.memory_space<vmem>>
            %parallel_loop3A_987 = arith.index_cast %parallel_loop3A_630 : i32 to index
            %parallel_loop3A_988 = arith.constant 112 : index
            %parallel_loop3A_989 = tpu.vector_load %parallel_loop3A_986[%parallel_loop3A_987, %parallel_loop3A_988] {strides = array<i32>} : memref<32x128xf32, #tpu.memory_space<vmem>>, vector<16xf32>,
            %parallel_loop3A_990 = arith.subf %parallel_loop3A_982, %parallel_loop3A_989 : vector<16xf32>
            %parallel_loop3A_991 = arith.mulf %parallel_loop3A_974, %parallel_loop3A_974 : vector<16xf32>
            %parallel_loop3A_992 = arith.addf %parallel_loop3A_953, %parallel_loop3A_991 : vector<16xf32>
            %parallel_loop3A_993 = arith.mulf %parallel_loop3A_974, %parallel_loop3A_990 : vector<16xf32>
            %parallel_loop3A_994 = arith.addf %parallel_loop3A_955, %parallel_loop3A_993 : vector<16xf32>
            %parallel_loop3A_995 = arith.mulf %parallel_loop3A_990, %parallel_loop3A_990 : vector<16xf32>
            %parallel_loop3A_996 = arith.addf %parallel_loop3A_957, %parallel_loop3A_995 : vector<16xf32>
            %parallel_loop3A_997 = arith.index_cast %parallel_loop3A_627 : i32 to index
            %parallel_loop3A_998 = arith.constant 0 : index
            %parallel_loop3A_999 = tpu.vector_load %arg17[%parallel_loop3A_997, %parallel_loop3A_998] {strides = array<i32>} : memref<48x17xf32, #tpu.memory_space<vmem>>, vector<16xf32>,
            tpu.vector_store %arg17[%parallel_loop3A_997, %parallel_loop3A_998], %parallel_loop3A_992 {strides = array<i32>} : memref<48x17xf32, #tpu.memory_space<vmem>>, vector<16xf32>,
            %parallel_loop3A_1000 = arith.constant 16 : i32
            %parallel_loop3A_1001 = arith.addi %parallel_loop3A_627, %parallel_loop3A_1000 : i32
            %parallel_loop3A_1002 = arith.index_cast %parallel_loop3A_1001 : i32 to index
            %parallel_loop3A_1003 = arith.constant 0 : index
            %parallel_loop3A_1004 = tpu.vector_load %arg17[%parallel_loop3A_1002, %parallel_loop3A_1003] {strides = array<i32>} : memref<48x17xf32, #tpu.memory_space<vmem>>, vector<16xf32>,
            tpu.vector_store %arg17[%parallel_loop3A_1002, %parallel_loop3A_1003], %parallel_loop3A_994 {strides = array<i32>} : memref<48x17xf32, #tpu.memory_space<vmem>>, vector<16xf32>,
            %parallel_loop3A_1005 = arith.constant 32 : i32
            %parallel_loop3A_1006 = arith.addi %parallel_loop3A_627, %parallel_loop3A_1005 : i32
            %parallel_loop3A_1007 = arith.index_cast %parallel_loop3A_1006 : i32 to index
            %parallel_loop3A_1008 = arith.constant 0 : index
            %parallel_loop3A_1009 = tpu.vector_load %arg17[%parallel_loop3A_1007, %parallel_loop3A_1008] {strides = array<i32>} : memref<48x17xf32, #tpu.memory_space<vmem>>, vector<16xf32>,
            tpu.vector_store %arg17[%parallel_loop3A_1007, %parallel_loop3A_1008], %parallel_loop3A_996 {strides = array<i32>} : memref<48x17xf32, #tpu.memory_space<vmem>>, vector<16xf32>,
          } {sc.loop_unroll_factor = 2 : i64, sc.parallel_access}
          %broadcast_in_dim3A = arith.constant 0.000000e+00 : f32
          %broadcast_in_dim3A_377 = vector.broadcast %broadcast_in_dim3A : f32 to vector<16xf32>
          %broadcast_in_dim3A_378 = arith.constant 0.000000e+00 : f32
          %broadcast_in_dim3A_379 = vector.broadcast %broadcast_in_dim3A_378 : f32 to vector<16xf32>
          %broadcast_in_dim3A_380 = arith.constant 0.000000e+00 : f32
          %broadcast_in_dim3A_381 = vector.broadcast %broadcast_in_dim3A_380 : f32 to vector<16xf32>
          %broadcast_in_dim3A_382 = arith.constant 0 : i32
          %broadcast_in_dim3A_383 = vector.broadcast %broadcast_in_dim3A_382 : i32 to vector<16xi32>
          %gather3A = tpu.vector_load_idx %arg17[%iota3A, %broadcast_in_dim3A_383] : memref<48x17xf32, #tpu.memory_space<vmem>>[vector<16xi32>, vector<16xi32>], vector<16xf32>,
          %add3A_384 = arith.addf %broadcast_in_dim3A_377, %gather3A : vector<16xf32>
          %add3A_385 = arith.constant 16 : i32
          %add3A_386 = vector.broadcast %add3A_385 : i32 to vector<16xi32>
          %add3A_387 = arith.addi %iota3A, %add3A_386 : vector<16xi32>
          %gather3A_388 = tpu.vector_load_idx %arg17[%add3A_387, %broadcast_in_dim3A_383] : memref<48x17xf32, #tpu.memory_space<vmem>>[vector<16xi32>, vector<16xi32>], vector<16xf32>,
          %add3A_389 = arith.addf %broadcast_in_dim3A_379, %gather3A_388 : vector<16xf32>
          %add3A_390 = arith.constant 32 : i32
          %add3A_391 = vector.broadcast %add3A_390 : i32 to vector<16xi32>
          %add3A_392 = arith.addi %iota3A, %add3A_391 : vector<16xi32>
          %gather3A_393 = tpu.vector_load_idx %arg17[%add3A_392, %broadcast_in_dim3A_383] : memref<48x17xf32, #tpu.memory_space<vmem>>[vector<16xi32>, vector<16xi32>], vector<16xf32>,
          %add3A_394 = arith.addf %broadcast_in_dim3A_381, %gather3A_393 : vector<16xf32>
          %broadcast_in_dim3A_395 = arith.constant 1 : i32
          %broadcast_in_dim3A_396 = vector.broadcast %broadcast_in_dim3A_395 : i32 to vector<16xi32>
          %gather3A_397 = tpu.vector_load_idx %arg17[%iota3A, %broadcast_in_dim3A_396] : memref<48x17xf32, #tpu.memory_space<vmem>>[vector<16xi32>, vector<16xi32>], vector<16xf32>,
          %add3A_398 = arith.addf %add3A_384, %gather3A_397 : vector<16xf32>
          %add3A_399 = arith.constant 16 : i32
          %add3A_400 = vector.broadcast %add3A_399 : i32 to vector<16xi32>
          %add3A_401 = arith.addi %iota3A, %add3A_400 : vector<16xi32>
          %gather3A_402 = tpu.vector_load_idx %arg17[%add3A_401, %broadcast_in_dim3A_396] : memref<48x17xf32, #tpu.memory_space<vmem>>[vector<16xi32>, vector<16xi32>], vector<16xf32>,
          %add3A_403 = arith.addf %add3A_389, %gather3A_402 : vector<16xf32>
          %add3A_404 = arith.constant 32 : i32
          %add3A_405 = vector.broadcast %add3A_404 : i32 to vector<16xi32>
          %add3A_406 = arith.addi %iota3A, %add3A_405 : vector<16xi32>
          %gather3A_407 = tpu.vector_load_idx %arg17[%add3A_406, %broadcast_in_dim3A_396] : memref<48x17xf32, #tpu.memory_space<vmem>>[vector<16xi32>, vector<16xi32>], vector<16xf32>,
          %add3A_408 = arith.addf %add3A_394, %gather3A_407 : vector<16xf32>
          %broadcast_in_dim3A_409 = arith.constant 2 : i32
          %broadcast_in_dim3A_410 = vector.broadcast %broadcast_in_dim3A_409 : i32 to vector<16xi32>
          %gather3A_411 = tpu.vector_load_idx %arg17[%iota3A, %broadcast_in_dim3A_410] : memref<48x17xf32, #tpu.memory_space<vmem>>[vector<16xi32>, vector<16xi32>], vector<16xf32>,
          %add3A_412 = arith.addf %add3A_398, %gather3A_411 : vector<16xf32>
          %add3A_413 = arith.constant 16 : i32
          %add3A_414 = vector.broadcast %add3A_413 : i32 to vector<16xi32>
          %add3A_415 = arith.addi %iota3A, %add3A_414 : vector<16xi32>
          %gather3A_416 = tpu.vector_load_idx %arg17[%add3A_415, %broadcast_in_dim3A_410] : memref<48x17xf32, #tpu.memory_space<vmem>>[vector<16xi32>, vector<16xi32>], vector<16xf32>,
          %add3A_417 = arith.addf %add3A_403, %gather3A_416 : vector<16xf32>
          %add3A_418 = arith.constant 32 : i32
          %add3A_419 = vector.broadcast %add3A_418 : i32 to vector<16xi32>
          %add3A_420 = arith.addi %iota3A, %add3A_419 : vector<16xi32>
          %gather3A_421 = tpu.vector_load_idx %arg17[%add3A_420, %broadcast_in_dim3A_410] : memref<48x17xf32, #tpu.memory_space<vmem>>[vector<16xi32>, vector<16xi32>], vector<16xf32>,
          %add3A_422 = arith.addf %add3A_408, %gather3A_421 : vector<16xf32>
          %broadcast_in_dim3A_423 = arith.constant 3 : i32
          %broadcast_in_dim3A_424 = vector.broadcast %broadcast_in_dim3A_423 : i32 to vector<16xi32>
          %gather3A_425 = tpu.vector_load_idx %arg17[%iota3A, %broadcast_in_dim3A_424] : memref<48x17xf32, #tpu.memory_space<vmem>>[vector<16xi32>, vector<16xi32>], vector<16xf32>,
          %add3A_426 = arith.addf %add3A_412, %gather3A_425 : vector<16xf32>
          %add3A_427 = arith.constant 16 : i32
          %add3A_428 = vector.broadcast %add3A_427 : i32 to vector<16xi32>
          %add3A_429 = arith.addi %iota3A, %add3A_428 : vector<16xi32>
          %gather3A_430 = tpu.vector_load_idx %arg17[%add3A_429, %broadcast_in_dim3A_424] : memref<48x17xf32, #tpu.memory_space<vmem>>[vector<16xi32>, vector<16xi32>], vector<16xf32>,
          %add3A_431 = arith.addf %add3A_417, %gather3A_430 : vector<16xf32>
          %add3A_432 = arith.constant 32 : i32
          %add3A_433 = vector.broadcast %add3A_432 : i32 to vector<16xi32>
          %add3A_434 = arith.addi %iota3A, %add3A_433 : vector<16xi32>
          %gather3A_435 = tpu.vector_load_idx %arg17[%add3A_434, %broadcast_in_dim3A_424] : memref<48x17xf32, #tpu.memory_space<vmem>>[vector<16xi32>, vector<16xi32>], vector<16xf32>,
          %add3A_436 = arith.addf %add3A_422, %gather3A_435 : vector<16xf32>
          %broadcast_in_dim3A_437 = arith.constant 4 : i32
          %broadcast_in_dim3A_438 = vector.broadcast %broadcast_in_dim3A_437 : i32 to vector<16xi32>
          %gather3A_439 = tpu.vector_load_idx %arg17[%iota3A, %broadcast_in_dim3A_438] : memref<48x17xf32, #tpu.memory_space<vmem>>[vector<16xi32>, vector<16xi32>], vector<16xf32>,
          %add3A_440 = arith.addf %add3A_426, %gather3A_439 : vector<16xf32>
          %add3A_441 = arith.constant 16 : i32
          %add3A_442 = vector.broadcast %add3A_441 : i32 to vector<16xi32>
          %add3A_443 = arith.addi %iota3A, %add3A_442 : vector<16xi32>
          %gather3A_444 = tpu.vector_load_idx %arg17[%add3A_443, %broadcast_in_dim3A_438] : memref<48x17xf32, #tpu.memory_space<vmem>>[vector<16xi32>, vector<16xi32>], vector<16xf32>,
          %add3A_445 = arith.addf %add3A_431, %gather3A_444 : vector<16xf32>
          %add3A_446 = arith.constant 32 : i32
          %add3A_447 = vector.broadcast %add3A_446 : i32 to vector<16xi32>
          %add3A_448 = arith.addi %iota3A, %add3A_447 : vector<16xi32>
          %gather3A_449 = tpu.vector_load_idx %arg17[%add3A_448, %broadcast_in_dim3A_438] : memref<48x17xf32, #tpu.memory_space<vmem>>[vector<16xi32>, vector<16xi32>], vector<16xf32>,
          %add3A_450 = arith.addf %add3A_436, %gather3A_449 : vector<16xf32>
          %broadcast_in_dim3A_451 = arith.constant 5 : i32
          %broadcast_in_dim3A_452 = vector.broadcast %broadcast_in_dim3A_451 : i32 to vector<16xi32>
          %gather3A_453 = tpu.vector_load_idx %arg17[%iota3A, %broadcast_in_dim3A_452] : memref<48x17xf32, #tpu.memory_space<vmem>>[vector<16xi32>, vector<16xi32>], vector<16xf32>,
          %add3A_454 = arith.addf %add3A_440, %gather3A_453 : vector<16xf32>
          %add3A_455 = arith.constant 16 : i32
          %add3A_456 = vector.broadcast %add3A_455 : i32 to vector<16xi32>
          %add3A_457 = arith.addi %iota3A, %add3A_456 : vector<16xi32>
          %gather3A_458 = tpu.vector_load_idx %arg17[%add3A_457, %broadcast_in_dim3A_452] : memref<48x17xf32, #tpu.memory_space<vmem>>[vector<16xi32>, vector<16xi32>], vector<16xf32>,
          %add3A_459 = arith.addf %add3A_445, %gather3A_458 : vector<16xf32>
          %add3A_460 = arith.constant 32 : i32
          %add3A_461 = vector.broadcast %add3A_460 : i32 to vector<16xi32>
          %add3A_462 = arith.addi %iota3A, %add3A_461 : vector<16xi32>
          %gather3A_463 = tpu.vector_load_idx %arg17[%add3A_462, %broadcast_in_dim3A_452] : memref<48x17xf32, #tpu.memory_space<vmem>>[vector<16xi32>, vector<16xi32>], vector<16xf32>,
          %add3A_464 = arith.addf %add3A_450, %gather3A_463 : vector<16xf32>
          %broadcast_in_dim3A_465 = arith.constant 6 : i32
          %broadcast_in_dim3A_466 = vector.broadcast %broadcast_in_dim3A_465 : i32 to vector<16xi32>
          %gather3A_467 = tpu.vector_load_idx %arg17[%iota3A, %broadcast_in_dim3A_466] : memref<48x17xf32, #tpu.memory_space<vmem>>[vector<16xi32>, vector<16xi32>], vector<16xf32>,
          %add3A_468 = arith.addf %add3A_454, %gather3A_467 : vector<16xf32>
          %add3A_469 = arith.constant 16 : i32
          %add3A_470 = vector.broadcast %add3A_469 : i32 to vector<16xi32>
          %add3A_471 = arith.addi %iota3A, %add3A_470 : vector<16xi32>
          %gather3A_472 = tpu.vector_load_idx %arg17[%add3A_471, %broadcast_in_dim3A_466] : memref<48x17xf32, #tpu.memory_space<vmem>>[vector<16xi32>, vector<16xi32>], vector<16xf32>,
          %add3A_473 = arith.addf %add3A_459, %gather3A_472 : vector<16xf32>
          %add3A_474 = arith.constant 32 : i32
          %add3A_475 = vector.broadcast %add3A_474 : i32 to vector<16xi32>
          %add3A_476 = arith.addi %iota3A, %add3A_475 : vector<16xi32>
          %gather3A_477 = tpu.vector_load_idx %arg17[%add3A_476, %broadcast_in_dim3A_466] : memref<48x17xf32, #tpu.memory_space<vmem>>[vector<16xi32>, vector<16xi32>], vector<16xf32>,
          %add3A_478 = arith.addf %add3A_464, %gather3A_477 : vector<16xf32>
          %broadcast_in_dim3A_479 = arith.constant 7 : i32
          %broadcast_in_dim3A_480 = vector.broadcast %broadcast_in_dim3A_479 : i32 to vector<16xi32>
          %gather3A_481 = tpu.vector_load_idx %arg17[%iota3A, %broadcast_in_dim3A_480] : memref<48x17xf32, #tpu.memory_space<vmem>>[vector<16xi32>, vector<16xi32>], vector<16xf32>,
          %add3A_482 = arith.addf %add3A_468, %gather3A_481 : vector<16xf32>
          %add3A_483 = arith.constant 16 : i32
          %add3A_484 = vector.broadcast %add3A_483 : i32 to vector<16xi32>
          %add3A_485 = arith.addi %iota3A, %add3A_484 : vector<16xi32>
          %gather3A_486 = tpu.vector_load_idx %arg17[%add3A_485, %broadcast_in_dim3A_480] : memref<48x17xf32, #tpu.memory_space<vmem>>[vector<16xi32>, vector<16xi32>], vector<16xf32>,
          %add3A_487 = arith.addf %add3A_473, %gather3A_486 : vector<16xf32>
          %add3A_488 = arith.constant 32 : i32
          %add3A_489 = vector.broadcast %add3A_488 : i32 to vector<16xi32>
          %add3A_490 = arith.addi %iota3A, %add3A_489 : vector<16xi32>
          %gather3A_491 = tpu.vector_load_idx %arg17[%add3A_490, %broadcast_in_dim3A_480] : memref<48x17xf32, #tpu.memory_space<vmem>>[vector<16xi32>, vector<16xi32>], vector<16xf32>,
          %add3A_492 = arith.addf %add3A_478, %gather3A_491 : vector<16xf32>
          %broadcast_in_dim3A_493 = arith.constant 8 : i32
          %broadcast_in_dim3A_494 = vector.broadcast %broadcast_in_dim3A_493 : i32 to vector<16xi32>
          %gather3A_495 = tpu.vector_load_idx %arg17[%iota3A, %broadcast_in_dim3A_494] : memref<48x17xf32, #tpu.memory_space<vmem>>[vector<16xi32>, vector<16xi32>], vector<16xf32>,
          %add3A_496 = arith.addf %add3A_482, %gather3A_495 : vector<16xf32>
          %add3A_497 = arith.constant 16 : i32
          %add3A_498 = vector.broadcast %add3A_497 : i32 to vector<16xi32>
          %add3A_499 = arith.addi %iota3A, %add3A_498 : vector<16xi32>
          %gather3A_500 = tpu.vector_load_idx %arg17[%add3A_499, %broadcast_in_dim3A_494] : memref<48x17xf32, #tpu.memory_space<vmem>>[vector<16xi32>, vector<16xi32>], vector<16xf32>,
          %add3A_501 = arith.addf %add3A_487, %gather3A_500 : vector<16xf32>
          %add3A_502 = arith.constant 32 : i32
          %add3A_503 = vector.broadcast %add3A_502 : i32 to vector<16xi32>
          %add3A_504 = arith.addi %iota3A, %add3A_503 : vector<16xi32>
          %gather3A_505 = tpu.vector_load_idx %arg17[%add3A_504, %broadcast_in_dim3A_494] : memref<48x17xf32, #tpu.memory_space<vmem>>[vector<16xi32>, vector<16xi32>], vector<16xf32>,
          %add3A_506 = arith.addf %add3A_492, %gather3A_505 : vector<16xf32>
          %broadcast_in_dim3A_507 = arith.constant 9 : i32
          %broadcast_in_dim3A_508 = vector.broadcast %broadcast_in_dim3A_507 : i32 to vector<16xi32>
          %gather3A_509 = tpu.vector_load_idx %arg17[%iota3A, %broadcast_in_dim3A_508] : memref<48x17xf32, #tpu.memory_space<vmem>>[vector<16xi32>, vector<16xi32>], vector<16xf32>,
          %add3A_510 = arith.addf %add3A_496, %gather3A_509 : vector<16xf32>
          %add3A_511 = arith.constant 16 : i32
          %add3A_512 = vector.broadcast %add3A_511 : i32 to vector<16xi32>
          %add3A_513 = arith.addi %iota3A, %add3A_512 : vector<16xi32>
          %gather3A_514 = tpu.vector_load_idx %arg17[%add3A_513, %broadcast_in_dim3A_508] : memref<48x17xf32, #tpu.memory_space<vmem>>[vector<16xi32>, vector<16xi32>], vector<16xf32>,
          %add3A_515 = arith.addf %add3A_501, %gather3A_514 : vector<16xf32>
          %add3A_516 = arith.constant 32 : i32
          %add3A_517 = vector.broadcast %add3A_516 : i32 to vector<16xi32>
          %add3A_518 = arith.addi %iota3A, %add3A_517 : vector<16xi32>
          %gather3A_519 = tpu.vector_load_idx %arg17[%add3A_518, %broadcast_in_dim3A_508] : memref<48x17xf32, #tpu.memory_space<vmem>>[vector<16xi32>, vector<16xi32>], vector<16xf32>,
          %add3A_520 = arith.addf %add3A_506, %gather3A_519 : vector<16xf32>
          %broadcast_in_dim3A_521 = arith.constant 10 : i32
          %broadcast_in_dim3A_522 = vector.broadcast %broadcast_in_dim3A_521 : i32 to vector<16xi32>
          %gather3A_523 = tpu.vector_load_idx %arg17[%iota3A, %broadcast_in_dim3A_522] : memref<48x17xf32, #tpu.memory_space<vmem>>[vector<16xi32>, vector<16xi32>], vector<16xf32>,
          %add3A_524 = arith.addf %add3A_510, %gather3A_523 : vector<16xf32>
          %add3A_525 = arith.constant 16 : i32
          %add3A_526 = vector.broadcast %add3A_525 : i32 to vector<16xi32>
          %add3A_527 = arith.addi %iota3A, %add3A_526 : vector<16xi32>
          %gather3A_528 = tpu.vector_load_idx %arg17[%add3A_527, %broadcast_in_dim3A_522] : memref<48x17xf32, #tpu.memory_space<vmem>>[vector<16xi32>, vector<16xi32>], vector<16xf32>,
          %add3A_529 = arith.addf %add3A_515, %gather3A_528 : vector<16xf32>
          %add3A_530 = arith.constant 32 : i32
          %add3A_531 = vector.broadcast %add3A_530 : i32 to vector<16xi32>
          %add3A_532 = arith.addi %iota3A, %add3A_531 : vector<16xi32>
          %gather3A_533 = tpu.vector_load_idx %arg17[%add3A_532, %broadcast_in_dim3A_522] : memref<48x17xf32, #tpu.memory_space<vmem>>[vector<16xi32>, vector<16xi32>], vector<16xf32>,
          %add3A_534 = arith.addf %add3A_520, %gather3A_533 : vector<16xf32>
          %broadcast_in_dim3A_535 = arith.constant 11 : i32
          %broadcast_in_dim3A_536 = vector.broadcast %broadcast_in_dim3A_535 : i32 to vector<16xi32>
          %gather3A_537 = tpu.vector_load_idx %arg17[%iota3A, %broadcast_in_dim3A_536] : memref<48x17xf32, #tpu.memory_space<vmem>>[vector<16xi32>, vector<16xi32>], vector<16xf32>,
          %add3A_538 = arith.addf %add3A_524, %gather3A_537 : vector<16xf32>
          %add3A_539 = arith.constant 16 : i32
          %add3A_540 = vector.broadcast %add3A_539 : i32 to vector<16xi32>
          %add3A_541 = arith.addi %iota3A, %add3A_540 : vector<16xi32>
          %gather3A_542 = tpu.vector_load_idx %arg17[%add3A_541, %broadcast_in_dim3A_536] : memref<48x17xf32, #tpu.memory_space<vmem>>[vector<16xi32>, vector<16xi32>], vector<16xf32>,
          %add3A_543 = arith.addf %add3A_529, %gather3A_542 : vector<16xf32>
          %add3A_544 = arith.constant 32 : i32
          %add3A_545 = vector.broadcast %add3A_544 : i32 to vector<16xi32>
          %add3A_546 = arith.addi %iota3A, %add3A_545 : vector<16xi32>
          %gather3A_547 = tpu.vector_load_idx %arg17[%add3A_546, %broadcast_in_dim3A_536] : memref<48x17xf32, #tpu.memory_space<vmem>>[vector<16xi32>, vector<16xi32>], vector<16xf32>,
          %add3A_548 = arith.addf %add3A_534, %gather3A_547 : vector<16xf32>
          %broadcast_in_dim3A_549 = arith.constant 12 : i32
          %broadcast_in_dim3A_550 = vector.broadcast %broadcast_in_dim3A_549 : i32 to vector<16xi32>
          %gather3A_551 = tpu.vector_load_idx %arg17[%iota3A, %broadcast_in_dim3A_550] : memref<48x17xf32, #tpu.memory_space<vmem>>[vector<16xi32>, vector<16xi32>], vector<16xf32>,
          %add3A_552 = arith.addf %add3A_538, %gather3A_551 : vector<16xf32>
          %add3A_553 = arith.constant 16 : i32
          %add3A_554 = vector.broadcast %add3A_553 : i32 to vector<16xi32>
          %add3A_555 = arith.addi %iota3A, %add3A_554 : vector<16xi32>
          %gather3A_556 = tpu.vector_load_idx %arg17[%add3A_555, %broadcast_in_dim3A_550] : memref<48x17xf32, #tpu.memory_space<vmem>>[vector<16xi32>, vector<16xi32>], vector<16xf32>,
          %add3A_557 = arith.addf %add3A_543, %gather3A_556 : vector<16xf32>
          %add3A_558 = arith.constant 32 : i32
          %add3A_559 = vector.broadcast %add3A_558 : i32 to vector<16xi32>
          %add3A_560 = arith.addi %iota3A, %add3A_559 : vector<16xi32>
          %gather3A_561 = tpu.vector_load_idx %arg17[%add3A_560, %broadcast_in_dim3A_550] : memref<48x17xf32, #tpu.memory_space<vmem>>[vector<16xi32>, vector<16xi32>], vector<16xf32>,
          %add3A_562 = arith.addf %add3A_548, %gather3A_561 : vector<16xf32>
          %broadcast_in_dim3A_563 = arith.constant 13 : i32
          %broadcast_in_dim3A_564 = vector.broadcast %broadcast_in_dim3A_563 : i32 to vector<16xi32>
          %gather3A_565 = tpu.vector_load_idx %arg17[%iota3A, %broadcast_in_dim3A_564] : memref<48x17xf32, #tpu.memory_space<vmem>>[vector<16xi32>, vector<16xi32>], vector<16xf32>,
          %add3A_566 = arith.addf %add3A_552, %gather3A_565 : vector<16xf32>
          %add3A_567 = arith.constant 16 : i32
          %add3A_568 = vector.broadcast %add3A_567 : i32 to vector<16xi32>
          %add3A_569 = arith.addi %iota3A, %add3A_568 : vector<16xi32>
          %gather3A_570 = tpu.vector_load_idx %arg17[%add3A_569, %broadcast_in_dim3A_564] : memref<48x17xf32, #tpu.memory_space<vmem>>[vector<16xi32>, vector<16xi32>], vector<16xf32>,
          %add3A_571 = arith.addf %add3A_557, %gather3A_570 : vector<16xf32>
          %add3A_572 = arith.constant 32 : i32
          %add3A_573 = vector.broadcast %add3A_572 : i32 to vector<16xi32>
          %add3A_574 = arith.addi %iota3A, %add3A_573 : vector<16xi32>
          %gather3A_575 = tpu.vector_load_idx %arg17[%add3A_574, %broadcast_in_dim3A_564] : memref<48x17xf32, #tpu.memory_space<vmem>>[vector<16xi32>, vector<16xi32>], vector<16xf32>,
          %add3A_576 = arith.addf %add3A_562, %gather3A_575 : vector<16xf32>
          %broadcast_in_dim3A_577 = arith.constant 14 : i32
          %broadcast_in_dim3A_578 = vector.broadcast %broadcast_in_dim3A_577 : i32 to vector<16xi32>
          %gather3A_579 = tpu.vector_load_idx %arg17[%iota3A, %broadcast_in_dim3A_578] : memref<48x17xf32, #tpu.memory_space<vmem>>[vector<16xi32>, vector<16xi32>], vector<16xf32>,
          %add3A_580 = arith.addf %add3A_566, %gather3A_579 : vector<16xf32>
          %add3A_581 = arith.constant 16 : i32
          %add3A_582 = vector.broadcast %add3A_581 : i32 to vector<16xi32>
          %add3A_583 = arith.addi %iota3A, %add3A_582 : vector<16xi32>
          %gather3A_584 = tpu.vector_load_idx %arg17[%add3A_583, %broadcast_in_dim3A_578] : memref<48x17xf32, #tpu.memory_space<vmem>>[vector<16xi32>, vector<16xi32>], vector<16xf32>,
          %add3A_585 = arith.addf %add3A_571, %gather3A_584 : vector<16xf32>
          %add3A_586 = arith.constant 32 : i32
          %add3A_587 = vector.broadcast %add3A_586 : i32 to vector<16xi32>
          %add3A_588 = arith.addi %iota3A, %add3A_587 : vector<16xi32>
          %gather3A_589 = tpu.vector_load_idx %arg17[%add3A_588, %broadcast_in_dim3A_578] : memref<48x17xf32, #tpu.memory_space<vmem>>[vector<16xi32>, vector<16xi32>], vector<16xf32>,
          %add3A_590 = arith.addf %add3A_576, %gather3A_589 : vector<16xf32>
          %broadcast_in_dim3A_591 = arith.constant 15 : i32
          %broadcast_in_dim3A_592 = vector.broadcast %broadcast_in_dim3A_591 : i32 to vector<16xi32>
          %gather3A_593 = tpu.vector_load_idx %arg17[%iota3A, %broadcast_in_dim3A_592] : memref<48x17xf32, #tpu.memory_space<vmem>>[vector<16xi32>, vector<16xi32>], vector<16xf32>,
          %add3A_594 = arith.addf %add3A_580, %gather3A_593 : vector<16xf32>
          %add3A_595 = arith.constant 16 : i32
          %add3A_596 = vector.broadcast %add3A_595 : i32 to vector<16xi32>
          %add3A_597 = arith.addi %iota3A, %add3A_596 : vector<16xi32>
          %gather3A_598 = tpu.vector_load_idx %arg17[%add3A_597, %broadcast_in_dim3A_592] : memref<48x17xf32, #tpu.memory_space<vmem>>[vector<16xi32>, vector<16xi32>], vector<16xf32>,
          %add3A_599 = arith.addf %add3A_585, %gather3A_598 : vector<16xf32>
          %add3A_600 = arith.constant 32 : i32
          %add3A_601 = vector.broadcast %add3A_600 : i32 to vector<16xi32>
          %add3A_602 = arith.addi %iota3A, %add3A_601 : vector<16xi32>
          %gather3A_603 = tpu.vector_load_idx %arg17[%add3A_602, %broadcast_in_dim3A_592] : memref<48x17xf32, #tpu.memory_space<vmem>>[vector<16xi32>, vector<16xi32>], vector<16xf32>,
          %add3A_604 = arith.addf %add3A_590, %gather3A_603 : vector<16xf32>
          %mul3A_605 = arith.constant 32 : i32
          %mul3A_606 = arith.muli %add3A_277, %mul3A_605 : i32
          %mul3A_607 = arith.constant 16 : i32
          %mul3A_608 = arith.muli %scan3A_372, %mul3A_607 : i32
          %add3A_609 = arith.addi %mul3A_606, %mul3A_608 : i32
          %get3A = arith.index_cast %add3A_609 : i32 to index
          %get3A_610 = tpu.vector_load %arg15[%get3A] {strides = array<i32>} : memref<1600xf32, #tpu.memory_space<vmem>>, vector<16xf32>,
          %add3A_611 = arith.addf %add3A_599, %add3A_599 : vector<16xf32>
          %mul3A_612 = arith.mulf %add3A_611, %get3A_610 : vector<16xf32>
          %add3A_613 = arith.addf %add3A_594, %mul3A_612 : vector<16xf32>
          %mul3A_614 = arith.mulf %add3A_604, %get3A_610 : vector<16xf32>
          %mul3A_615 = arith.mulf %mul3A_614, %get3A_610 : vector<16xf32>
          %add3A_616 = arith.addf %add3A_613, %mul3A_615 : vector<16xf32>
          %get3A_617 = arith.constant 0 : i32
          %get3A_618 = arith.index_cast %get3A_617 : i32 to index
          %get3A_619 = arith.index_cast %mul3A_374 : i32 to index
          %get3A_620 = tpu.vector_load %arg23[%get3A_618, %get3A_619] {strides = array<i32>} : memref<2x32xf32, #tpu.memory_space<vmem>>, vector<16xf32>,
          %get3A_621 = arith.constant 1 : i32
          %get3A_622 = arith.index_cast %get3A_621 : i32 to index
          %get3A_623 = arith.index_cast %mul3A_374 : i32 to index
          %get3A_624 = tpu.vector_load %arg23[%get3A_622, %get3A_623] {strides = array<i32>} : memref<2x32xf32, #tpu.memory_space<vmem>>, vector<16xf32>,
          %add3A_625 = arith.addf %get3A_620, %get3A_624 : vector<16xf32>
          %sub3A = arith.subf %add3A_625, %add3A_616 : vector<16xf32>
          %swap3A = arith.index_cast %add3A_609 : i32 to index
          %swap3A_626 = tpu.vector_load %arg16[%swap3A] {strides = array<i32>} : memref<1600xf32, #tpu.memory_space<vmem>>, vector<16xf32>,
          tpu.vector_store %arg16[%swap3A], %sub3A {strides = array<i32>} : memref<1600xf32, #tpu.memory_space<vmem>>, vector<16xf32>,
        }
        %scan3A_364 = arith.constant 2 : i32
        %add3A_365 = arith.constant 2 : i32
        %add3A_366 = arith.addi %add3A_277, %add3A_365 : i32
        %lt3A_367 = arith.constant 50 : i32
        %lt3A_368 = arith.cmpi slt, %add3A_366, %lt3A_367 : i32
        %convert_element_type3A_369 = arith.extui %lt3A_368 : i1 to i32
        %cond3A_370 = arith.constant 0 : i32
        %cond3A_371 = arith.cmpi ne, %convert_element_type3A_369, %cond3A_370 : i32
        scf.if %cond3A_371 {
          %add3A_372 = arith.constant 2 : i32
          %add3A_373 = arith.addi %add3A_277, %add3A_372 : i32
          %mul3A_374 = arith.constant 32 : i32
          %mul3A_375 = arith.muli %add3A_373, %mul3A_374 : i32
          %dma_start3A_376 = arith.constant 0 : i32
          %dma_start3A_377 = arith.constant 1 : i32
          %dma_start3A_378 = arith.constant 0 : i32
          %dma_start3A_379 = arith.constant 0 : i32
          %dma_start3A_380 = tpu.memref_slice %arg19[%dma_start3A_376, %dma_start3A_378, %dma_start3A_379] : memref<4x32x128xf32, #tpu.memory_space<vmem>> -> memref<1x32x128xf32, #tpu.memory_space<vmem>>
          %dma_start3A_381 = tpu.memref_squeeze %dma_start3A_380 : memref<1x32x128xf32, #tpu.memory_space<vmem>> -> memref<32x128xf32, #tpu.memory_space<vmem>>
          %dma_start3A_382 = tpu.memref_slice %arg12[%mul3A_375] : memref<1600xi32, #tpu.memory_space<vmem>> -> memref<32xi32, #tpu.memory_space<vmem>>
          %dma_start3A_383 = arith.constant 0 : i32
          %dma_start3A_384 = arith.constant 0 : i32
          %dma_start3A_385 = tpu.memref_slice %arg9[%dma_start3A_383, %dma_start3A_384] : memref<100000x128xf32, #tpu.memory_space<hbm>> -> memref<100000x128xf32, #tpu.memory_space<hbm>>
          %dma_start3A_386 = tpu.memref_slice %arg24[%dma_start3A_377] : memref<2x!tpu.dma_semaphore, #tpu.memory_space<semaphore_mem>> -> memref<1x!tpu.dma_semaphore, #tpu.memory_space<semaphore_mem>>
          %dma_start3A_387 = tpu.memref_squeeze %dma_start3A_386 : memref<1x!tpu.dma_semaphore, #tpu.memory_space<semaphore_mem>> -> memref<!tpu.dma_semaphore, #tpu.memory_space<semaphore_mem>>
          tpu.enqueue_indirect_dma source(%dma_start3A_385 : memref<100000x128xf32, #tpu.memory_space<hbm>>) target(%dma_start3A_381 : memref<32x128xf32, #tpu.memory_space<vmem>>) offsets(%dma_start3A_382 : memref<32xi32, #tpu.memory_space<vmem>>) semaphore(%dma_start3A_387 : memref<!tpu.dma_semaphore, #tpu.memory_space<semaphore_mem>>)
          %dma_start3A_388 = arith.constant 1 : i32
          %dma_start3A_389 = arith.constant 1 : i32
          %dma_start3A_390 = arith.constant 0 : i32
          %dma_start3A_391 = arith.constant 0 : i32
          %dma_start3A_392 = tpu.memref_slice %arg19[%dma_start3A_388, %dma_start3A_390, %dma_start3A_391] : memref<4x32x128xf32, #tpu.memory_space<vmem>> -> memref<1x32x128xf32, #tpu.memory_space<vmem>>
          %dma_start3A_393 = tpu.memref_squeeze %dma_start3A_392 : memref<1x32x128xf32, #tpu.memory_space<vmem>> -> memref<32x128xf32, #tpu.memory_space<vmem>>
          %dma_start3A_394 = tpu.memref_slice %arg12[%mul3A_375] : memref<1600xi32, #tpu.memory_space<vmem>> -> memref<32xi32, #tpu.memory_space<vmem>>
          %dma_start3A_395 = arith.constant 0 : i32
          %dma_start3A_396 = arith.constant 0 : i32
          %dma_start3A_397 = tpu.memref_slice %arg10[%dma_start3A_395, %dma_start3A_396] : memref<100000x128xf32, #tpu.memory_space<hbm>> -> memref<100000x128xf32, #tpu.memory_space<hbm>>
          %dma_start3A_398 = tpu.memref_slice %arg24[%dma_start3A_389] : memref<2x!tpu.dma_semaphore, #tpu.memory_space<semaphore_mem>> -> memref<1x!tpu.dma_semaphore, #tpu.memory_space<semaphore_mem>>
          %dma_start3A_399 = tpu.memref_squeeze %dma_start3A_398 : memref<1x!tpu.dma_semaphore, #tpu.memory_space<semaphore_mem>> -> memref<!tpu.dma_semaphore, #tpu.memory_space<semaphore_mem>>
          tpu.enqueue_indirect_dma source(%dma_start3A_397 : memref<100000x128xf32, #tpu.memory_space<hbm>>) target(%dma_start3A_393 : memref<32x128xf32, #tpu.memory_space<vmem>>) offsets(%dma_start3A_394 : memref<32xi32, #tpu.memory_space<vmem>>) semaphore(%dma_start3A_399 : memref<!tpu.dma_semaphore, #tpu.memory_space<semaphore_mem>>)
          %dma_start3A_400 = arith.constant 2 : i32
          %dma_start3A_401 = arith.constant 1 : i32
          %dma_start3A_402 = arith.constant 0 : i32
          %dma_start3A_403 = arith.constant 0 : i32
          %dma_start3A_404 = tpu.memref_slice %arg19[%dma_start3A_400, %dma_start3A_402, %dma_start3A_403] : memref<4x32x128xf32, #tpu.memory_space<vmem>> -> memref<1x32x128xf32, #tpu.memory_space<vmem>>
          %dma_start3A_405 = tpu.memref_squeeze %dma_start3A_404 : memref<1x32x128xf32, #tpu.memory_space<vmem>> -> memref<32x128xf32, #tpu.memory_space<vmem>>
          %dma_start3A_406 = tpu.memref_slice %arg13[%mul3A_375] : memref<1600xi32, #tpu.memory_space<vmem>> -> memref<32xi32, #tpu.memory_space<vmem>>
          %dma_start3A_407 = arith.constant 0 : i32
          %dma_start3A_408 = arith.constant 0 : i32
          %dma_start3A_409 = tpu.memref_slice %arg9[%dma_start3A_407, %dma_start3A_408] : memref<100000x128xf32, #tpu.memory_space<hbm>> -> memref<100000x128xf32, #tpu.memory_space<hbm>>
          %dma_start3A_410 = tpu.memref_slice %arg24[%dma_start3A_401] : memref<2x!tpu.dma_semaphore, #tpu.memory_space<semaphore_mem>> -> memref<1x!tpu.dma_semaphore, #tpu.memory_space<semaphore_mem>>
          %dma_start3A_411 = tpu.memref_squeeze %dma_start3A_410 : memref<1x!tpu.dma_semaphore, #tpu.memory_space<semaphore_mem>> -> memref<!tpu.dma_semaphore, #tpu.memory_space<semaphore_mem>>
          tpu.enqueue_indirect_dma source(%dma_start3A_409 : memref<100000x128xf32, #tpu.memory_space<hbm>>) target(%dma_start3A_405 : memref<32x128xf32, #tpu.memory_space<vmem>>) offsets(%dma_start3A_406 : memref<32xi32, #tpu.memory_space<vmem>>) semaphore(%dma_start3A_411 : memref<!tpu.dma_semaphore, #tpu.memory_space<semaphore_mem>>)
          %dma_start3A_412 = arith.constant 3 : i32
          %dma_start3A_413 = arith.constant 1 : i32
          %dma_start3A_414 = arith.constant 0 : i32
          %dma_start3A_415 = arith.constant 0 : i32
          %dma_start3A_416 = tpu.memref_slice %arg19[%dma_start3A_412, %dma_start3A_414, %dma_start3A_415] : memref<4x32x128xf32, #tpu.memory_space<vmem>> -> memref<1x32x128xf32, #tpu.memory_space<vmem>>
          %dma_start3A_417 = tpu.memref_squeeze %dma_start3A_416 : memref<1x32x128xf32, #tpu.memory_space<vmem>> -> memref<32x128xf32, #tpu.memory_space<vmem>>
          %dma_start3A_418 = tpu.memref_slice %arg13[%mul3A_375] : memref<1600xi32, #tpu.memory_space<vmem>> -> memref<32xi32, #tpu.memory_space<vmem>>
          %dma_start3A_419 = arith.constant 0 : i32
          %dma_start3A_420 = arith.constant 0 : i32
          %dma_start3A_421 = tpu.memref_slice %arg10[%dma_start3A_419, %dma_start3A_420] : memref<100000x128xf32, #tpu.memory_space<hbm>> -> memref<100000x128xf32, #tpu.memory_space<hbm>>
          %dma_start3A_422 = tpu.memref_slice %arg24[%dma_start3A_413] : memref<2x!tpu.dma_semaphore, #tpu.memory_space<semaphore_mem>> -> memref<1x!tpu.dma_semaphore, #tpu.memory_space<semaphore_mem>>
          %dma_start3A_423 = tpu.memref_squeeze %dma_start3A_422 : memref<1x!tpu.dma_semaphore, #tpu.memory_space<semaphore_mem>> -> memref<!tpu.dma_semaphore, #tpu.memory_space<semaphore_mem>>
          tpu.enqueue_indirect_dma source(%dma_start3A_421 : memref<100000x128xf32, #tpu.memory_space<hbm>>) target(%dma_start3A_417 : memref<32x128xf32, #tpu.memory_space<vmem>>) offsets(%dma_start3A_418 : memref<32xi32, #tpu.memory_space<vmem>>) semaphore(%dma_start3A_423 : memref<!tpu.dma_semaphore, #tpu.memory_space<semaphore_mem>>)
          %dma_start3A_424 = arith.constant 1 : i32
          %dma_start3A_425 = tpu.memref_slice %arg14[%mul3A_375] : memref<1600xi32, #tpu.memory_space<vmem>> -> memref<32xi32, #tpu.memory_space<vmem>>
          %dma_start3A_426 = arith.constant 0 : i32
          %dma_start3A_427 = arith.constant 0 : i32
          %dma_start3A_428 = tpu.memref_slice %arg6[%dma_start3A_426, %dma_start3A_427] : memref<500x128xi32, #tpu.memory_space<hbm>> -> memref<500x128xi32, #tpu.memory_space<hbm>>
          %dma_start3A_429 = tpu.memref_slice %arg24[%dma_start3A_424] : memref<2x!tpu.dma_semaphore, #tpu.memory_space<semaphore_mem>> -> memref<1x!tpu.dma_semaphore, #tpu.memory_space<semaphore_mem>>
          %dma_start3A_430 = tpu.memref_squeeze %dma_start3A_429 : memref<1x!tpu.dma_semaphore, #tpu.memory_space<semaphore_mem>> -> memref<!tpu.dma_semaphore, #tpu.memory_space<semaphore_mem>>
          tpu.enqueue_indirect_dma source(%dma_start3A_428 : memref<500x128xi32, #tpu.memory_space<hbm>>) target(%arg21 : memref<32x128xi32, #tpu.memory_space<vmem>>) offsets(%dma_start3A_425 : memref<32xi32, #tpu.memory_space<vmem>>) semaphore(%dma_start3A_430 : memref<!tpu.dma_semaphore, #tpu.memory_space<semaphore_mem>>)
          %dma_start3A_431 = arith.constant 0 : i32
          %dma_start3A_432 = arith.constant 1 : i32
          %dma_start3A_433 = arith.constant 0 : i32
          %dma_start3A_434 = tpu.memref_slice %arg23[%dma_start3A_431, %dma_start3A_433] : memref<2x32xf32, #tpu.memory_space<vmem>> -> memref<1x32xf32, #tpu.memory_space<vmem>>
          %dma_start3A_435 = tpu.memref_squeeze %dma_start3A_434 : memref<1x32xf32, #tpu.memory_space<vmem>> -> memref<32xf32, #tpu.memory_space<vmem>>
          %dma_start3A_436 = tpu.memref_slice %arg12[%mul3A_375] : memref<1600xi32, #tpu.memory_space<vmem>> -> memref<32xi32, #tpu.memory_space<vmem>>
          %dma_start3A_437 = arith.constant 0 : i32
          %dma_start3A_438 = tpu.memref_slice %arg7[%dma_start3A_437] : memref<100000xf32, #tpu.memory_space<hbm>> -> memref<100000xf32, #tpu.memory_space<hbm>>
          %dma_start3A_439 = tpu.memref_slice %arg24[%dma_start3A_432] : memref<2x!tpu.dma_semaphore, #tpu.memory_space<semaphore_mem>> -> memref<1x!tpu.dma_semaphore, #tpu.memory_space<semaphore_mem>>
          %dma_start3A_440 = tpu.memref_squeeze %dma_start3A_439 : memref<1x!tpu.dma_semaphore, #tpu.memory_space<semaphore_mem>> -> memref<!tpu.dma_semaphore, #tpu.memory_space<semaphore_mem>>
          tpu.enqueue_indirect_dma source(%dma_start3A_438 : memref<100000xf32, #tpu.memory_space<hbm>>) target(%dma_start3A_435 : memref<32xf32, #tpu.memory_space<vmem>>) offsets(%dma_start3A_436 : memref<32xi32, #tpu.memory_space<vmem>>) semaphore(%dma_start3A_440 : memref<!tpu.dma_semaphore, #tpu.memory_space<semaphore_mem>>)
          %dma_start3A_441 = arith.constant 1 : i32
          %dma_start3A_442 = arith.constant 1 : i32
          %dma_start3A_443 = arith.constant 0 : i32
          %dma_start3A_444 = tpu.memref_slice %arg23[%dma_start3A_441, %dma_start3A_443] : memref<2x32xf32, #tpu.memory_space<vmem>> -> memref<1x32xf32, #tpu.memory_space<vmem>>
          %dma_start3A_445 = tpu.memref_squeeze %dma_start3A_444 : memref<1x32xf32, #tpu.memory_space<vmem>> -> memref<32xf32, #tpu.memory_space<vmem>>
          %dma_start3A_446 = tpu.memref_slice %arg13[%mul3A_375] : memref<1600xi32, #tpu.memory_space<vmem>> -> memref<32xi32, #tpu.memory_space<vmem>>
          %dma_start3A_447 = arith.constant 0 : i32
          %dma_start3A_448 = tpu.memref_slice %arg8[%dma_start3A_447] : memref<100000xf32, #tpu.memory_space<hbm>> -> memref<100000xf32, #tpu.memory_space<hbm>>
          %dma_start3A_449 = tpu.memref_slice %arg24[%dma_start3A_442] : memref<2x!tpu.dma_semaphore, #tpu.memory_space<semaphore_mem>> -> memref<1x!tpu.dma_semaphore, #tpu.memory_space<semaphore_mem>>
          %dma_start3A_450 = tpu.memref_squeeze %dma_start3A_449 : memref<1x!tpu.dma_semaphore, #tpu.memory_space<semaphore_mem>> -> memref<!tpu.dma_semaphore, #tpu.memory_space<semaphore_mem>>
          tpu.enqueue_indirect_dma source(%dma_start3A_448 : memref<100000xf32, #tpu.memory_space<hbm>>) target(%dma_start3A_445 : memref<32xf32, #tpu.memory_space<vmem>>) offsets(%dma_start3A_446 : memref<32xi32, #tpu.memory_space<vmem>>) semaphore(%dma_start3A_450 : memref<!tpu.dma_semaphore, #tpu.memory_space<semaphore_mem>>)
        } else {
        }
      }
      %scan3A_180 = arith.constant 25 : i32
      "tpu.region"() ({
        %run_scoped3A = tpu.sem_alloc : memref<!tpu.dma_semaphore, #tpu.memory_space<semaphore_mem>>
        %dma_start3A_181 = tpu.memref_slice %arg11[%add3A_11] : memref<204800xf32, #tpu.memory_space<hbm>> -> memref<1600xf32, #tpu.memory_space<hbm>>
        %dma_start3A_182 = tpu.memref_slice %arg11[%add3A_11] : memref<204800xf32, #tpu.memory_space<hbm>> -> memref<1600xf32, #tpu.memory_space<hbm>>
        tpu.enqueue_dma source(%arg16 : memref<1600xf32, #tpu.memory_space<vmem>>) target(%dma_start3A_182 : memref<1600xf32, #tpu.memory_space<hbm>>) target_semaphore(%run_scoped3A : memref<!tpu.dma_semaphore, #tpu.memory_space<semaphore_mem>>)
        %dma_wait3A = tpu.memref_slice %arg11[%add3A_11] : memref<204800xf32, #tpu.memory_space<hbm>> -> memref<1600xf32, #tpu.memory_space<hbm>>
        %dma_wait3A_183 = tpu.memref_slice %arg11[%add3A_11] : memref<204800xf32, #tpu.memory_space<hbm>> -> memref<1600xf32, #tpu.memory_space<hbm>>
        tpu.wait_dma2 semaphore(%run_scoped3A : memref<!tpu.dma_semaphore, #tpu.memory_space<semaphore_mem>>) src(%arg16 : memref<1600xf32, #tpu.memory_space<vmem>>) dst(%dma_wait3A_183 : memref<1600xf32, #tpu.memory_space<hbm>>)
        tpu.yield
      }) : () -> ()
    }
    %scan3A_7 = arith.constant 4 : i32
    return
  }
}

</mosaic_0001>

<sc_bundles>
// kernel: _run.3.cloned.1.call-start
scs
__scs_entry_jumppad:
0x0: {  	(pc) =	sbr.rel $0x88, $3  }
0x1: {  	(tag) =	ssettag $0x0;
	lr =	simm.s32 $0x1  }
0x2: {  	[smem:$0x3F98] =	sst lr;
	_ =	strace $0xD0000000  }
0x3: {  	_ = 	snop  }
0x4: {  	_ = 	snop  }
0x5: {  	_ = 	snop  }
0x6: {  	_ = 	snop  }
0x7: {  	_ = 	snop  }
__scs_overlays_trampoline_lowered:
0x8: {  	[smem:$0x3FA7] =	sst s0  }
0x9: {  	[smem:$0x3FA8] =	sst s1  }
0xa: {  	[smem:$0x3FA9] =	sst s2  }
0xb: {  	[smem:$0x3FAA] =	sst s3  }
0xc: {  	[smem:$0x3FAB] =	sst s4  }
0xd: {  	[smem:$0x3FAC] =	sst s5  }
0xe: {  	[smem:$0x3FAD] =	sst s6  }
0xf: {  	[smem:$0x3FAE] =	sst s7  }
0x10: {  	[smem:$0x3FAF] =	sst s8  }
0x11: {  	[smem:$0x3FB0] =	sst s9;
	s0 =	simm.s32 @!p0 $0x0  }
0x12: {  	s1 =	sld [smem:$0x3F96];
	s0 =	simm.s32 @p0 $0x1  }
0x13: {  	[smem:$0x3FB1] =	sst s0;
	s0 =	simm.s32 @!p1 $0x0  }
0x14: {  	s2 =	sld [smem:$0x3F95];
	s0 =	simm.s32 @p1 $0x1  }
0x15: {  	[smem:$0x3FB2] =	sst s0;
	s0 =	simm.s32 @!p2 $0x0  }
0x16: {  	s3 =	sld [smem:$0x3FDB];
	s0 =	simm.s32 @p2 $0x1  }
0x17: {  	s4 =	simm.s32 $0x1BF5;
	[smem:$0x3FB4] =	sst s0  }
0x18: {  	s0 =	sld [smem:$0x3F97];
	_ =	swait.ge [sflag:s4], $0x0  }
0x19: {  	s7 =	sld [smem:$0x3F98]  }
0x1a: {  	s8 =	sadd.s32 $0xFFFFE003, lr  }
0x1b: {  	s9 =	sadd.s32 $0xFFFFFEF7, lr;
	s5 =	simm.s32 $0xFFFFFFFF;
	p2 =	slt.u32 s8, $0xFFFFF086  }
0x1c: {  	p1 =	slt.u32 s9, $0xF7A;
	s5 =	simm.s32 @!p2 $0x0  }
0x1d: {  	s5 =	simm.s32 @p1 $0x1;
	p0 =	seq.s32 s7, s2  }
0x1e: {  	s7 =	smul.u32 @!p0 $0xF7A, s2;
	p2 =	seq.s32 @!p0 s5, $0x0  }
0x1f: {  	s9 =	smul.u32 $0xF7A, s1;
	s8 =	simm.s32 @!p0 $0x1BF5;
	p2 =	por !p2, p0  }
0x20: {  	[sflag:s8] =	ssyncset.s32 @!p0 $0xFFFFF086;
	s6 =	sadd.s32 @!p0 s3, s7;
	s7 =	simm.s32 @!p0 $0x108  }
0x21: {  	s3 =	sadd.s32 s3, s9;
	s6 =	sadd.s32 @!p0 $0x88, s6;
	s7 =	simm.s32 @p2 $0x1082  }
0x22: {  	[simem:s7], [sflag:s8] =	dma.local @!p0 [hbm:s6], $0xF7A  }
0x23: {  	s9 =	sor.u32 $0xD0000000, s2;
	s6 =	simm.s32 $0x108;
	_ =	swait.ge @!p0 [sflag:s8], $0x0  }
0x24: {  	s3 =	sadd.s32 $0x88, s3;
	s6 =	simm.s32 @!p1 $0x1082;
	[sflag:s4] =	ssyncset.s32 $0xFFFFF086  }
0x25: {  	[simem:s6], [sflag:s4] =	dma.local [hbm:s3], $0xF7A  }
0x26: {  	[smem:$0x3F98] =	sst s1;
	(tag) =	ssettag s2;
	_ =	strace s9  }
0x27: {  	s1 =	sld [smem:$0x3FA8]  }
0x28: {  	s2 =	sld [smem:$0x3FA9]  }
0x29: {  	s4 =	sld [smem:$0x3FAB]  }
0x2a: {  	p0 =	seq.s32 s5, $0x0;
	s5 =	sld [smem:$0x3FAC]  }
0x2b: {  	s6 =	sld [smem:$0x3FAD]  }
0x2c: {  	s7 =	sld [smem:$0x3FAE]  }
0x2d: {  	s3 =	simm.s32 $0x108;
	s8 =	sld [smem:$0x3FAF]  }
0x2e: {  	s3 =	simm.s32 @!p0 $0x1082;
	s9 =	sld [smem:$0x3FB0]  }
0x2f: {  	lr =	sadd.s32 s0, s3;
	s0 =	sld [smem:$0x3FA7]  }
0x30: {  	s3 =	sld [smem:$0x3FAA]  }
0x31: {  	[smem:$0x3FB3] =	sst s10  }
0x32: {  	s10 =	sld [smem:$0x3FB1];
	_ =	sdelay $0x3  }
0x33: {  	p0 =	seq.s32 s10, $0x1;
	s10 =	sld [smem:$0x3FB3];
	_ =	sdelay $0x3  }
0x34: {  	[smem:$0x3FB3] =	sst s10  }
0x35: {  	s10 =	sld [smem:$0x3FB2];
	_ =	sdelay $0x3  }
0x36: {  	p1 =	seq.s32 s10, $0x1;
	s10 =	sld [smem:$0x3FB3];
	_ =	sdelay $0x3  }
0x37: {  	[smem:$0x3FB3] =	sst s10  }
0x38: {  	s10 =	sld [smem:$0x3FB4]  }
0x39: {  	_ = 	snop;
	(pc) =	sbr.ind lr, $3  }
0x3a: {  	_ = 	snop  }
0x3b: {  	_ = 	snop  }
0x3c: {  	p2 =	seq.s32 s10, $0x1;
	s10 =	sld [smem:$0x3FB3]  }
0x3d: {  	_ =	shalt  }
0x3e: {  	_ =	shalt  }
0x3f: {  	_ =	shalt  }
0x40: {  	_ =	shalt  }
0x41: {  	_ =	shalt  }
0x42: {  	_ =	shalt  }
0x43: {  	_ =	shalt  }
0x44: {  	_ =	shalt  }
0x45: {  	_ =	shalt  }
0x46: {  	_ =	shalt  }
0x47: {  	_ =	shalt  }
0x48: {  	_ =	shalt  }
0x49: {  	_ =	shalt  }
0x4a: {  	_ =	shalt  }
0x4b: {  	_ =	shalt  }
0x4c: {  	_ =	shalt  }
0x4d: {  	_ =	shalt  }
0x4e: {  	_ =	shalt  }
0x4f: {  	_ =	shalt  }
0x50: {  	_ =	shalt  }
0x51: {  	_ =	shalt  }
0x52: {  	_ =	shalt  }
0x53: {  	_ =	shalt  }
0x54: {  	_ =	shalt  }
0x55: {  	_ =	shalt  }
0x56: {  	_ =	shalt  }
0x57: {  	_ =	shalt  }
0x58: {  	_ =	shalt  }
0x59: {  	_ =	shalt  }
0x5a: {  	_ =	shalt  }
0x5b: {  	_ =	shalt  }
0x5c: {  	_ =	shalt  }
0x5d: {  	_ =	shalt  }
0x5e: {  	_ =	shalt  }
0x5f: {  	_ =	shalt  }
0x60: {  	_ =	shalt  }
0x61: {  	_ =	shalt  }
0x62: {  	_ =	shalt  }
0x63: {  	_ =	shalt  }
0x64: {  	_ =	shalt  }
0x65: {  	_ =	shalt  }
0x66: {  	_ =	shalt  }
0x67: {  	_ =	shalt  }
0x68: {  	_ =	shalt  }
0x69: {  	_ =	shalt  }
0x6a: {  	_ =	shalt  }
0x6b: {  	_ =	shalt  }
0x6c: {  	_ =	shalt  }
0x6d: {  	_ =	shalt  }
0x6e: {  	_ =	shalt  }
0x6f: {  	_ =	shalt  }
0x70: {  	_ =	shalt  }
0x71: {  	_ =	shalt  }
0x72: {  	_ =	shalt  }
0x73: {  	_ =	shalt  }
0x74: {  	_ =	shalt  }
0x75: {  	_ =	shalt  }
0x76: {  	_ =	shalt  }
0x77: {  	_ =	shalt  }
0x78: {  	_ =	shalt  }
0x79: {  	_ =	shalt  }
0x7a: {  	_ =	shalt  }
0x7b: {  	_ =	shalt  }
0x7c: {  	_ =	shalt  }
0x7d: {  	_ =	shalt  }
0x7e: {  	_ =	shalt  }
0x7f: {  	_ =	shalt  }
0x80: {  	_ =	shalt  }
0x81: {  	_ =	shalt  }
0x82: {  	_ =	shalt  }
0x83: {  	_ =	shalt  }
0x84: {  	_ =	shalt  }
0x85: {  	_ =	shalt  }
0x86: {  	_ =	shalt  }
0x87: {  	_ =	shalt  }
.Lfunc_end0:
.L_simem_size_0:
called_computation_lowered:
.L_overlay_start_0:
0x88: {  	s2 =	sld [smem:$0x3FD9]  }
0x89: {  	s3 =	sld [smem:$0x3FFE];
	_ =	sdelay $0x1  }
0x8a: {  	s1 =	srdreg.scid  }
0x8b: {  	s0 =	sand.u32 $0x1, s1  }
0x8c: {  	s18 =	sshll.u32 s0, $0xA;
	s2 =	sadd.s32 s3, s2  }
0x8d: {  	s2 =	sadd.s32 s2, s18  }
0x8e: {  	[smem:$0x3FBF] =	sst s2  }
0x8f: {  	_ = 	snop  }
0x90: {  	s2 =	sld [smem:$0x3FC9]  }
0x91: {  	s19 =	sld [smem:$0x3FC8]  }
0x92: {  	s4 =	sld [smem:$0x3FC7]  }
0x93: {  	s5 =	sld [smem:$0x3FC6]  }
0x94: {  	s6 =	sld [smem:$0x3FC5]  }
0x95: {  	s7 =	sld [smem:$0x3FC4]  }
0x96: {  	s8 =	sld [smem:$0x3FC3]  }
0x97: {  	s9 =	sld [smem:$0x3FC2]  }
0x98: {  	s10 =	sld [smem:$0x3FC1]  }
0x99: {  	s11 =	sld [smem:$0x3FD0];
	(tm) =	ssettm $0x1  }
0x9a: {  	s12 =	sld [smem:$0x3FFB];
	_ =	sdelay $0x3  }
0x9b: {  	_ =	strace s12  }
0x9c: {  	s12 =	sld [smem:$0x3FFC];
	_ =	sdelay $0x3  }
0x9d: {  	_ =	strace s12  }
0x9e: {  	s12 =	sld [smem:$0x3FFD];
	_ =	sdelay $0x3  }
0x9f: {  	_ =	strace s12  }
0xa0: {  	_ =	strace $0x8FFFFFFF  }
0xa1: {  	s20 =	sld [smem:$0x3FDB];
	_ =	sdelay $0x1  }
0xa2: {  	s13 =	simm.s32 $_scs_section_size  }
0xa3: {  	s14 =	simm.s32 $_size__tile_overlayer_lowered;
	s15 =	simm.s32 $_tile_overlayer_lowered  }
0xa4: {  	s23 =	simm.s32 $0x1BFF;
	s22 =	sshll.u32 s15, $0x1;
	s12 =	sadd.s32 s13, s20  }
0xa5: {  	s16 =	simm.s32 $0x0;
	s21 =	sshll.u32 s14, $0x1;
	s14 =	sadd.s32 s22, s12  }
0xa6: {  	[timem:s16], [sflag:s23] =	dma.local [hbm:s14], s21  }
0xa7: {  	_ =	swait.ge [sflag:s23], s21  }
0xa8: {  	s13 =	ssub.s32 $0x0, s21;
	[sflag:s23] =	ssyncset.done $0x0  }
0xa9: {  	[sflag:s23] =	ssyncadd.s32 s13;
	_ =	sdelay $0x1  }
0xaa: {  	s24 =	simm.s32 $0x1B8B  }
0xab: {  	_ =	swait.ge [sflag:s24], $0x1  }
0xac: {  	[sflag:s24] =	ssyncset.done $0x0  }
0xad: {  	s25 =	simm.s32 $0x1B8E;
	[sflag:s24] =	ssyncadd.s32 $0xFFFFFFFF  }
0xae: {  	s26 =	simm.s32 $execute0_lowered;
	[smem:$0x3FD2] =	sst s25  }
0xaf: {  	s13 =	sshll.u32 s26, $0x1;
	_ =	strace $0x80000046;
	[dreg:$0x1] =	wrdreg $0xFFFFFFFF  }
0xb0: {  	s28 =	simm.s32 $_size_execute0_lowered;
	s12 =	sadd.s32 s12, s13;
	[dreg:$0x0] =	wrdreg $0x0  }
0xb1: {  	s13 =	sshll.u32 s28, $0x1;
	[dreg:$0x2] =	wrdreg s12  }
0xb2: {  	[dreg:$0x3] =	wrdreg s13  }
0xb3: {  	[dreg:$0x4] =	wrdreg $0xC0  }
0xb4: {  	_ =	task [dreg:s16], $0x5FFFF  }
0xb5: {  	[dreg:$0x1] =	wrdreg $0xFFFFFFFF  }
0xb6: {  	[dreg:$0x0] =	wrdreg $0x60  }
0xb7: {  	[dreg:$0x2] =	wrdreg s2  }
0xb8: {  	[dreg:$0x3] =	wrdreg s19  }
0xb9: {  	[dreg:$0x4] =	wrdreg s4  }
0xba: {  	[dreg:$0x5] =	wrdreg s5  }
0xbb: {  	[dreg:$0x6] =	wrdreg s6  }
0xbc: {  	[dreg:$0x7] =	wrdreg s7  }
0xbd: {  	[dreg:$0x8] =	wrdreg s8  }
0xbe: {  	[dreg:$0x9] =	wrdreg s9  }
0xbf: {  	[dreg:$0xa] =	wrdreg s10  }
0xc0: {  	[dreg:$0xb] =	wrdreg s11  }
0xc1: {  	[dreg:$0xc] =	wrdreg $0x9  }
0xc2: {  	_ =	task.clear_ibuf [dreg:s16], $0xDFFFF;
	_ =	strace $0x90000046  }
0xc3: {  	s29 =	simm.s32 $0x9;
	_ =	strace $0x80000048  }
0xc4: {  	_ =	swait.ge [sflag:s29], $0x1  }
0xc5: {  	[sflag:s29] =	ssyncadd.s32 $0xFFFFFFFF  }
0xc6: {  	_ =	strace $0x90000048  }
0xc7: {  	_ =	sfence  }
0xc8: {  	s30 =	sld [smem:$0x0];
	_ =	sdelay $0x2  }
0xc9: {  	s31 =	sshll.u32 s1, $0xD;
	s1 =	sshrl.u32 s1, $0x2  }
0xca: {  	s3 =	sand.u32 $0x4000, s31;
	s1 =	sadd.s32 s1, s30  }
0xcb: {  	s0 =	sor.u32 s3, s0;
	s1 =	sshll.u32 s1, $0x11  }
0xcc: {  	s0 =	sor.u32 s1, s0  }
0xcd: {  	s0 =	sadd.s32 $0x8F2B, s0  }
0xce: {  	[sflag:s0] =	ssyncadd.remote.s32 $0x1  }
0xcf: {  	_ =	sfence.sel $0xFFFF  }
0xd0: {  	[dreg:$0x0] =	wrdreg $0xFFFFFFFF;
	(pc) =	sbr.abs _section_cstart, $3  }
0xd1: {  	[dreg:$0x1] =	wrdreg $0xFFFFFFFF  }
0xd2: {  	_ =	task.clear_ibuf [dreg:s16], $0x2FFFF;
	_ =	strace $0x9FFFFFFF  }
0xd3: {  	(tm) =	ssettm $0x7FFFFFFF  }
tec
execute0_lowered:
.L_overlay_start_1:
0x0: {  	(tag) =	ssettag $0x1  }
0x1: {  	s4 =	rddreg [dreg:$0x4]  }
0x2: {  	s6 =	rddreg [dreg:$0x5]  }
0x3: {  	s7 =	rddreg [dreg:$0x6]  }
0x4: {  	s8 =	rddreg [dreg:$0x7]  }
0x5: {  	s10 =	rddreg [dreg:$0x8];
	s0 =	srdreg.scid  }
0x6: {  	s2 =	stileid.u32;
	s3 =	simm.s32 $0x0;
	s15 =	simm.s32 $0x3  }
0x7: {  	s16 =	simm.s32 $0x680;
	s17 =	simm.s32 $0xD00;
	s19 =	simm.s32 $0x20  }
0x8: {  	s28 =	simm.s32 $0x7880;
	s29 =	simm.s32 $0x8880;
	s30 =	simm.s32 $0x6A0  }
0x9: {  	s31 =	simm.s32 $0x9880;
	s5 =	simm.s32 $0xA880;
	s14 =	simm.s32 $0xC880  }
0xa: {  	s11 =	simm.s32 $0x2;
	s12 =	simm.s32 $0x0;
	s0 =	sand.u32 $0x1, s0  }
.Ltmp0:
0xb: {  	s2 =	sshll.u32 s2, $0x1;
	s1 =	ssub.s32 $0x2, s0;
	(pc) =	sbr.rel .LBB2_1-.Ltmp0, $4  }
0xc: {  	[smem:$0x7FF] =	sst s3;
	s3 =	simm.s32 $0x2080;
	s25 =	sshrl.u32 s1, $0x1  }
0xd: {  	s0 =	sor.u32 s0, s2;
	_ =	strace $0x80000047;
	s1 =	ssub.s32 s1, s25  }
0xe: {  	v0 =	vlaneseq.u32;
	s2 =	simm.s32 $0x1;
	s13 =	smul.u32 $0x1900, s0;
	s26 =	smax.u32 s1, $0x1  }
0xf: {  	v0 =	vmul.u32 $0x80, v0;
	s0 =	simm.s32 $0xD980;
	s1 =	simm.s32 $0xDA00;
	[dreg:$0xb] =	wrdreg s26  }
.LBB2_14:
0x10: {  	s12 =	rddreg [dreg:$0xc]  }
0x11: {  	s9 =	rddreg [dreg:$0xb];
	s12 =	sadd.s32 $0x1, s12  }
0x12: {  	p0 =	sne.s32 s12, s9  }
.Ltmp1:
0x13: {  	_ = 	snop;
	(pc) =	sbr.rel @!p0 .LBB2_15-.Ltmp1, $1  }
0x14: {  	_ =	sdelay $0x3  }
.LBB2_1:
.Ltmp2:
0x15: {  	(pc) =	sbr.rel .LBB2_2-.Ltmp2, $2  }
0x16: {  	_ =	sdelay $0x2  }
0x17: {  	[dreg:$0xc] =	wrdreg s12;
	s18 =	simm.s32 $0x0  }
.LBB2_13:
0x18: {  	s18 =	sadd.s32 $0x1, s18  }
0x19: {  	s9 =	rddreg [dreg:$0x9];
	s12 =	simm.s32 $0x0;
	p0 =	sne.s32 s18, $0x4  }
.Ltmp3:
0x1a: {  	s26 =	simm.s32 $0x1A00;
	s9 =	sadd.s32 s9, s20;
	(pc) =	sbr.rel @!p0 .LBB2_14-.Ltmp3, $4  }
0x1b: {  	[hbm4b:s9+s12] =	stream.linear.scatter [tilespmem:s26], [sflag:$0x3], $0x640, $0x38;
	[tilespmem:$0xDA80] =	vst v63  }
0x1c: {  	_ =	swait.ge [sflag:s15], $0x640  }
0x1d: {  	[sflag:s15] =	ssyncset.done $0x0  }
0x1e: {  	[sflag:s15] =	ssyncadd.s32 $0xFFFFF9C0  }
.LBB2_2:
0x1f: {  	s9 =	smul.u32 $0x640, s18;
	_ =	sdelay $0x1  }
0x20: {  	s9 =	sadd.s32 s13, s9  }
0x21: {  	s21 =	rddreg [dreg:$0x0];
	s20 =	sshrl.u32 s9, $0x3  }
0x22: {  	s9 =	sadd.s32 s21, s20;
	s21 =	simm.s32 $0x0  }
0x23: {  	[tilespmem:s21], [sflag:$0x3] =	stream.linear.gather [hbm4b:s9+s21], $0x640, $0x38;
	[tilespmem:$0xDA80] =	vst v63  }
0x24: {  	_ =	swait.ge [sflag:s15], $0x640  }
0x25: {  	[sflag:s15] =	ssyncset.done $0x0  }
0x26: {  	[sflag:s15] =	ssyncadd.s32 $0xFFFFF9C0  }
0x27: {  	s22 =	rddreg [dreg:$0x1]  }
0x28: {  	s9 =	sadd.s32 s22, s20  }
0x29: {  	[tilespmem:s16], [sflag:$0x3] =	stream.linear.gather [hbm4b:s9+s21], $0x640, $0x38;
	[tilespmem:$0xDA80] =	vst v63  }
0x2a: {  	_ =	swait.ge [sflag:s15], $0x640  }
0x2b: {  	[sflag:s15] =	ssyncset.done $0x0  }
0x2c: {  	[sflag:s15] =	ssyncadd.s32 $0xFFFFF9C0  }
0x2d: {  	s23 =	rddreg [dreg:$0x2]  }
0x2e: {  	s9 =	sadd.s32 s23, s20  }
0x2f: {  	[tilespmem:s17], [sflag:$0x3] =	stream.linear.gather [hbm4b:s9+s21], $0x640, $0x38;
	[tilespmem:$0xDA80] =	vst v63  }
0x30: {  	_ =	swait.ge [sflag:s15], $0x640  }
0x31: {  	[sflag:s15] =	ssyncset.done $0x0  }
0x32: {  	[sflag:s15] =	ssyncadd.s32 $0xFFFFF9C0  }
0x33: {  	s24 =	rddreg [dreg:$0x3]  }
0x34: {  	s12 =	simm.s32 $0x1380;
	s9 =	sadd.s32 s24, s20  }
0x35: {  	[tilespmem:s12], [sflag:$0x3] =	stream.linear.gather [hbm4b:s9+s21], $0x640, $0x38;
	[tilespmem:$0xDA80] =	vst v63  }
0x36: {  	_ =	swait.ge [sflag:s15], $0x640  }
0x37: {  	[sflag:s15] =	ssyncset.done $0x0  }
0x38: {  	s25 =	simm.s32 $0x3880;
	[sflag:s15] =	ssyncadd.s32 $0xFFFFF9C0  }
0x39: {  	[tilespmem:s25], [sflag:$0x1] =	stream.indirect.gather [hbm4b:s8+s19], $0x80, s21, s19, $0xb8;
	[tilespmem:$0xDA80] =	vst v63  }
0x3a: {  	s26 =	simm.s32 $0x4880  }
0x3b: {  	[tilespmem:s26], [sflag:$0x1] =	stream.indirect.gather [hbm4b:s10+s19], $0x80, s21, s19, $0xb8;
	[tilespmem:$0xDA80] =	vst v63  }
0x3c: {  	s12 =	simm.s32 $0x5880  }
0x3d: {  	[tilespmem:s12], [sflag:$0x1] =	stream.indirect.gather [hbm4b:s8+s19], $0x80, s16, s19, $0xb8;
	[tilespmem:$0xDA80] =	vst v63  }
0x3e: {  	s22 =	simm.s32 $0x6880  }
0x3f: {  	[tilespmem:s22], [sflag:$0x1] =	stream.indirect.gather [hbm4b:s10+s19], $0x80, s16, s19, $0xb8;
	[tilespmem:$0xDA80] =	vst v63  }
0x40: {  	s23 =	simm.s32 $0xB880  }
0x41: {  	[tilespmem:s23], [sflag:$0x1] =	stream.indirect.gather [hbm4b:s4+s19], $0x80, s17, s19, $0xb8;
	[tilespmem:$0xDA80] =	vst v63  }
0x42: {  	s24 =	simm.s32 $0xD880  }
0x43: {  	[tilespmem:s24], [sflag:$0x1] =	stream.indirect.gather [hbm4b:s6+s19], $0x1, s21, s19, $0xb8;
	[tilespmem:$0xDA80] =	vst v63  }
0x44: {  	s25 =	simm.s32 $0xD900  }
0x45: {  	[tilespmem:s25], [sflag:$0x1] =	stream.indirect.gather [hbm4b:s7+s19], $0x1, s16, s19, $0xb8;
	[tilespmem:$0xDA80] =	vst v63  }
0x46: {  	_ = 	snop  }
0x47: {  	[tilespmem:s28], [sflag:$0x2] =	stream.indirect.gather [hbm4b:s8+s19], $0x80, s19, s19, $0xb8;
	[tilespmem:$0xDA80] =	vst v63  }
0x48: {  	_ = 	snop  }
0x49: {  	[tilespmem:s29], [sflag:$0x2] =	stream.indirect.gather [hbm4b:s10+s19], $0x80, s19, s19, $0xb8;
	[tilespmem:$0xDA80] =	vst v63  }
0x4a: {  	_ = 	snop  }
0x4b: {  	[tilespmem:s31], [sflag:$0x2] =	stream.indirect.gather [hbm4b:s8+s19], $0x80, s30, s19, $0xb8;
	[tilespmem:$0xDA80] =	vst v63  }
0x4c: {  	_ = 	snop  }
0x4d: {  	[tilespmem:s5], [sflag:$0x2] =	stream.indirect.gather [hbm4b:s10+s19], $0x80, s30, s19, $0xb8;
	[tilespmem:$0xDA80] =	vst v63  }
0x4e: {  	s26 =	simm.s32 $0xD20  }
0x4f: {  	[tilespmem:s14], [sflag:$0x2] =	stream.indirect.gather [hbm4b:s4+s19], $0x80, s26, s19, $0xb8;
	[tilespmem:$0xDA80] =	vst v63  }
0x50: {  	_ = 	snop  }
0x51: {  	[tilespmem:s0], [sflag:$0x2] =	stream.indirect.gather [hbm4b:s6+s19], $0x1, s19, s19, $0xb8;
	[tilespmem:$0xDA80] =	vst v63  }
0x52: {  	_ = 	snop  }
0x53: {  	[tilespmem:s1], [sflag:$0x2] =	stream.indirect.gather [hbm4b:s7+s19], $0x1, s30, s19, $0xb8;
	[tilespmem:$0xDA80] =	vst v63  }
.LBB2_3:
0x54: {  	_ =	swait.ge [sflag:s2], $0x1000  }
0x55: {  	[sflag:s2] =	ssyncset.done $0x0  }
0x56: {  	[sflag:s2] =	ssyncadd.s32 $0xFFFFF000  }
0x57: {  	_ =	swait.ge [sflag:s2], $0x1000  }
0x58: {  	[sflag:s2] =	ssyncset.done $0x0  }
0x59: {  	[sflag:s2] =	ssyncadd.s32 $0xFFFFF000  }
0x5a: {  	_ =	swait.ge [sflag:s2], $0x1000  }
0x5b: {  	[sflag:s2] =	ssyncset.done $0x0  }
0x5c: {  	[sflag:s2] =	ssyncadd.s32 $0xFFFFF000  }
0x5d: {  	_ =	swait.ge [sflag:s2], $0x1000  }
0x5e: {  	[sflag:s2] =	ssyncset.done $0x0  }
0x5f: {  	[sflag:s2] =	ssyncadd.s32 $0xFFFFF000  }
0x60: {  	_ =	swait.ge [sflag:s2], $0x1000  }
0x61: {  	[sflag:s2] =	ssyncset.done $0x0  }
0x62: {  	[sflag:s2] =	ssyncadd.s32 $0xFFFFF000  }
0x63: {  	_ =	swait.ge [sflag:s2], $0x20  }
0x64: {  	[sflag:s2] =	ssyncset.done $0x0  }
0x65: {  	[sflag:s2] =	ssyncadd.s32 $0xFFFFFFE0  }
0x66: {  	_ =	swait.ge [sflag:s2], $0x20  }
0x67: {  	s22 =	sshll.u32 s21, $0x6;
	[sflag:s2] =	ssyncset.done $0x0  }
0x68: {  	p1 =	por $0x1, $0x1;
	s23 =	simm.s32 $0x0;
	[sflag:s2] =	ssyncadd.s32 $0xFFFFFFE0  }
.LBB2_4:
0x69: {  	s9 =	sshll.u32 s23, $0x7  }
0x6a: {  	s12 =	sand.u32 $0x3FFFFF80, s9  }
0x6b: {  	s9 =	sadd.s32 $0x5880, s12  }
0x6c: {  	s24 =	sadd.s32 $0xB900, s12;
	v1 =	vld [tilespmem:s9+$0x10E0]  }
0x6d: {  	v3 =	vld [tilespmem:s24+$0x70]  }
0x6e: {  	v2 =	vld [tilespmem:s9+$0x10D0]  }
0x6f: {  	v4 =	vld [tilespmem:s9+$0xFFFFF0E0]  }
0x70: {  	v5 =	vld [tilespmem:s9+$0x10C0]  }
0x71: {  	v6 =	vld [tilespmem:s9+$0xFFFFF0D0]  }
0x72: {  	v7 =	vld [tilespmem:s24+$0x60]  }
0x73: {  	v8 =	vld [tilespmem:s24+$0x30]  }
0x74: {  	v9 =	vld [tilespmem:s9+$0x10B0]  }
0x75: {  	v10 =	vld [tilespmem:s9+$0xFFFFF0C0]  }
0x76: {  	v11 =	vld [tilespmem:s9+$0x10A0]  }
0x77: {  	v12 =	vld [tilespmem:s9+$0xB0]  }
0x78: {  	v13 =	vld [tilespmem:s9+$0xFFFFF0B0]  }
0x79: {  	v14 =	vld [tilespmem:s24+$0x50]  }
0x7a: {  	v15 =	vld [tilespmem:s24+$0x20]  }
0x7b: {  	v16 =	vld [tilespmem:s9+$0x1090]  }
0x7c: {  	v17 =	vld [tilespmem:s9+$0xFFFFF0A0]  }
0x7d: {  	v18 =	vld [tilespmem:s9+$0x1080]  }
0x7e: {  	v19 =	vld [tilespmem:s9+$0x90]  }
0x7f: {  	v20 =	vld [tilespmem:s24+$0x40]  }
0x80: {  	v21 =	vld [tilespmem:s24+$0x10]  }
0x81: {  	v22 =	vld [tilespmem:s9+$0x80]  }
0x82: {  	v23 =	vld [tilespmem:s24+$0x0]  }
0x83: {  	v24 =	vld [tilespmem:s9+$0xFFFFE080]  }
0x84: {  	v26 =	vld [tilespmem:s9+$0xFFFFF080];
	v25 =	vunpack.i.l.bf16.f32 v3;
	v27 =	vunpack.i.u.bf16.f32 v7  }
0x85: {  	v33 =	vld [tilespmem:s9+$0xFFFFF090];
	v28 =	vunpack.i.l.bf16.f32 v7;
	v29 =	vunpack.i.u.bf16.f32 v8;
	v30 =	vunpack.i.u.bf16.f32 v14  }
0x86: {  	v7 =	vld [tilespmem:s9+$0xFFFFE090];
	v31 =	vunpack.i.u.bf16.f32 v15;
	v8 =	vunpack.i.l.bf16.f32 v8;
	v32 =	vunpack.i.u.bf16.f32 v20  }
0x87: {  	v36 =	vld [tilespmem:s9+$0xFFFFE0A0];
	v14 =	vunpack.i.l.bf16.f32 v14;
	v15 =	vunpack.i.l.bf16.f32 v15;
	v34 =	vunpack.i.l.bf16.f32 v23  }
0x88: {  	v37 =	vld [tilespmem:s9+$0xFFFFE0B0];
	v20 =	vunpack.i.l.bf16.f32 v20;
	v35 =	vunpack.i.u.bf16.f32 v21;
	v21 =	vunpack.i.l.bf16.f32 v21  }
0x89: {  	v53 =	vld [tilespmem:s9+$0xA0];
	v23 =	vunpack.i.u.bf16.f32 v23;
	v24 =	vmul.f32 v24, v34;
	v4 =	vmul.f32 v4, v8  }
0x8a: {  	v55 =	vld [tilespmem:s9+$0xFFFFE0F0];
	v3 =	vunpack.i.u.bf16.f32 v3;
	v26 =	vmul.f32 v26, v34;
	v6 =	vmul.f32 v6, v31  }
0x8b: {  	v10 =	vmul.f32 v10, v15;
	v22 =	vsub.f32 v24, v22;
	v24 =	vld [tilespmem:s9+$0xFFFFE0C0];
	v7 =	vmul.f32 v7, v23  }
0x8c: {  	v13 =	vmul.f32 v13, v35;
	v18 =	vsub.f32 v26, v18;
	v26 =	vld [tilespmem:s9+$0xC0];
	v23 =	vmul.f32 v33, v23  }
0x8d: {  	v20 =	vsub.f32 v22, v20;
	v22 =	vld [tilespmem:s9+$0xFFFFE0D0];
	v7 =	vsub.f32 v7, v19;
	v19 =	vmul.f32 v36, v21  }
0x8e: {  	v17 =	vmul.f32 v17, v21;
	v16 =	vsub.f32 v23, v16;
	v21 =	vmul.f32 v37, v35;
	v23 =	vld [tilespmem:s9+$0xD0]  }
0x8f: {  	v54 =	vmul.f32 v18, v20;
	v32 =	vsub.f32 v7, v32;
	v7 =	vsub.f32 v19, v53;
	v19 =	vld [tilespmem:s9+$0xFFFFE0E0]  }
0x90: {  	v56 =	vld [tilespmem:s24+$0xFFFFFF80];
	v11 =	vsub.f32 v17, v11;
	v15 =	vmul.f32 v24, v15;
	v12 =	vsub.f32 v21, v12  }
0x91: {  	v58 =	vld [tilespmem:s9+$0xFFFFE020];
	v21 =	vadd.f32 $0.0e+00, v54;
	v24 =	vmul.f32 v16, v32;
	v14 =	vsub.f32 v7, v14  }
0x92: {  	v17 =	vld [tilespmem:s9+$0xE0];
	v9 =	vsub.f32 v13, v9;
	v13 =	vsub.f32 v15, v26;
	v15 =	vmul.f32 v22, v31  }
0x93: {  	v22 =	vld [tilespmem:s9+$0xF0];
	v12 =	vsub.f32 v12, v30;
	v21 =	vadd.f32 v24, v21;
	v24 =	vmul.f32 v11, v14  }
0x94: {  	v26 =	vld [tilespmem:s9+$0xFFFFF0F0];
	v7 =	vsub.f32 v10, v5;
	v10 =	vsub.f32 v15, v23;
	v15 =	vmul.f32 v19, v8  }
0x95: {  	v23 =	vld [tilespmem:s9+$0xFFFFE000];
	v8 =	vsub.f32 v13, v28;
	v19 =	vadd.f32 v24, v21;
	v21 =	vmul.f32 v9, v12  }
0x96: {  	v20 =	vmul.f32 v20, v20;
	v5 =	vsub.f32 v6, v2;
	v13 =	vld [tilespmem:s9+$0x10F0];
	v6 =	vsub.f32 v10, v27  }
0x97: {  	v10 =	vld [tilespmem:s9+$0xFFFFF000];
	v15 =	vsub.f32 v15, v17;
	v19 =	vadd.f32 v21, v19;
	v21 =	vmul.f32 v7, v8  }
0x98: {  	v18 =	vmul.f32 v18, v18;
	v2 =	vsub.f32 v4, v1;
	v24 =	vld [tilespmem:s9+$0x0];
	v17 =	vmul.f32 v55, v29  }
0x99: {  	v4 =	vsub.f32 v15, v25;
	v15 =	vld [tilespmem:s24+$0xFFFFFFC0];
	v19 =	vadd.f32 v21, v19;
	v21 =	vmul.f32 v5, v6  }
0x9a: {  	v1 =	vmul.f32 v26, v29;
	v26 =	vld [tilespmem:s9+$0x1000];
	v17 =	vsub.f32 v17, v22;
	v25 =	vunpack.i.l.bf16.f32 v56  }
0x9b: {  	v22 =	vld [tilespmem:s9+$0xFFFFE010];
	v23 =	vmul.f32 v23, v25;
	v19 =	vadd.f32 v21, v19;
	v21 =	vmul.f32 v2, v4  }
0x9c: {  	v16 =	vmul.f32 v16, v16;
	v1 =	vsub.f32 v1, v13;
	v13 =	vld [tilespmem:s24+$0xFFFFFF90];
	v3 =	vsub.f32 v17, v3  }
0x9d: {  	v10 =	vmul.f32 v10, v25;
	v25 =	vld [tilespmem:s9+$0x10];
	v23 =	vsub.f32 v23, v24;
	v19 =	vadd.f32 v21, v19  }
0x9e: {  	v24 =	vld [tilespmem:s9+$0xFFFFF010];
	v21 =	vmul.f32 v1, v3;
	v57 =	vunpack.i.u.bf16.f32 v15;
	v15 =	vunpack.i.l.bf16.f32 v15  }
0x9f: {  	v27 =	vmul.f32 v32, v32;
	v17 =	vunpack.i.u.bf16.f32 v56;
	v15 =	vsub.f32 v23, v15;
	v23 =	vld [tilespmem:s9+$0x20]  }
0xa0: {  	v22 =	vmul.f32 v22, v17;
	v59 =	vadd.f32 v21, v19;
	v19 =	vld [tilespmem:s9+$0x1010]  }
0xa1: {  	v16 =	vadd.f32 v16, v18;
	v14 =	vmul.f32 v14, v14;
	v20 =	vadd.f32 v27, v20  }
0xa2: {  	v21 =	vunpack.i.u.bf16.f32 v13;
	v13 =	vunpack.i.l.bf16.f32 v13;
	v22 =	vsub.f32 v22, v25;
	v25 =	vld [tilespmem:s9+$0xFFFFF020]  }
0xa3: {  	v10 =	vsub.f32 v10, v26;
	v17 =	vmul.f32 v24, v17;
	v24 =	vld [tilespmem:s9+$0xFFFFE030];
	v27 =	vmul.f32 v58, v13  }
0xa4: {  	v11 =	vmul.f32 v11, v11;
	v26 =	vmul.f32 v15, v15;
	v18 =	vsub.f32 v22, v57;
	v22 =	vld [tilespmem:s24+$0xFFFFFFD0]  }
0xa5: {  	v15 =	vmul.f32 v10, v15;
	v23 =	vsub.f32 v27, v23;
	v27 =	vld [tilespmem:s9+$0x1020];
	v17 =	vsub.f32 v17, v19  }
0xa6: {  	v12 =	vmul.f32 v12, v12;
	v14 =	vadd.f32 v14, v20;
	v28 =	vmul.f32 v18, v18;
	v19 =	vld [tilespmem:s24+$0xFFFFFFA0]  }
0xa7: {  	v15 =	vadd.f32 $0.0e+00, v15;
	v13 =	vmul.f32 v25, v13;
	v25 =	vld [tilespmem:s9+$0x30];
	v18 =	vmul.f32 v17, v18  }
0xa8: {  	v10 =	vmul.f32 v10, v10;
	v20 =	vadd.f32 v28, v26;
	v26 =	vld [tilespmem:s9+$0xFFFFF030];
	v17 =	vmul.f32 v17, v17  }
0xa9: {  	v60 =	vld [tilespmem:s9+$0xFFFFE040];
	v16 =	vadd.f32 v11, v16;
	v24 =	vmul.f32 v24, v21;
	v15 =	vadd.f32 v18, v15  }
0xaa: {  	v18 =	vunpack.i.u.bf16.f32 v22;
	v22 =	vunpack.i.l.bf16.f32 v22;
	v10 =	vadd.f32 v17, v10;
	v17 =	vld [tilespmem:s9+$0x40]  }
0xab: {  	v13 =	vsub.f32 v13, v27;
	v22 =	vsub.f32 v23, v22;
	v23 =	vld [tilespmem:s9+$0x1030]  }
0xac: {  	v12 =	vadd.f32 v12, v14;
	v61 =	vunpack.i.u.bf16.f32 v19;
	v24 =	vsub.f32 v24, v25  }
0xad: {  	v19 =	vunpack.i.l.bf16.f32 v19;
	v25 =	vld [tilespmem:s9+$0xFFFFF040];
	v21 =	vmul.f32 v26, v21;
	v11 =	vmul.f32 v13, v22  }
0xae: {  	v27 =	vmul.f32 v22, v22;
	v22 =	vld [tilespmem:s9+$0xFFFFE050];
	v14 =	vsub.f32 v24, v18;
	v24 =	vmul.f32 v60, v19  }
0xaf: {  	v18 =	vld [tilespmem:s24+$0xFFFFFFE0];
	v11 =	vadd.f32 v11, v15  }
0xb0: {  	v13 =	vmul.f32 v13, v13;
	v17 =	vsub.f32 v24, v17;
	v24 =	vld [tilespmem:s9+$0x1040];
	v15 =	vsub.f32 v21, v23  }
0xb1: {  	v9 =	vmul.f32 v9, v9;
	v20 =	vadd.f32 v27, v20;
	v21 =	vld [tilespmem:s24+$0xFFFFFFB0];
	v23 =	vmul.f32 v14, v14  }
0xb2: {  	v10 =	vadd.f32 v13, v10;
	v13 =	vmul.f32 v15, v14;
	v14 =	vmul.f32 v25, v19;
	v19 =	vld [tilespmem:s9+$0x50]  }
0xb3: {  	v8 =	vmul.f32 v8, v8;
	v23 =	vadd.f32 v23, v20;
	v20 =	vmul.f32 v22, v61;
	v22 =	vld [tilespmem:s9+$0xFFFFF050]  }
0xb4: {  	v9 =	vadd.f32 v9, v16;
	v26 =	vld [tilespmem:s9+$0x1050];
	v13 =	vadd.f32 v13, v11;
	v11 =	vunpack.i.l.bf16.f32 v18  }
0xb5: {  	v7 =	vmul.f32 v7, v7;
	v25 =	vunpack.i.u.bf16.f32 v18;
	v18 =	vld [tilespmem:s9+$0xFFFFE060];
	v17 =	vsub.f32 v17, v11  }
0xb6: {  	v62 =	vld [tilespmem:s9+$0xFFFFF060];
	v15 =	vmul.f32 v15, v15;
	v14 =	vsub.f32 v14, v24;
	v11 =	vunpack.i.u.bf16.f32 v21  }
0xb7: {  	v27 =	vunpack.i.l.bf16.f32 v21;
	v21 =	vld [tilespmem:s9+$0x60];
	v24 =	vmul.f32 v17, v17;
	v19 =	vsub.f32 v20, v19  }
0xb8: {  	v63 =	vld [tilespmem:s9+$0xFFFFE070];
	v15 =	vadd.f32 v15, v10;
	v16 =	vmul.f32 v14, v17;
	v17 =	vmul.f32 v22, v61  }
0xb9: {  	v10 =	vadd.f32 v8, v12;
	v12 =	vld [tilespmem:s24+$0xFFFFFFF0];
	v8 =	vmul.f32 v14, v14;
	v25 =	vsub.f32 v19, v25  }
0xba: {  	v14 =	vmul.f32 v18, v27;
	v13 =	vadd.f32 v16, v13;
	v20 =	vsub.f32 v17, v26;
	v16 =	vld [tilespmem:s9+$0x1060]  }
0xbb: {  	v23 =	vadd.f32 v24, v23;
	v17 =	vld [tilespmem:s9+$0x70];
	v18 =	vadd.f32 v8, v15;
	v24 =	vmul.f32 v25, v25  }
0xbc: {  	s25 =	simm.s32 $0x2900;
	v22 =	vmul.f32 v62, v27;
	v19 =	vld [tilespmem:s9+$0xFFFFF070];
	v21 =	vsub.f32 v14, v21;
	v14 =	vadd.f32 v7, v9  }
0xbd: {  	p0 =	por p1, p1;
	s26 =	simm.s32 $0x0;
	[tilespmem:s25+$0x0] =	vst v59;
	v15 =	vld [tilespmem:s9+$0x1070];
	s9 =	sadd.s32 $0x100, s9;
	v8 =	vadd.f32 v24, v23;
	v24 =	vmul.f32 v20, v25;
	v23 =	vmul.f32 v63, v11  }
.LBB2_5:
0xbe: {  	v9 =	vld [tilespmem:s9+$0x10E0];
	v20 =	vmul.f32 v20, v20;
	v25 =	vunpack.i.l.bf16.f32 v12;
	v6 =	vmul.f32 v6, v6;
	s24 =	sadd.s32 $0x100, s24  }
0xbf: {  	v7 =	vld [tilespmem:s24+$0x70];
	v21 =	vsub.f32 v21, v25;
	v16 =	vsub.f32 v22, v16;
	v22 =	vmul.f32 v5, v5  }
0xc0: {  	v12 =	vunpack.i.u.bf16.f32 v12;
	v13 =	vadd.f32 v24, v13;
	v5 =	vld [tilespmem:s9+$0x10D0];
	v17 =	vsub.f32 v23, v17  }
0xc1: {  	v18 =	vadd.f32 v20, v18;
	v10 =	vadd.f32 v6, v10;
	v23 =	vld [tilespmem:s9+$0xFFFFF0E0];
	v11 =	vmul.f32 v19, v11  }
0xc2: {  	v19 =	vmul.f32 v21, v21;
	v20 =	vmul.f32 v16, v21;
	v14 =	vadd.f32 v22, v14;
	v6 =	vld [tilespmem:s9+$0x10C0]  }
0xc3: {  	v4 =	vmul.f32 v4, v4;
	v16 =	vmul.f32 v16, v16;
	v12 =	vsub.f32 v17, v12;
	v21 =	vld [tilespmem:s9+$0xFFFFF0D0]  }
0xc4: {  	v2 =	vmul.f32 v2, v2;
	v13 =	vadd.f32 v20, v13;
	v11 =	vsub.f32 v11, v15;
	v17 =	vld [tilespmem:s24+$0x60]  }
0xc5: {  	v4 =	vadd.f32 v4, v10;
	v8 =	vadd.f32 v19, v8;
	v19 =	vmul.f32 v12, v12;
	v15 =	vld [tilespmem:s24+$0x30]  }
0xc6: {  	v16 =	vadd.f32 v16, v18;
	v2 =	vadd.f32 v2, v14;
	v12 =	vmul.f32 v11, v12;
	v10 =	vld [tilespmem:s9+$0x10B0]  }
0xc7: {  	v3 =	vmul.f32 v3, v3;
	v11 =	vmul.f32 v11, v11;
	v8 =	vadd.f32 v19, v8;
	v14 =	vld [tilespmem:s9+$0xFFFFF0C0]  }
0xc8: {  	v1 =	vmul.f32 v1, v1;
	v12 =	vadd.f32 v12, v13;
	v18 =	vld [tilespmem:s9+$0x10A0]  }
0xc9: {  	v3 =	vadd.f32 v3, v4;
	v11 =	vadd.f32 v11, v16;
	v13 =	vld [tilespmem:s9+$0xB0];
	[tilespmem:s25+$0xFFFFF780] =	vst v8  }
0xca: {  	v1 =	vadd.f32 v1, v2;
	v4 =	vld [tilespmem:s9+$0xFFFFF0B0];
	[tilespmem:s25+$0xFFFFFF80] =	vst v12  }
0xcb: {  	v2 =	vld [tilespmem:s24+$0x50];
	[tilespmem:s25+$0xFFFFF800] =	vst v3  }
0xcc: {  	v3 =	vld [tilespmem:s24+$0x20];
	[tilespmem:s25+$0x780] =	vst v11  }
0xcd: {  	v8 =	vld [tilespmem:s9+$0x1090];
	[tilespmem:s25+$0x800] =	vst v1  }
0xce: {  	v1 =	vld [tilespmem:s9+$0xFFFFF0A0]  }
0xcf: {  	v11 =	vld [tilespmem:s9+$0x1080]  }
0xd0: {  	v12 =	vld [tilespmem:s9+$0x90]  }
0xd1: {  	v16 =	vld [tilespmem:s24+$0x40]  }
0xd2: {  	v19 =	vld [tilespmem:s24+$0x10]  }
0xd3: {  	v20 =	vld [tilespmem:s9+$0x80]  }
0xd4: {  	s26 =	sadd.s32 $0x2, s26;
	v22 =	vld [tilespmem:s24+$0x0]  }
0xd5: {  	p1 =	slt.u32 s26, $0xE;
	v25 =	vunpack.i.l.bf16.f32 v7;
	v24 =	vld [tilespmem:s9+$0xFFFFE080]  }
0xd6: {  	v27 =	vunpack.i.u.bf16.f32 v17;
	v17 =	vunpack.i.l.bf16.f32 v17;
	v28 =	vunpack.i.u.bf16.f32 v15;
	v26 =	vld [tilespmem:s9+$0xFFFFF080]  }
0xd7: {  	v15 =	vunpack.i.l.bf16.f32 v15;
	v30 =	vunpack.i.u.bf16.f32 v2;
	v31 =	vunpack.i.u.bf16.f32 v3;
	v29 =	vld [tilespmem:s9+$0xFFFFE090]  }
0xd8: {  	v2 =	vunpack.i.l.bf16.f32 v2;
	v3 =	vunpack.i.l.bf16.f32 v3;
	v32 =	vunpack.i.u.bf16.f32 v16;
	v33 =	vld [tilespmem:s9+$0xFFFFF090]  }
0xd9: {  	v16 =	vunpack.i.l.bf16.f32 v16;
	v35 =	vunpack.i.u.bf16.f32 v19;
	v34 =	vunpack.i.l.bf16.f32 v22;
	v36 =	vld [tilespmem:s9+$0xFFFFE0A0]  }
0xda: {  	v23 =	vmul.f32 v23, v15;
	v19 =	vunpack.i.l.bf16.f32 v19;
	v24 =	vmul.f32 v24, v34;
	v37 =	vld [tilespmem:s9+$0xFFFFE0B0]  }
0xdb: {  	v21 =	vmul.f32 v21, v31;
	v22 =	vunpack.i.u.bf16.f32 v22;
	v26 =	vmul.f32 v26, v34;
	v34 =	vld [tilespmem:s9+$0xA0]  }
0xdc: {  	v14 =	vmul.f32 v14, v3;
	v20 =	vsub.f32 v24, v20;
	v24 =	vmul.f32 v29, v22;
	v29 =	vld [tilespmem:s9+$0xFFFFE0C0]  }
0xdd: {  	v4 =	vmul.f32 v4, v35;
	v26 =	vsub.f32 v26, v11;
	v11 =	vmul.f32 v33, v22;
	v22 =	vld [tilespmem:s9+$0xC0]  }
0xde: {  	v16 =	vsub.f32 v20, v16;
	v12 =	vsub.f32 v24, v12;
	v20 =	vmul.f32 v36, v19;
	v24 =	vld [tilespmem:s9+$0xFFFFE0D0]  }
0xdf: {  	v1 =	vmul.f32 v1, v19;
	v33 =	vsub.f32 v11, v8;
	v8 =	vmul.f32 v37, v35;
	v19 =	vld [tilespmem:s9+$0xD0]  }
0xe0: {  	v11 =	vmul.f32 v26, v16;
	v12 =	vsub.f32 v12, v32;
	v20 =	vsub.f32 v20, v34;
	v32 =	vld [tilespmem:s9+$0xFFFFE0E0]  }
0xe1: {  	v18 =	vsub.f32 v1, v18;
	v1 =	vsub.f32 v8, v13;
	v3 =	vmul.f32 v29, v3;
	v13 =	vld [tilespmem:s9+$0xE0]  }
0xe2: {  	v8 =	vadd.f32 $0.0e+00, v11;
	v29 =	vmul.f32 v33, v12;
	v20 =	vsub.f32 v20, v2;
	v2 =	vld [tilespmem:s9+$0xFFFFE0F0]  }
0xe3: {  	v11 =	vsub.f32 v4, v10;
	v3 =	vsub.f32 v3, v22;
	v4 =	vmul.f32 v24, v31;
	v22 =	vld [tilespmem:s9+$0xF0]  }
0xe4: {  	v10 =	vadd.f32 v29, v8;
	v24 =	vmul.f32 v18, v20;
	v29 =	vsub.f32 v1, v30;
	v1 =	vld [tilespmem:s9+$0xFFFFF0F0]  }
0xe5: {  	v8 =	vsub.f32 v14, v6;
	v30 =	vld [tilespmem:s24+$0xFFFFFF80];
	v4 =	vsub.f32 v4, v19;
	v6 =	vmul.f32 v32, v15  }
0xe6: {  	v14 =	vadd.f32 v24, v10;
	v15 =	vmul.f32 v11, v29;
	v10 =	vsub.f32 v3, v17;
	v3 =	vld [tilespmem:s9+$0x10F0]  }
0xe7: {  	v5 =	vsub.f32 v21, v5;
	v17 =	vld [tilespmem:s9+$0xFFFFE000];
	v13 =	vsub.f32 v6, v13;
	v19 =	vmul.f32 v2, v28  }
0xe8: {  	v6 =	vsub.f32 v4, v27;
	v21 =	vld [tilespmem:s9+$0x0];
	v14 =	vadd.f32 v15, v14;
	v15 =	vmul.f32 v8, v10  }
0xe9: {  	v2 =	vsub.f32 v23, v9;
	v24 =	vld [tilespmem:s9+$0xFFFFF000];
	v9 =	vsub.f32 v19, v22;
	v1 =	vmul.f32 v1, v28  }
0xea: {  	v4 =	vsub.f32 v13, v25;
	v19 =	vld [tilespmem:s9+$0xFFFFE010];
	v14 =	vadd.f32 v15, v14;
	v15 =	vmul.f32 v5, v6  }
0xeb: {  	v7 =	vunpack.i.u.bf16.f32 v7;
	v22 =	vunpack.i.l.bf16.f32 v30;
	v13 =	vld [tilespmem:s24+$0xFFFFFFC0];
	v1 =	vsub.f32 v1, v3  }
0xec: {  	v3 =	vsub.f32 v9, v7;
	v23 =	vld [tilespmem:s24+$0xFFFFFF90];
	v14 =	vadd.f32 v15, v14;
	v15 =	vmul.f32 v2, v4  }
0xed: {  	v16 =	vmul.f32 v16, v16;
	v7 =	vunpack.i.u.bf16.f32 v30;
	v9 =	vmul.f32 v17, v22;
	v17 =	vld [tilespmem:s9+$0x1000]  }
0xee: {  	v22 =	vmul.f32 v24, v22;
	v24 =	vld [tilespmem:s9+$0x10];
	v14 =	vadd.f32 v15, v14;
	v15 =	vmul.f32 v1, v3  }
0xef: {  	v12 =	vmul.f32 v12, v12;
	v9 =	vsub.f32 v9, v21;
	v19 =	vmul.f32 v19, v7;
	v21 =	vld [tilespmem:s9+$0xFFFFF010]  }
0xf0: {  	v25 =	vunpack.i.u.bf16.f32 v13;
	v13 =	vunpack.i.l.bf16.f32 v13;
	v27 =	vld [tilespmem:s9+$0xFFFFE020];
	v14 =	vadd.f32 v15, v14  }
0xf1: {  	s25 =	sadd.s32 $0x100, s25;
	v9 =	vsub.f32 v9, v13;
	v13 =	vld [tilespmem:s9+$0x1010];
	v15 =	vunpack.i.u.bf16.f32 v23;
	v23 =	vunpack.i.l.bf16.f32 v23  }
0xf2: {  	v26 =	vmul.f32 v26, v26;
	v28 =	vmul.f32 v33, v33;
	v17 =	vsub.f32 v22, v17;
	v22 =	vld [tilespmem:s9+$0x20];
	[tilespmem:s25+$0x0] =	vst v14  }
0xf3: {  	v12 =	vadd.f32 v12, v16;
	v14 =	vmul.f32 v9, v9;
	v19 =	vsub.f32 v19, v24;
	v24 =	vld [tilespmem:s9+$0xFFFFF020]  }
0xf4: {  	v9 =	vmul.f32 v17, v9;
	v7 =	vmul.f32 v21, v7;
	v16 =	vld [tilespmem:s9+$0xFFFFE030];
	v21 =	vadd.f32 v28, v26  }
0xf5: {  	v17 =	vmul.f32 v17, v17;
	v19 =	vsub.f32 v19, v25;
	v25 =	vld [tilespmem:s24+$0xFFFFFFD0];
	v26 =	vmul.f32 v27, v23  }
0xf6: {  	v20 =	vmul.f32 v20, v20;
	v9 =	vadd.f32 $0.0e+00, v9;
	v7 =	vsub.f32 v7, v13;
	v13 =	vld [tilespmem:s24+$0xFFFFFFA0]  }
0xf7: {  	v18 =	vmul.f32 v18, v18;
	v27 =	vmul.f32 v19, v19;
	v22 =	vsub.f32 v26, v22;
	v26 =	vld [tilespmem:s9+$0x1020]  }
0xf8: {  	v12 =	vadd.f32 v20, v12;
	v19 =	vmul.f32 v7, v19;
	v23 =	vmul.f32 v24, v23;
	v24 =	vld [tilespmem:s9+$0x30]  }
0xf9: {  	v7 =	vmul.f32 v7, v7;
	v14 =	vadd.f32 v27, v14;
	v16 =	vmul.f32 v16, v15;
	v20 =	vld [tilespmem:s9+$0xFFFFF030]  }
0xfa: {  	v9 =	vadd.f32 v19, v9;
	v19 =	vunpack.i.u.bf16.f32 v25;
	v25 =	vunpack.i.l.bf16.f32 v25;
	v27 =	vld [tilespmem:s9+$0xFFFFE040]  }
0xfb: {  	v22 =	vsub.f32 v22, v25;
	v25 =	vld [tilespmem:s9+$0x1030];
	v28 =	vunpack.i.u.bf16.f32 v13;
	v13 =	vunpack.i.l.bf16.f32 v13  }
0xfc: {  	v7 =	vadd.f32 v7, v17;
	v17 =	vsub.f32 v23, v26;
	v23 =	vld [tilespmem:s9+$0x40];
	v26 =	vmul.f32 v29, v29  }
0xfd: {  	v18 =	vadd.f32 v18, v21;
	v29 =	vmul.f32 v22, v22;
	v16 =	vsub.f32 v16, v24;
	v24 =	vld [tilespmem:s9+$0xFFFFF040]  }
0xfe: {  	v21 =	vmul.f32 v17, v22;
	v15 =	vmul.f32 v20, v15;
	v20 =	vld [tilespmem:s9+$0xFFFFE050];
	v12 =	vadd.f32 v26, v12  }
0xff: {  	v17 =	vmul.f32 v17, v17;
	v16 =	vsub.f32 v16, v19;
	v19 =	vld [tilespmem:s24+$0xFFFFFFE0];
	v22 =	vmul.f32 v27, v13  }
0x100: {  	v9 =	vadd.f32 v21, v9;
	v15 =	vsub.f32 v15, v25;
	v21 =	vld [tilespmem:s24+$0xFFFFFFB0];
	v25 =	vmul.f32 v11, v11  }
0x101: {  	v11 =	vadd.f32 v29, v14;
	v14 =	vmul.f32 v16, v16;
	v22 =	vsub.f32 v22, v23;
	v23 =	vld [tilespmem:s9+$0x1040]  }
0x102: {  	v7 =	vadd.f32 v17, v7;
	v16 =	vmul.f32 v15, v16;
	v13 =	vmul.f32 v24, v13;
	v17 =	vld [tilespmem:s9+$0x50]  }
0x103: {  	v15 =	vmul.f32 v15, v15;
	v14 =	vadd.f32 v14, v11;
	v20 =	vmul.f32 v20, v28;
	v24 =	vld [tilespmem:s9+$0xFFFFF050]  }
0x104: {  	v9 =	vadd.f32 v16, v9;
	v16 =	vunpack.i.u.bf16.f32 v19;
	v11 =	vunpack.i.l.bf16.f32 v19;
	v19 =	vld [tilespmem:s9+$0xFFFFE060]  }
0x105: {  	v22 =	vsub.f32 v22, v11;
	v26 =	vld [tilespmem:s9+$0x1050];
	v11 =	vunpack.i.u.bf16.f32 v21;
	v27 =	vunpack.i.l.bf16.f32 v21  }
0x106: {  	v10 =	vmul.f32 v10, v10;
	v7 =	vadd.f32 v15, v7;
	v13 =	vsub.f32 v13, v23;
	v15 =	vld [tilespmem:s9+$0x60]  }
0x107: {  	v25 =	vadd.f32 v25, v18;
	v21 =	vmul.f32 v22, v22;
	v17 =	vsub.f32 v20, v17;
	v23 =	vld [tilespmem:s9+$0xFFFFF060]  }
0x108: {  	v10 =	vadd.f32 v10, v12;
	v18 =	vmul.f32 v13, v22;
	v20 =	vmul.f32 v24, v28;
	v28 =	vld [tilespmem:s9+$0xFFFFE070]  }
.Ltmp4:
0x109: {  	v22 =	vmul.f32 v13, v13;
	v24 =	vsub.f32 v17, v16;
	v12 =	vld [tilespmem:s24+$0xFFFFFFF0];
	v17 =	vmul.f32 v19, v27;
	(pc) =	sbr.rel @p1 .LBB2_5-.Ltmp4, $4  }
0x10a: {  	v8 =	vmul.f32 v8, v8;
	v13 =	vadd.f32 v18, v9;
	v20 =	vsub.f32 v20, v26;
	v16 =	vld [tilespmem:s9+$0x1060]  }
0x10b: {  	v9 =	vadd.f32 v21, v14;
	v26 =	vmul.f32 v24, v24;
	v21 =	vsub.f32 v17, v15;
	v17 =	vld [tilespmem:s9+$0x70]  }
0x10c: {  	v18 =	vadd.f32 v22, v7;
	v14 =	vadd.f32 v8, v25;
	v22 =	vmul.f32 v23, v27;
	v19 =	vld [tilespmem:s9+$0xFFFFF070]  }
0x10d: {  	v24 =	vmul.f32 v20, v24;
	v8 =	vadd.f32 v26, v9;
	v23 =	vmul.f32 v28, v11;
	v15 =	vld [tilespmem:s9+$0x1070];
	s9 =	sadd.s32 $0x100, s9  }
0x10e: {  	v7 =	vmul.f32 v20, v20;
	v9 =	vunpack.i.l.bf16.f32 v12;
	v6 =	vmul.f32 v6, v6  }
0x10f: {  	v5 =	vmul.f32 v5, v5;
	v12 =	vunpack.i.u.bf16.f32 v12;
	v4 =	vmul.f32 v4, v4  }
0x110: {  	v2 =	vmul.f32 v2, v2;
	v9 =	vsub.f32 v21, v9;
	v16 =	vsub.f32 v22, v16  }
0x111: {  	v3 =	vmul.f32 v3, v3;
	v13 =	vadd.f32 v24, v13;
	v17 =	vsub.f32 v23, v17  }
0x112: {  	v1 =	vmul.f32 v1, v1;
	v7 =	vadd.f32 v7, v18;
	v6 =	vadd.f32 v6, v10  }
0x113: {  	v5 =	vadd.f32 v5, v14;
	v11 =	vmul.f32 v19, v11;
	v10 =	vmul.f32 v9, v9  }
0x114: {  	v9 =	vmul.f32 v16, v9;
	v12 =	vsub.f32 v17, v12;
	v4 =	vadd.f32 v4, v6  }
0x115: {  	v14 =	vmul.f32 v16, v16;
	v2 =	vadd.f32 v2, v5;
	v11 =	vsub.f32 v11, v15  }
0x116: {  	v8 =	vadd.f32 v10, v8;
	v10 =	vmul.f32 v12, v12;
	v3 =	vadd.f32 v3, v4  }
0x117: {  	v9 =	vadd.f32 v9, v13;
	v1 =	vadd.f32 v1, v2;
	v12 =	vmul.f32 v11, v12  }
0x118: {  	v7 =	vadd.f32 v14, v7;
	v46 =	vadd.f32 v10, v8;
	v8 =	vmul.f32 v11, v11;
	[tilespmem:s25+$0xFFFFF800] =	vst v3  }
0x119: {  	v52 =	vor.u32 $0x800, v0;
	[tilespmem:s25+$0x800] =	vst v1;
	v9 =	vadd.f32 v12, v9  }
0x11a: {  	v53 =	vor.u32 $0x1000, v0;
	[tilespmem:s25+$0xFFFFF780] =	vst v46;
	v47 =	vadd.f32 v8, v7  }
0x11b: {  	v54 =	vor.u32 $0x1, v0;
	[tilespmem:s25+$0xFFFFFF80] =	vst v9  }
0x11c: {  	v55 =	vor.u32 $0x801, v0;
	[tilespmem:s25+$0x780] =	vst v47  }
0x11d: {  	v56 =	vor.u32 $0x1001, v0;
	v1 =	vld.idx.msk [tilespmem:v0+s3+$0x0], $0xffff  }
0x11e: {  	v57 =	vor.u32 $0x2, v0;
	v2 =	vld.idx.msk [tilespmem:v52+s3+$0x0], $0xffff  }
0x11f: {  	v58 =	vor.u32 $0x802, v0;
	v3 =	vld.idx.msk [tilespmem:v53+s3+$0x0], $0xffff  }
0x120: {  	v59 =	vor.u32 $0x1002, v0;
	v4 =	vld.idx.msk [tilespmem:v54+s3+$0x0], $0xffff  }
0x121: {  	v60 =	vor.u32 $0x3, v0;
	v48 =	vld.idx.msk [tilespmem:v55+s3+$0x0], $0xffff  }
0x122: {  	v61 =	vor.u32 $0x803, v0;
	v6 =	vld.idx.msk [tilespmem:v56+s3+$0x0], $0xffff  }
0x123: {  	v62 =	vor.u32 $0x1003, v0;
	v49 =	vld.idx.msk [tilespmem:v57+s3+$0x0], $0xffff  }
0x124: {  	v63 =	vor.u32 $0x4, v0;
	v8 =	vld.idx.msk [tilespmem:v58+s3+$0x0], $0xffff  }
0x125: {  	v10 =	vor.u32 $0x1004, v0;
	v30 =	vld.idx.msk [tilespmem:v59+s3+$0x0], $0xffff  }
0x126: {  	v11 =	vor.u32 $0x5, v0;
	v33 =	vld.idx.msk [tilespmem:v60+s3+$0x0], $0xffff  }
0x127: {  	v13 =	vor.u32 $0x1005, v0;
	v31 =	vld.idx.msk [tilespmem:v61+s3+$0x0], $0xffff  }
0x128: {  	v14 =	vor.u32 $0x6, v0;
	v32 =	vld.idx.msk [tilespmem:v62+s3+$0x0], $0xffff  }
0x129: {  	v15 =	vor.u32 $0x806, v0;
	v35 =	vld.idx.msk [tilespmem:v63+s3+$0x0], $0xffff  }
0x12a: {  	v16 =	vor.u32 $0x1006, v0;
	v36 =	vld.idx.msk [tilespmem:v10+s3+$0x0], $0xffff  }
0x12b: {  	v17 =	vor.u32 $0x7, v0;
	v37 =	vld.idx.msk [tilespmem:v11+s3+$0x0], $0xffff  }
0x12c: {  	v22 =	vor.u32 $0x807, v0;
	v39 =	vld.idx.msk [tilespmem:v13+s3+$0x0], $0xffff  }
0x12d: {  	v26 =	vor.u32 $0x1008, v0;
	v40 =	vld.idx.msk [tilespmem:v14+s3+$0x0], $0xffff  }
0x12e: {  	v9 =	vor.u32 $0x804, v0;
	v41 =	vld.idx.msk [tilespmem:v15+s3+$0x0], $0xffff  }
0x12f: {  	v27 =	vor.u32 $0x9, v0;
	v42 =	vld.idx.msk [tilespmem:v16+s3+$0x0], $0xffff  }
0x130: {  	v12 =	vor.u32 $0x805, v0;
	v5 =	vld.idx.msk [tilespmem:v17+s3+$0x0], $0xffff;
	v2 =	vadd.f32 $0.0e+00, v2  }
0x131: {  	v28 =	vor.u32 $0x809, v0;
	v43 =	vld.idx.msk [tilespmem:v22+s3+$0x0], $0xffff  }
0x132: {  	v29 =	vor.u32 $0x1009, v0;
	v7 =	vld.idx.msk [tilespmem:v26+s3+$0x0], $0xffff;
	v3 =	vadd.f32 $0.0e+00, v3;
	v2 =	vadd.f32 v48, v2  }
0x133: {  	v23 =	vor.u32 $0x1007, v0;
	v34 =	vld.idx.msk [tilespmem:v9+s3+$0x0], $0xffff;
	v1 =	vadd.f32 $0.0e+00, v1  }
0x134: {  	v24 =	vor.u32 $0x8, v0;
	v45 =	vld.idx.msk [tilespmem:v27+s3+$0x0], $0xffff;
	v3 =	vadd.f32 v6, v3;
	v2 =	vadd.f32 v8, v2  }
0x135: {  	v25 =	vor.u32 $0x808, v0;
	v38 =	vld.idx.msk [tilespmem:v12+s3+$0x0], $0xffff;
	v1 =	vadd.f32 v4, v1  }
0x136: {  	v44 =	vld.idx.msk [tilespmem:v28+s3+$0x0], $0xffff;
	v3 =	vadd.f32 v30, v3;
	v30 =	vor.u32 $0xA, v0;
	v2 =	vadd.f32 v31, v2  }
0x137: {  	v46 =	vld.idx.msk [tilespmem:v29+s3+$0x0], $0xffff;
	v1 =	vadd.f32 v49, v1;
	v31 =	vor.u32 $0x80A, v0  }
0x138: {  	v6 =	vld.idx.msk [tilespmem:v23+s3+$0x0], $0xffff;
	v3 =	vadd.f32 v32, v3;
	v32 =	vor.u32 $0x100A, v0;
	v2 =	vadd.f32 v34, v2  }
0x139: {  	v4 =	vld.idx.msk [tilespmem:v24+s3+$0x0], $0xffff;
	v1 =	vadd.f32 v33, v1;
	v33 =	vor.u32 $0xB, v0  }
0x13a: {  	v8 =	vld.idx.msk [tilespmem:v25+s3+$0x0], $0xffff;
	v3 =	vadd.f32 v36, v3;
	v34 =	vor.u32 $0x80B, v0;
	v2 =	vadd.f32 v38, v2  }
0x13b: {  	v1 =	vadd.f32 v35, v1;
	v35 =	vor.u32 $0x100B, v0;
	v47 =	vld.idx.msk [tilespmem:v30+s3+$0x0], $0xffff  }
0x13c: {  	v36 =	vor.u32 $0xC, v0;
	v3 =	vadd.f32 v39, v3;
	v48 =	vld.idx.msk [tilespmem:v31+s3+$0x0], $0xffff;
	v2 =	vadd.f32 v41, v2  }
0x13d: {  	v1 =	vadd.f32 v37, v1;
	v37 =	vor.u32 $0x80C, v0;
	v49 =	vld.idx.msk [tilespmem:v32+s3+$0x0], $0xffff  }
0x13e: {  	v38 =	vor.u32 $0x100C, v0;
	v50 =	vld.idx.msk [tilespmem:v33+s3+$0x0], $0xffff;
	v3 =	vadd.f32 v42, v3;
	v2 =	vadd.f32 v43, v2  }
0x13f: {  	v39 =	vor.u32 $0xD, v0;
	v1 =	vadd.f32 v40, v1;
	v51 =	vld.idx.msk [tilespmem:v34+s3+$0x0], $0xffff  }
0x140: {  	v40 =	vor.u32 $0x80D, v0;
	v3 =	vadd.f32 v6, v3;
	v6 =	vld.idx.msk [tilespmem:v35+s3+$0x0], $0xffff;
	v2 =	vadd.f32 v8, v2  }
0x141: {  	v41 =	vor.u32 $0x100D, v0;
	v1 =	vadd.f32 v5, v1;
	v5 =	vld.idx.msk [tilespmem:v36+s3+$0x0], $0xffff  }
0x142: {  	v42 =	vor.u32 $0x80E, v0;
	v3 =	vadd.f32 v7, v3;
	v7 =	vld.idx.msk [tilespmem:v37+s3+$0x0], $0xffff;
	v2 =	vadd.f32 v44, v2  }
0x143: {  	v43 =	vor.u32 $0x100E, v0;
	v1 =	vadd.f32 v4, v1;
	v4 =	vld.idx.msk [tilespmem:v38+s3+$0x0], $0xffff  }
0x144: {  	v8 =	vld.idx.msk [tilespmem:v39+s3+$0x0], $0xffff;
	v3 =	vadd.f32 v46, v3;
	v44 =	vor.u32 $0x80F, v0;
	v2 =	vadd.f32 v48, v2  }
0x145: {  	v1 =	vadd.f32 v45, v1;
	v45 =	vor.u32 $0xE, v0;
	v48 =	vld.idx.msk [tilespmem:v40+s3+$0x0], $0xffff  }
0x146: {  	v46 =	vor.u32 $0x100F, v0;
	v3 =	vadd.f32 v49, v3;
	v49 =	vld.idx.msk [tilespmem:v41+s3+$0x0], $0xffff;
	v2 =	vadd.f32 v51, v2  }
0x147: {  	v1 =	vadd.f32 v47, v1;
	v47 =	vor.u32 $0xF, v0;
	v51 =	vld.idx.msk [tilespmem:v42+s3+$0x0], $0xffff  }
0x148: {  	v3 =	vadd.f32 v6, v3;
	v6 =	vld.idx.msk [tilespmem:v43+s3+$0x0], $0xffff;
	v2 =	vadd.f32 v7, v2  }
0x149: {  	v1 =	vadd.f32 v50, v1;
	v7 =	vld.idx.msk [tilespmem:v44+s3+$0x0], $0xffff  }
0x14a: {  	v3 =	vadd.f32 v4, v3;
	v4 =	vld.idx.msk [tilespmem:v45+s3+$0x0], $0xffff;
	v2 =	vadd.f32 v48, v2  }
0x14b: {  	v1 =	vadd.f32 v5, v1;
	v5 =	vld.idx.msk [tilespmem:v46+s3+$0x0], $0xffff  }
0x14c: {  	s9 =	sor.u32 s22, s23;
	v3 =	vadd.f32 v49, v3;
	v48 =	vld.idx.msk [tilespmem:v47+s3+$0x0], $0xffff;
	v2 =	vadd.f32 v51, v2  }
0x14d: {  	v1 =	vadd.f32 v8, v1;
	v8 =	vld [tilespmem:s9+$0x1380]  }
0x14e: {  	v3 =	vadd.f32 v6, v3;
	v2 =	vadd.f32 v7, v2  }
0x14f: {  	v1 =	vadd.f32 v4, v1  }
0x150: {  	v50 =	vld [tilespmem:s23+$0xD880];
	v3 =	vadd.f32 v5, v3;
	v2 =	vadd.f32 v2, v2  }
0x151: {  	v51 =	vld [tilespmem:s23+$0xD900]  }
0x152: {  	v1 =	vadd.f32 v48, v1;
	v3 =	vmul.f32 v8, v3;
	v2 =	vmul.f32 v8, v2;
	_ =	sdelay $0x1  }
0x153: {  	v1 =	vadd.f32 v2, v1;
	v2 =	vmul.f32 v3, v8;
	_ =	sdelay $0x1  }
.Ltmp5:
0x154: {  	v1 =	vadd.f32 v2, v1;
	v2 =	vadd.f32 v51, v50;
	(pc) =	sbr.rel @p0 .LBB2_4-.Ltmp5, $3  }
0x155: {  	_ = 	snop  }
0x156: {  	v1 =	vsub.f32 v2, v1;
	_ =	sdelay $0x1  }
0x157: {  	p1 =	por $0x0, $0x0;
	s23 =	simm.s32 $0x10;
	[tilespmem:s9+$0x1A00] =	vst v1  }
0x158: {  	[tilespmem:$0x1FEB0] =	vst v17  }
0x159: {  	[tilespmem:$0x1FEC0] =	vst v16;
	p0 =	seq.s32 s21, $0x18  }
0x15a: {  	[tilespmem:$0x1FED0] =	vst v15;
	s9 =	sadd.s32 @!p0 $0x40, s22;
	s12 =	simm.s32 @!p0 $0x20;
	s23 =	simm.s32 @!p0 $0x3880  }
0x15b: {  	[tilespmem:s23], [sflag:$0x1] =	stream.indirect.gather @!p0 [hbm4b:s8+s12], $0x80, s9, s12, $0xb8;
	[tilespmem:$0xDA80] =	vst v63  }
0x15c: {  	[tilespmem:$0x1FEE0] =	vst v14;
	s23 =	simm.s32 @!p0 $0x4880  }
0x15d: {  	[tilespmem:s23], [sflag:$0x1] =	stream.indirect.gather @!p0 [hbm4b:s10+s12], $0x80, s9, s12, $0xb8;
	[tilespmem:$0xDA80] =	vst v63  }
0x15e: {  	[tilespmem:$0x1FEF0] =	vst v13;
	s24 =	simm.s32 @!p0 $0x5880;
	s23 =	sadd.s32 @!p0 $0x6C0, s22  }
0x15f: {  	[tilespmem:s24], [sflag:$0x1] =	stream.indirect.gather @!p0 [hbm4b:s8+s12], $0x80, s23, s12, $0xb8;
	[tilespmem:$0xDA80] =	vst v63  }
0x160: {  	[tilespmem:$0x1FF00] =	vst v12;
	s24 =	simm.s32 @!p0 $0x6880  }
0x161: {  	[tilespmem:s24], [sflag:$0x1] =	stream.indirect.gather @!p0 [hbm4b:s10+s12], $0x80, s23, s12, $0xb8;
	[tilespmem:$0xDA80] =	vst v63  }
0x162: {  	[tilespmem:$0x1FF10] =	vst v11;
	s25 =	simm.s32 @!p0 $0xB880;
	s24 =	sadd.s32 @!p0 $0xD40, s22  }
0x163: {  	[tilespmem:s25], [sflag:$0x1] =	stream.indirect.gather @!p0 [hbm4b:s4+s12], $0x80, s24, s12, $0xb8;
	[tilespmem:$0xDA80] =	vst v63  }
0x164: {  	[tilespmem:$0x1FF20] =	vst v10;
	s24 =	simm.s32 @!p0 $0xD880  }
0x165: {  	[tilespmem:s24], [sflag:$0x1] =	stream.indirect.gather @!p0 [hbm4b:s6+s12], $0x1, s9, s12, $0xb8;
	[tilespmem:$0xDA80] =	vst v63  }
0x166: {  	[tilespmem:$0x1FF30] =	vst v9;
	s9 =	simm.s32 @!p0 $0xD900  }
0x167: {  	[tilespmem:s9], [sflag:$0x1] =	stream.indirect.gather @!p0 [hbm4b:s7+s12], $0x1, s23, s12, $0xb8;
	[tilespmem:$0xDA80] =	vst v63  }
0x168: {  	_ =	swait.ge [sflag:s11], $0x1000  }
0x169: {  	[sflag:s11] =	ssyncset.done $0x0  }
0x16a: {  	[sflag:s11] =	ssyncadd.s32 $0xFFFFF000  }
0x16b: {  	_ =	swait.ge [sflag:s11], $0x1000  }
0x16c: {  	[sflag:s11] =	ssyncset.done $0x0  }
0x16d: {  	[sflag:s11] =	ssyncadd.s32 $0xFFFFF000  }
0x16e: {  	_ =	swait.ge [sflag:s11], $0x1000  }
0x16f: {  	[sflag:s11] =	ssyncset.done $0x0  }
0x170: {  	[sflag:s11] =	ssyncadd.s32 $0xFFFFF000  }
0x171: {  	_ =	swait.ge [sflag:s11], $0x1000  }
0x172: {  	[sflag:s11] =	ssyncset.done $0x0  }
0x173: {  	[sflag:s11] =	ssyncadd.s32 $0xFFFFF000  }
0x174: {  	_ =	swait.ge [sflag:s11], $0x1000  }
0x175: {  	[sflag:s11] =	ssyncset.done $0x0  }
0x176: {  	[sflag:s11] =	ssyncadd.s32 $0xFFFFF000  }
0x177: {  	_ =	swait.ge [sflag:s11], $0x20  }
0x178: {  	[sflag:s11] =	ssyncset.done $0x0  }
0x179: {  	[sflag:s11] =	ssyncadd.s32 $0xFFFFFFE0  }
0x17a: {  	_ =	swait.ge [sflag:s11], $0x20  }
0x17b: {  	[tilespmem:$0x1FF40] =	vst v52  }
0x17c: {  	[tilespmem:$0x1FF50] =	vst v53  }
0x17d: {  	[tilespmem:$0x1FF60] =	vst v54  }
0x17e: {  	[tilespmem:$0x1FF70] =	vst v55  }
0x17f: {  	[tilespmem:$0x1FF80] =	vst v56  }
0x180: {  	[tilespmem:$0x1FF90] =	vst v57  }
0x181: {  	[tilespmem:$0x1FFA0] =	vst v58  }
0x182: {  	[tilespmem:$0x1FFB0] =	vst v59  }
0x183: {  	[tilespmem:$0x1FFC0] =	vst v60  }
0x184: {  	[tilespmem:$0x1FFD0] =	vst v61  }
0x185: {  	p2 =	por $0x1, $0x1;
	[sflag:s11] =	ssyncset.done $0x0;
	[tilespmem:$0x1FFE0] =	vst v62  }
0x186: {  	s24 =	simm.s32 $0x0;
	s23 =	sor.u32 $0x20, s22;
	[tilespmem:$0x1FFF0] =	vst v63;
	[sflag:s11] =	ssyncadd.s32 $0xFFFFFFE0  }
.LBB2_8:
0x187: {  	s9 =	sshll.u32 s24, $0x7  }
0x188: {  	s9 =	sand.u32 $0x3FFFFF80, s9  }
0x189: {  	s12 =	sadd.s32 $0x9880, s9  }
0x18a: {  	s25 =	sadd.s32 $0xC900, s9;
	v1 =	vld [tilespmem:s12+$0x10E0]  }
0x18b: {  	v2 =	vld [tilespmem:s25+$0x70]  }
0x18c: {  	v3 =	vld [tilespmem:s12+$0x10D0]  }
0x18d: {  	v4 =	vld [tilespmem:s12+$0xFFFFF0E0]  }
0x18e: {  	v5 =	vld [tilespmem:s12+$0x10C0]  }
0x18f: {  	v6 =	vld [tilespmem:s12+$0xFFFFF0D0]  }
0x190: {  	v7 =	vld [tilespmem:s25+$0x60]  }
0x191: {  	v8 =	vld [tilespmem:s25+$0x30]  }
0x192: {  	v48 =	vld [tilespmem:s12+$0x10B0]  }
0x193: {  	v49 =	vld [tilespmem:s12+$0xFFFFF0C0]  }
0x194: {  	v50 =	vld [tilespmem:s12+$0x10A0]  }
0x195: {  	v51 =	vld [tilespmem:s12+$0xB0]  }
0x196: {  	v52 =	vld [tilespmem:s12+$0xFFFFF0B0]  }
0x197: {  	v53 =	vld [tilespmem:s25+$0x50]  }
0x198: {  	v54 =	vld [tilespmem:s25+$0x20]  }
0x199: {  	v55 =	vld [tilespmem:s12+$0x1090]  }
0x19a: {  	v56 =	vld [tilespmem:s12+$0xFFFFF0A0]  }
0x19b: {  	v57 =	vld [tilespmem:s12+$0x1080]  }
0x19c: {  	v58 =	vld [tilespmem:s12+$0x90]  }
0x19d: {  	v59 =	vld [tilespmem:s25+$0x40]  }
0x19e: {  	v60 =	vld [tilespmem:s25+$0x10]  }
0x19f: {  	v62 =	vld [tilespmem:s25+$0x0]  }
0x1a0: {  	v63 =	vld [tilespmem:s12+$0xFFFFE080]  }
0x1a1: {  	v10 =	vld [tilespmem:s12+$0xFFFFF080]  }
0x1a2: {  	v13 =	vld [tilespmem:s12+$0xFFFFE090];
	v9 =	vunpack.i.l.bf16.f32 v2;
	v11 =	vunpack.i.u.bf16.f32 v7  }
0x1a3: {  	v21 =	vld [tilespmem:s12+$0xFFFFE0B0];
	v7 =	vunpack.i.l.bf16.f32 v7;
	v12 =	vunpack.i.u.bf16.f32 v8;
	v14 =	vunpack.i.u.bf16.f32 v53  }
0x1a4: {  	v17 =	vld [tilespmem:s12+$0xFFFFF090];
	v15 =	vunpack.i.u.bf16.f32 v54;
	v8 =	vunpack.i.l.bf16.f32 v8;
	v16 =	vunpack.i.u.bf16.f32 v59  }
0x1a5: {  	v61 =	vld [tilespmem:s12+$0x80];
	v53 =	vunpack.i.l.bf16.f32 v53;
	v54 =	vunpack.i.l.bf16.f32 v54;
	v18 =	vunpack.i.l.bf16.f32 v62  }
0x1a6: {  	v20 =	vld [tilespmem:s12+$0xFFFFE0A0];
	v59 =	vunpack.i.l.bf16.f32 v59;
	v62 =	vunpack.i.u.bf16.f32 v62;
	v63 =	vmul.f32 v63, v18  }
0x1a7: {  	v19 =	vunpack.i.u.bf16.f32 v60;
	v10 =	vmul.f32 v10, v18;
	v18 =	vld [tilespmem:s12+$0xA0];
	v13 =	vmul.f32 v13, v62  }
0x1a8: {  	v60 =	vunpack.i.l.bf16.f32 v60;
	v52 =	vmul.f32 v52, v19;
	v19 =	vmul.f32 v21, v19;
	v21 =	vld [tilespmem:s12+$0xD0]  }
0x1a9: {  	v2 =	vunpack.i.u.bf16.f32 v2;
	v17 =	vmul.f32 v17, v62;
	v13 =	vsub.f32 v13, v58;
	v58 =	vld [tilespmem:s12+$0xFFFFE0D0]  }
0x1aa: {  	v6 =	vmul.f32 v6, v15;
	v61 =	vsub.f32 v63, v61;
	v63 =	vld [tilespmem:s12+$0xFFFFE0C0];
	v10 =	vsub.f32 v10, v57  }
0x1ab: {  	v20 =	vmul.f32 v20, v60;
	v57 =	vld [tilespmem:s12+$0xC0];
	v17 =	vsub.f32 v17, v55;
	v19 =	vsub.f32 v19, v51  }
0x1ac: {  	v51 =	vld [tilespmem:s12+$0xE0];
	v59 =	vsub.f32 v61, v59;
	v61 =	vmul.f32 v56, v60;
	v13 =	vsub.f32 v13, v16  }
0x1ad: {  	v49 =	vmul.f32 v49, v54;
	v56 =	vsub.f32 v52, v48;
	v16 =	vsub.f32 v20, v18;
	v18 =	vld [tilespmem:s12+$0xFFFFE0E0]  }
0x1ae: {  	v62 =	vmul.f32 v10, v59;
	v20 =	vsub.f32 v61, v50;
	v50 =	vld [tilespmem:s12+$0xF0];
	v15 =	vmul.f32 v58, v15  }
0x1af: {  	v60 =	vmul.f32 v63, v54;
	v16 =	vsub.f32 v16, v53;
	v53 =	vld [tilespmem:s12+$0xFFFFE0F0];
	v54 =	vsub.f32 v49, v5  }
0x1b0: {  	v61 =	vadd.f32 $0.0e+00, v62;
	v62 =	vmul.f32 v17, v13;
	v5 =	vsub.f32 v15, v21;
	v21 =	vld [tilespmem:s12+$0xFFFFE000]  }
0x1b1: {  	v4 =	vmul.f32 v4, v8;
	v14 =	vsub.f32 v19, v14;
	v48 =	vsub.f32 v60, v57;
	v57 =	vld [tilespmem:s12+$0xFFFFE020]  }
0x1b2: {  	v10 =	vmul.f32 v10, v10;
	v60 =	vmul.f32 v20, v16;
	v63 =	vadd.f32 v62, v61;
	v61 =	vld [tilespmem:s12+$0xFFFFF0F0]  }
0x1b3: {  	v52 =	vsub.f32 v6, v3;
	v49 =	vmul.f32 v56, v14;
	v62 =	vld [tilespmem:s25+$0xFFFFFF80];
	v8 =	vmul.f32 v18, v8  }
0x1b4: {  	v13 =	vmul.f32 v13, v13;
	v55 =	vsub.f32 v48, v7;
	v7 =	vld [tilespmem:s12+$0x10F0];
	v63 =	vadd.f32 v60, v63  }
0x1b5: {  	v17 =	vmul.f32 v17, v17;
	v3 =	vsub.f32 v8, v51;
	v6 =	vmul.f32 v53, v12;
	v8 =	vld [tilespmem:s12+$0x0]  }
0x1b6: {  	v16 =	vmul.f32 v16, v16;
	v53 =	vsub.f32 v5, v11;
	v5 =	vld [tilespmem:s12+$0xFFFFF000];
	v15 =	vadd.f32 v49, v63  }
0x1b7: {  	v58 =	vmul.f32 v54, v55;
	v49 =	vsub.f32 v4, v1;
	v1 =	vsub.f32 v6, v50;
	v6 =	vld [tilespmem:s12+$0xFFFFE010]  }
0x1b8: {  	v10 =	vadd.f32 v17, v10;
	v60 =	vmul.f32 v52, v53;
	v51 =	vsub.f32 v3, v9;
	v3 =	vld [tilespmem:s25+$0xFFFFFFC0]  }
0x1b9: {  	v4 =	vmul.f32 v61, v12;
	v9 =	vunpack.i.l.bf16.f32 v62;
	v61 =	vld [tilespmem:s12+$0x1000];
	v11 =	vadd.f32 v58, v15  }
0x1ba: {  	v50 =	vsub.f32 v1, v2;
	v1 =	vunpack.i.u.bf16.f32 v62;
	v2 =	vmul.f32 v21, v9;
	v58 =	vld [tilespmem:s12+$0x20]  }
0x1bb: {  	v62 =	vmul.f32 v59, v59;
	v48 =	vsub.f32 v4, v7;
	v5 =	vmul.f32 v5, v9;
	v9 =	vld [tilespmem:s12+$0x10]  }
0x1bc: {  	v4 =	vld [tilespmem:s25+$0xFFFFFF90];
	v7 =	vadd.f32 v60, v11;
	v11 =	vmul.f32 v49, v51;
	v2 =	vsub.f32 v2, v8  }
0x1bd: {  	v8 =	vld [tilespmem:s12+$0xFFFFF010];
	v13 =	vadd.f32 v13, v62;
	v62 =	vmul.f32 v20, v20;
	v6 =	vmul.f32 v6, v1  }
0x1be: {  	v59 =	vld [tilespmem:s25+$0xFFFFFFD0];
	v63 =	vunpack.i.u.bf16.f32 v3;
	v3 =	vunpack.i.l.bf16.f32 v3;
	v7 =	vadd.f32 v11, v7  }
0x1bf: {  	v11 =	vmul.f32 v48, v50;
	v2 =	vsub.f32 v2, v3;
	v3 =	vld [tilespmem:s12+$0x1010];
	v5 =	vsub.f32 v5, v61  }
0x1c0: {  	v14 =	vmul.f32 v14, v14;
	v13 =	vadd.f32 v16, v13;
	v6 =	vsub.f32 v6, v9;
	v9 =	vld [tilespmem:s12+$0xFFFFF020]  }
0x1c1: {  	v17 =	vld [tilespmem:s12+$0xFFFFE070];
	v10 =	vadd.f32 v62, v10;
	v7 =	vadd.f32 v11, v7;
	v11 =	vunpack.i.u.bf16.f32 v4  }
0x1c2: {  	v4 =	vunpack.i.l.bf16.f32 v4;
	v21 =	vmul.f32 v2, v2;
	v1 =	vmul.f32 v8, v1;
	v8 =	vld [tilespmem:s12+$0xFFFFE030]  }
0x1c3: {  	v15 =	vunpack.i.l.bf16.f32 v59;
	v2 =	vmul.f32 v5, v2;
	v60 =	vmul.f32 v57, v4;
	v57 =	vld [tilespmem:s12+$0xFFFFF030]  }
0x1c4: {  	v61 =	vld [tilespmem:s12+$0x1020];
	v5 =	vmul.f32 v5, v5;
	v6 =	vsub.f32 v6, v63;
	v1 =	vsub.f32 v1, v3  }
0x1c5: {  	v13 =	vadd.f32 v14, v13;
	v12 =	vsub.f32 v60, v58;
	v4 =	vmul.f32 v9, v4;
	v9 =	vld [tilespmem:s12+$0x30]  }
0x1c6: {  	v2 =	vadd.f32 $0.0e+00, v2;
	v3 =	vld [tilespmem:s25+$0xFFFFFFA0];
	v18 =	vmul.f32 v6, v6;
	v6 =	vmul.f32 v1, v6  }
0x1c7: {  	v58 =	vld [tilespmem:s12+$0x1030];
	v1 =	vmul.f32 v1, v1;
	v12 =	vsub.f32 v12, v15;
	v15 =	vmul.f32 v56, v56  }
0x1c8: {  	v20 =	vld [tilespmem:s12+$0xFFFFE040];
	v63 =	vadd.f32 v18, v21;
	v8 =	vmul.f32 v8, v11;
	v11 =	vmul.f32 v57, v11  }
0x1c9: {  	v60 =	vld [tilespmem:s12+$0xFFFFE050];
	v2 =	vadd.f32 v6, v2;
	v6 =	vunpack.i.u.bf16.f32 v59;
	v4 =	vsub.f32 v4, v61  }
0x1ca: {  	v1 =	vadd.f32 v1, v5;
	v5 =	vld [tilespmem:s12+$0x40];
	v59 =	vmul.f32 v12, v12;
	v8 =	vsub.f32 v8, v9  }
0x1cb: {  	v21 =	vunpack.i.u.bf16.f32 v3;
	v3 =	vunpack.i.l.bf16.f32 v3;
	v12 =	vmul.f32 v4, v12;
	v9 =	vld [tilespmem:s12+$0xFFFFF040]  }
0x1cc: {  	v11 =	vsub.f32 v11, v58;
	v4 =	vmul.f32 v4, v4;
	v6 =	vsub.f32 v8, v6;
	v8 =	vld [tilespmem:s25+$0xFFFFFFE0]  }
0x1cd: {  	v61 =	vmul.f32 v20, v3;
	v16 =	vadd.f32 v59, v63;
	v63 =	vld [tilespmem:s12+$0x1040];
	v2 =	vadd.f32 v12, v2  }
0x1ce: {  	v12 =	vld [tilespmem:s25+$0xFFFFFFB0];
	v1 =	vadd.f32 v4, v1;
	v62 =	vmul.f32 v6, v6;
	v4 =	vmul.f32 v11, v6  }
0x1cf: {  	v10 =	vadd.f32 v15, v10;
	v5 =	vsub.f32 v61, v5;
	v6 =	vld [tilespmem:s12+$0x50];
	v11 =	vmul.f32 v11, v11  }
0x1d0: {  	v61 =	vld [tilespmem:s12+$0xFFFFF050];
	v3 =	vmul.f32 v9, v3;
	v9 =	vadd.f32 v62, v16;
	v2 =	vadd.f32 v4, v2  }
0x1d1: {  	v62 =	vld [tilespmem:s12+$0xFFFFE060];
	v11 =	vadd.f32 v11, v1;
	v4 =	vunpack.i.u.bf16.f32 v8;
	v8 =	vunpack.i.l.bf16.f32 v8  }
0x1d2: {  	v60 =	vmul.f32 v60, v21;
	v1 =	vsub.f32 v3, v63;
	v5 =	vsub.f32 v5, v8;
	v8 =	vld [tilespmem:s12+$0x1050]  }
0x1d3: {  	v58 =	vunpack.i.u.bf16.f32 v12;
	v12 =	vunpack.i.l.bf16.f32 v12;
	v3 =	vld [tilespmem:s12+$0x60];
	v63 =	vmul.f32 v55, v55  }
0x1d4: {  	v16 =	vld [tilespmem:s12+$0xFFFFF060];
	v6 =	vsub.f32 v60, v6;
	v19 =	vmul.f32 v5, v5;
	v5 =	vmul.f32 v1, v5  }
0x1d5: {  	v15 =	vmul.f32 v61, v21;
	v57 =	vadd.f32 v63, v13;
	v55 =	vmul.f32 v1, v1  }
0x1d6: {  	v59 =	vld [tilespmem:s25+$0xFFFFFFF0];
	v14 =	vsub.f32 v6, v4;
	v1 =	vmul.f32 v62, v12;
	v60 =	vadd.f32 v5, v2  }
0x1d7: {  	v63 =	vld [tilespmem:s12+$0x1060];
	v9 =	vadd.f32 v19, v9;
	v4 =	vsub.f32 v15, v8  }
0x1d8: {  	s26 =	simm.s32 $0x2900;
	v8 =	vmul.f32 v54, v54;
	v56 =	vmul.f32 v14, v14;
	v5 =	vsub.f32 v1, v3;
	v1 =	vld [tilespmem:s12+$0x70]  }
0x1d9: {  	[tilespmem:s26+$0x0] =	vst v7;
	v7 =	vmul.f32 v17, v58;
	v6 =	vmul.f32 v16, v12;
	v2 =	vadd.f32 v55, v11;
	v3 =	vld [tilespmem:s12+$0xFFFFF070]  }
0x1da: {  	p1 =	por p2, p2;
	s9 =	simm.s32 $0x0;
	v62 =	vld [tilespmem:s12+$0x1070];
	s12 =	sadd.s32 $0x100, s12;
	v61 =	vadd.f32 v8, v10;
	v55 =	vadd.f32 v56, v9;
	v8 =	vmul.f32 v4, v14  }
.LBB2_9:
0x1db: {  	v56 =	vld [tilespmem:s12+$0x10E0];
	v4 =	vmul.f32 v4, v4;
	v9 =	vunpack.i.l.bf16.f32 v59;
	v10 =	vmul.f32 v53, v53;
	s25 =	sadd.s32 $0x100, s25  }
0x1dc: {  	v54 =	vld [tilespmem:s25+$0x70];
	v5 =	vsub.f32 v5, v9;
	v6 =	vsub.f32 v6, v63;
	v9 =	vmul.f32 v52, v52  }
0x1dd: {  	v11 =	vunpack.i.u.bf16.f32 v59;
	v8 =	vadd.f32 v8, v60;
	v52 =	vld [tilespmem:s12+$0x10D0];
	v1 =	vsub.f32 v7, v1  }
0x1de: {  	v2 =	vadd.f32 v4, v2;
	v4 =	vadd.f32 v10, v57;
	v7 =	vld [tilespmem:s12+$0xFFFFF0E0];
	v3 =	vmul.f32 v3, v58  }
0x1df: {  	v10 =	vmul.f32 v5, v5;
	v5 =	vmul.f32 v6, v5;
	v9 =	vadd.f32 v9, v61;
	v53 =	vld [tilespmem:s12+$0x10C0]  }
0x1e0: {  	v6 =	vmul.f32 v6, v6;
	v1 =	vsub.f32 v1, v11;
	v11 =	vmul.f32 v51, v51;
	v12 =	vld [tilespmem:s12+$0xFFFFF0D0]  }
0x1e1: {  	v5 =	vadd.f32 v5, v8;
	v3 =	vsub.f32 v3, v62;
	v8 =	vmul.f32 v49, v49;
	v13 =	vld [tilespmem:s25+$0x60]  }
0x1e2: {  	v10 =	vadd.f32 v10, v55;
	v15 =	vmul.f32 v1, v1;
	v4 =	vadd.f32 v11, v4;
	v14 =	vld [tilespmem:s25+$0x30]  }
0x1e3: {  	v2 =	vadd.f32 v6, v2;
	v1 =	vmul.f32 v3, v1;
	v6 =	vadd.f32 v8, v9;
	v11 =	vld [tilespmem:s12+$0x10B0]  }
0x1e4: {  	v3 =	vmul.f32 v3, v3;
	v9 =	vadd.f32 v15, v10;
	v10 =	vmul.f32 v50, v50;
	v8 =	vld [tilespmem:s12+$0xFFFFF0C0]  }
0x1e5: {  	v1 =	vadd.f32 v1, v5;
	v5 =	vmul.f32 v48, v48;
	v15 =	vld [tilespmem:s12+$0x10A0]  }
0x1e6: {  	v2 =	vadd.f32 v3, v2;
	v3 =	vadd.f32 v10, v4;
	v16 =	vld [tilespmem:s12+$0xB0];
	[tilespmem:s26+$0xFFFFF780] =	vst v9  }
0x1e7: {  	v4 =	vld [tilespmem:s12+$0xFFFFF0B0];
	[tilespmem:s26+$0xFFFFFF80] =	vst v1;
	v1 =	vadd.f32 v5, v6  }
0x1e8: {  	v5 =	vld [tilespmem:s25+$0x50];
	[tilespmem:s26+$0xFFFFF800] =	vst v3  }
0x1e9: {  	v3 =	vld [tilespmem:s25+$0x20];
	[tilespmem:s26+$0x780] =	vst v2  }
0x1ea: {  	v2 =	vld [tilespmem:s12+$0x1090];
	[tilespmem:s26+$0x800] =	vst v1  }
0x1eb: {  	v1 =	vld [tilespmem:s12+$0xFFFFF0A0]  }
0x1ec: {  	v6 =	vld [tilespmem:s12+$0x1080]  }
0x1ed: {  	v9 =	vld [tilespmem:s12+$0x90]  }
0x1ee: {  	v10 =	vld [tilespmem:s25+$0x40]  }
0x1ef: {  	v17 =	vld [tilespmem:s25+$0x10]  }
0x1f0: {  	v18 =	vld [tilespmem:s12+$0x80]  }
0x1f1: {  	s9 =	sadd.s32 $0x2, s9;
	v19 =	vld [tilespmem:s25+$0x0]  }
0x1f2: {  	p2 =	slt.u32 s9, $0xE;
	v21 =	vunpack.i.l.bf16.f32 v54;
	v20 =	vld [tilespmem:s12+$0xFFFFE080]  }
0x1f3: {  	v49 =	vunpack.i.u.bf16.f32 v13;
	v13 =	vunpack.i.l.bf16.f32 v13;
	v50 =	vunpack.i.u.bf16.f32 v14;
	v48 =	vld [tilespmem:s12+$0xFFFFF080]  }
0x1f4: {  	v14 =	vunpack.i.l.bf16.f32 v14;
	v55 =	vunpack.i.u.bf16.f32 v5;
	v57 =	vunpack.i.u.bf16.f32 v3;
	v51 =	vld [tilespmem:s12+$0xFFFFE090]  }
0x1f5: {  	v5 =	vunpack.i.l.bf16.f32 v5;
	v3 =	vunpack.i.l.bf16.f32 v3;
	v58 =	vunpack.i.u.bf16.f32 v10;
	v59 =	vld [tilespmem:s12+$0xFFFFF090]  }
0x1f6: {  	v10 =	vunpack.i.l.bf16.f32 v10;
	v61 =	vunpack.i.u.bf16.f32 v17;
	v60 =	vunpack.i.l.bf16.f32 v19;
	v62 =	vld [tilespmem:s12+$0xFFFFE0A0]  }
0x1f7: {  	v7 =	vmul.f32 v7, v14;
	v17 =	vunpack.i.l.bf16.f32 v17;
	v20 =	vmul.f32 v20, v60;
	v63 =	vld [tilespmem:s12+$0xFFFFE0B0]  }
0x1f8: {  	v12 =	vmul.f32 v12, v57;
	v19 =	vunpack.i.u.bf16.f32 v19;
	v48 =	vmul.f32 v48, v60;
	v60 =	vld [tilespmem:s12+$0xA0]  }
0x1f9: {  	v8 =	vmul.f32 v8, v3;
	v18 =	vsub.f32 v20, v18;
	v20 =	vmul.f32 v51, v19;
	v51 =	vld [tilespmem:s12+$0xFFFFE0C0]  }
0x1fa: {  	v4 =	vmul.f32 v4, v61;
	v6 =	vsub.f32 v48, v6;
	v19 =	vmul.f32 v59, v19;
	v48 =	vld [tilespmem:s12+$0xC0]  }
0x1fb: {  	v10 =	vsub.f32 v18, v10;
	v9 =	vsub.f32 v20, v9;
	v18 =	vmul.f32 v62, v17;
	v20 =	vld [tilespmem:s12+$0xFFFFE0D0]  }
0x1fc: {  	v1 =	vmul.f32 v1, v17;
	v2 =	vsub.f32 v19, v2;
	v17 =	vmul.f32 v63, v61;
	v19 =	vld [tilespmem:s12+$0xD0]  }
0x1fd: {  	v59 =	vmul.f32 v6, v10;
	v9 =	vsub.f32 v9, v58;
	v18 =	vsub.f32 v18, v60;
	v60 =	vld [tilespmem:s12+$0xFFFFE0E0]  }
0x1fe: {  	v1 =	vsub.f32 v1, v15;
	v15 =	vsub.f32 v17, v16;
	v3 =	vmul.f32 v51, v3;
	v16 =	vld [tilespmem:s12+$0xE0]  }
0x1ff: {  	v17 =	vadd.f32 $0.0e+00, v59;
	v51 =	vmul.f32 v2, v9;
	v5 =	vsub.f32 v18, v5;
	v18 =	vld [tilespmem:s12+$0xFFFFE0F0]  }
0x200: {  	v58 =	vsub.f32 v4, v11;
	v3 =	vsub.f32 v3, v48;
	v4 =	vmul.f32 v20, v57;
	v11 =	vld [tilespmem:s12+$0xF0]  }
0x201: {  	v15 =	vsub.f32 v15, v55;
	v17 =	vadd.f32 v51, v17;
	v20 =	vmul.f32 v1, v5;
	v48 =	vld [tilespmem:s12+$0xFFFFF0F0]  }
0x202: {  	v55 =	vsub.f32 v8, v53;
	v59 =	vld [tilespmem:s25+$0xFFFFFF80];
	v4 =	vsub.f32 v4, v19;
	v8 =	vmul.f32 v60, v14  }
0x203: {  	v57 =	vsub.f32 v3, v13;
	v14 =	vadd.f32 v20, v17;
	v17 =	vmul.f32 v58, v15;
	v3 =	vld [tilespmem:s12+$0x10F0]  }
0x204: {  	v52 =	vsub.f32 v12, v52;
	v13 =	vld [tilespmem:s12+$0xFFFFE000];
	v8 =	vsub.f32 v8, v16;
	v12 =	vmul.f32 v18, v50  }
0x205: {  	v53 =	vsub.f32 v4, v49;
	v16 =	vld [tilespmem:s12+$0x0];
	v14 =	vadd.f32 v17, v14;
	v17 =	vmul.f32 v55, v57  }
0x206: {  	v49 =	vsub.f32 v7, v56;
	v4 =	vld [tilespmem:s12+$0xFFFFF000];
	v7 =	vsub.f32 v12, v11;
	v11 =	vmul.f32 v48, v50  }
0x207: {  	v51 =	vsub.f32 v8, v21;
	v12 =	vld [tilespmem:s12+$0xFFFFE010];
	v14 =	vadd.f32 v17, v14;
	v17 =	vmul.f32 v52, v53  }
0x208: {  	v19 =	vunpack.i.u.bf16.f32 v54;
	v18 =	vunpack.i.l.bf16.f32 v59;
	v8 =	vld [tilespmem:s25+$0xFFFFFFC0];
	v48 =	vsub.f32 v11, v3  }
0x209: {  	v50 =	vsub.f32 v7, v19;
	v3 =	vld [tilespmem:s25+$0xFFFFFF90];
	v11 =	vadd.f32 v17, v14;
	v14 =	vmul.f32 v49, v51  }
0x20a: {  	v10 =	vmul.f32 v10, v10;
	v7 =	vunpack.i.u.bf16.f32 v59;
	v13 =	vmul.f32 v13, v18;
	v17 =	vld [tilespmem:s12+$0x1000]  }
0x20b: {  	v4 =	vmul.f32 v4, v18;
	v18 =	vld [tilespmem:s12+$0x10];
	v11 =	vadd.f32 v14, v11;
	v14 =	vmul.f32 v48, v50  }
0x20c: {  	v9 =	vmul.f32 v9, v9;
	v13 =	vsub.f32 v13, v16;
	v12 =	vmul.f32 v12, v7;
	v16 =	vld [tilespmem:s12+$0xFFFFF010]  }
0x20d: {  	v19 =	vunpack.i.u.bf16.f32 v8;
	v8 =	vunpack.i.l.bf16.f32 v8;
	v20 =	vld [tilespmem:s12+$0xFFFFE020];
	v11 =	vadd.f32 v14, v11  }
0x20e: {  	s26 =	sadd.s32 $0x100, s26;
	v8 =	vsub.f32 v13, v8;
	v13 =	vld [tilespmem:s12+$0x1010];
	v14 =	vunpack.i.u.bf16.f32 v3;
	v3 =	vunpack.i.l.bf16.f32 v3  }
0x20f: {  	v6 =	vmul.f32 v6, v6;
	v2 =	vmul.f32 v2, v2;
	v4 =	vsub.f32 v4, v17;
	v17 =	vld [tilespmem:s12+$0x20];
	[tilespmem:s26+$0x0] =	vst v11  }
0x210: {  	v9 =	vadd.f32 v9, v10;
	v11 =	vmul.f32 v8, v8;
	v12 =	vsub.f32 v12, v18;
	v18 =	vld [tilespmem:s12+$0xFFFFF020]  }
0x211: {  	v2 =	vadd.f32 v2, v6;
	v8 =	vmul.f32 v4, v8;
	v7 =	vmul.f32 v16, v7;
	v10 =	vld [tilespmem:s12+$0xFFFFE030]  }
0x212: {  	v4 =	vmul.f32 v4, v4;
	v6 =	vsub.f32 v12, v19;
	v12 =	vld [tilespmem:s25+$0xFFFFFFD0];
	v16 =	vmul.f32 v20, v3  }
0x213: {  	v5 =	vmul.f32 v5, v5;
	v8 =	vadd.f32 $0.0e+00, v8;
	v7 =	vsub.f32 v7, v13;
	v13 =	vld [tilespmem:s25+$0xFFFFFFA0]  }
0x214: {  	v1 =	vmul.f32 v1, v1;
	v19 =	vmul.f32 v6, v6;
	v16 =	vsub.f32 v16, v17;
	v17 =	vld [tilespmem:s12+$0x1020]  }
0x215: {  	v5 =	vadd.f32 v5, v9;
	v6 =	vmul.f32 v7, v6;
	v3 =	vmul.f32 v18, v3;
	v18 =	vld [tilespmem:s12+$0x30]  }
0x216: {  	v7 =	vmul.f32 v7, v7;
	v9 =	vadd.f32 v19, v11;
	v10 =	vmul.f32 v10, v14;
	v11 =	vld [tilespmem:s12+$0xFFFFF030]  }
0x217: {  	v6 =	vadd.f32 v6, v8;
	v8 =	vunpack.i.u.bf16.f32 v12;
	v12 =	vunpack.i.l.bf16.f32 v12;
	v19 =	vld [tilespmem:s12+$0xFFFFE040]  }
0x218: {  	v12 =	vsub.f32 v16, v12;
	v16 =	vld [tilespmem:s12+$0x1030];
	v20 =	vunpack.i.u.bf16.f32 v13;
	v13 =	vunpack.i.l.bf16.f32 v13  }
0x219: {  	v15 =	vmul.f32 v15, v15;
	v4 =	vadd.f32 v7, v4;
	v3 =	vsub.f32 v3, v17;
	v7 =	vld [tilespmem:s12+$0x40]  }
0x21a: {  	v1 =	vadd.f32 v1, v2;
	v17 =	vmul.f32 v12, v12;
	v10 =	vsub.f32 v10, v18;
	v18 =	vld [tilespmem:s12+$0xFFFFF040]  }
0x21b: {  	v5 =	vadd.f32 v15, v5;
	v2 =	vmul.f32 v3, v12;
	v11 =	vmul.f32 v11, v14;
	v12 =	vld [tilespmem:s12+$0xFFFFE050]  }
0x21c: {  	v3 =	vmul.f32 v3, v3;
	v8 =	vsub.f32 v10, v8;
	v10 =	vld [tilespmem:s25+$0xFFFFFFE0];
	v14 =	vmul.f32 v19, v13  }
0x21d: {  	v15 =	vmul.f32 v58, v58;
	v2 =	vadd.f32 v2, v6;
	v6 =	vsub.f32 v11, v16;
	v11 =	vld [tilespmem:s25+$0xFFFFFFB0]  }
0x21e: {  	v9 =	vadd.f32 v17, v9;
	v16 =	vmul.f32 v8, v8;
	v7 =	vsub.f32 v14, v7;
	v14 =	vld [tilespmem:s12+$0x1040]  }
0x21f: {  	v3 =	vadd.f32 v3, v4;
	v4 =	vmul.f32 v6, v8;
	v8 =	vmul.f32 v18, v13;
	v13 =	vld [tilespmem:s12+$0x50]  }
0x220: {  	v6 =	vmul.f32 v6, v6;
	v9 =	vadd.f32 v16, v9;
	v12 =	vmul.f32 v12, v20;
	v16 =	vld [tilespmem:s12+$0xFFFFF050]  }
0x221: {  	v2 =	vadd.f32 v4, v2;
	v4 =	vunpack.i.u.bf16.f32 v10;
	v10 =	vunpack.i.l.bf16.f32 v10;
	v17 =	vld [tilespmem:s12+$0xFFFFE060]  }
0x222: {  	v7 =	vsub.f32 v7, v10;
	v10 =	vld [tilespmem:s12+$0x1050];
	v58 =	vunpack.i.u.bf16.f32 v11;
	v11 =	vunpack.i.l.bf16.f32 v11  }
0x223: {  	v3 =	vadd.f32 v6, v3;
	v6 =	vsub.f32 v8, v14;
	v8 =	vld [tilespmem:s12+$0x60];
	v14 =	vmul.f32 v57, v57  }
0x224: {  	v15 =	vadd.f32 v15, v1;
	v18 =	vmul.f32 v7, v7;
	v12 =	vsub.f32 v12, v13;
	v13 =	vld [tilespmem:s12+$0xFFFFF060]  }
0x225: {  	v1 =	vmul.f32 v6, v7;
	v7 =	vmul.f32 v16, v20;
	v16 =	vld [tilespmem:s12+$0xFFFFE070];
	v57 =	vadd.f32 v14, v5  }
.Ltmp6:
0x226: {  	v6 =	vmul.f32 v6, v6;
	v12 =	vsub.f32 v12, v4;
	v59 =	vld [tilespmem:s25+$0xFFFFFFF0];
	v5 =	vmul.f32 v17, v11;
	(pc) =	sbr.rel @p2 .LBB2_9-.Ltmp6, $4  }
0x227: {  	v60 =	vadd.f32 v1, v2;
	v4 =	vsub.f32 v7, v10;
	v63 =	vld [tilespmem:s12+$0x1060];
	v7 =	vmul.f32 v55, v55  }
0x228: {  	v9 =	vadd.f32 v18, v9;
	v10 =	vmul.f32 v12, v12;
	v5 =	vsub.f32 v5, v8;
	v1 =	vld [tilespmem:s12+$0x70]  }
0x229: {  	v2 =	vadd.f32 v6, v3;
	v6 =	vmul.f32 v13, v11;
	v3 =	vld [tilespmem:s12+$0xFFFFF070];
	v61 =	vadd.f32 v7, v15  }
0x22a: {  	v8 =	vmul.f32 v4, v12;
	v55 =	vadd.f32 v10, v9;
	v7 =	vmul.f32 v16, v58;
	v62 =	vld [tilespmem:s12+$0x1070];
	s12 =	sadd.s32 $0x100, s12  }
0x22b: {  	v9 =	vunpack.i.l.bf16.f32 v59;
	v4 =	vmul.f32 v4, v4;
	v56 =	vmul.f32 v53, v53  }
0x22c: {  	v10 =	vmul.f32 v52, v52;
	v11 =	vunpack.i.u.bf16.f32 v59;
	v13 =	vmul.f32 v51, v51  }
0x22d: {  	v14 =	vmul.f32 v49, v49;
	v5 =	vsub.f32 v5, v9;
	v6 =	vsub.f32 v6, v63  }
0x22e: {  	v15 =	vmul.f32 v50, v50;
	v8 =	vadd.f32 v8, v60;
	v1 =	vsub.f32 v7, v1  }
0x22f: {  	v2 =	vadd.f32 v4, v2;
	v60 =	vadd.f32 v56, v57;
	v3 =	vmul.f32 v3, v58  }
0x230: {  	v12 =	vadd.f32 v10, v61;
	v63 =	vmul.f32 v5, v5;
	v1 =	vsub.f32 v1, v11  }
0x231: {  	v5 =	vmul.f32 v6, v5;
	v4 =	vadd.f32 v13, v60;
	v3 =	vsub.f32 v3, v62  }
0x232: {  	v6 =	vmul.f32 v6, v6;
	v7 =	vadd.f32 v63, v55;
	v11 =	vmul.f32 v1, v1  }
0x233: {  	v5 =	vadd.f32 v5, v8;
	v4 =	vadd.f32 v15, v4;
	v1 =	vmul.f32 v3, v1  }
0x234: {  	v2 =	vadd.f32 v6, v2;
	v3 =	vmul.f32 v3, v3;
	v7 =	vadd.f32 v11, v7  }
0x235: {  	v17 =	vmul.f32 v48, v48;
	v16 =	vadd.f32 v14, v12;
	[tilespmem:s26+$0xFFFFF800] =	vst v4;
	v1 =	vadd.f32 v1, v5  }
0x236: {  	v2 =	vadd.f32 v3, v2;
	[tilespmem:s26+$0xFFFFF780] =	vst v7  }
0x237: {  	[tilespmem:s26+$0xFFFFFF80] =	vst v1;
	v1 =	vadd.f32 v17, v16  }
0x238: {  	[tilespmem:s26+$0x780] =	vst v2  }
0x239: {  	[tilespmem:s26+$0x800] =	vst v1  }
0x23a: {  	v1 =	vld.idx.msk [tilespmem:v0+s3+$0x0], $0xffff  }
0x23b: {  	v18 =	vld [tilespmem:$0x1FF40]  }
0x23c: {  	v19 =	vld [tilespmem:$0x1FF50]  }
0x23d: {  	v54 =	vld [tilespmem:$0x1FF60]  }
0x23e: {  	v48 =	vld [tilespmem:$0x1FF70]  }
0x23f: {  	v56 =	vld [tilespmem:$0x1FF80]  }
0x240: {  	v50 =	vld [tilespmem:$0x1FF90]  }
0x241: {  	v51 =	vld [tilespmem:$0x1FFA0]  }
0x242: {  	v53 =	vld [tilespmem:$0x1FFB0]  }
0x243: {  	v55 =	vld [tilespmem:$0x1FFC0]  }
0x244: {  	v58 =	vld [tilespmem:$0x1FFE0]  }
0x245: {  	v59 =	vld [tilespmem:$0x1FFF0]  }
0x246: {  	v14 =	vld [tilespmem:$0x1FF30]  }
0x247: {  	v15 =	vld [tilespmem:$0x1FF20]  }
0x248: {  	v16 =	vld [tilespmem:$0x1FF10]  }
0x249: {  	v17 =	vld [tilespmem:$0x1FF00]  }
0x24a: {  	v20 =	vld [tilespmem:$0x1FED0]  }
0x24b: {  	v21 =	vld [tilespmem:$0x1FEC0]  }
0x24c: {  	v62 =	vld [tilespmem:$0x1FEB0]  }
0x24d: {  	v63 =	vld.idx.msk [tilespmem:v22+s3+$0x0], $0xffff  }
0x24e: {  	v60 =	vld.idx.msk [tilespmem:v31+s3+$0x0], $0xffff  }
0x24f: {  	v61 =	vld.idx.msk [tilespmem:v32+s3+$0x0], $0xffff  }
0x250: {  	v2 =	vld.idx.msk [tilespmem:v18+s3+$0x0], $0xffff  }
0x251: {  	v3 =	vld.idx.msk [tilespmem:v19+s3+$0x0], $0xffff  }
0x252: {  	v4 =	vld.idx.msk [tilespmem:v54+s3+$0x0], $0xffff  }
0x253: {  	v49 =	vld.idx.msk [tilespmem:v48+s3+$0x0], $0xffff  }
0x254: {  	v6 =	vld.idx.msk [tilespmem:v56+s3+$0x0], $0xffff  }
0x255: {  	v7 =	vld.idx.msk [tilespmem:v50+s3+$0x0], $0xffff  }
0x256: {  	v52 =	vld.idx.msk [tilespmem:v51+s3+$0x0], $0xffff  }
0x257: {  	v54 =	vld.idx.msk [tilespmem:v53+s3+$0x0], $0xffff  }
0x258: {  	v10 =	vld.idx.msk [tilespmem:v55+s3+$0x0], $0xffff  }
0x259: {  	v56 =	vld [tilespmem:$0x1FFD0]  }
0x25a: {  	v12 =	vld.idx.msk [tilespmem:v58+s3+$0x0], $0xffff  }
0x25b: {  	v13 =	vld.idx.msk [tilespmem:v59+s3+$0x0], $0xffff  }
0x25c: {  	v14 =	vld.idx.msk [tilespmem:v14+s3+$0x0], $0xffff  }
0x25d: {  	v15 =	vld.idx.msk [tilespmem:v15+s3+$0x0], $0xffff  }
0x25e: {  	v16 =	vld.idx.msk [tilespmem:v16+s3+$0x0], $0xffff  }
0x25f: {  	v17 =	vld.idx.msk [tilespmem:v17+s3+$0x0], $0xffff  }
0x260: {  	v18 =	vld [tilespmem:$0x1FEF0]  }
0x261: {  	v19 =	vld [tilespmem:$0x1FEE0]  }
0x262: {  	v20 =	vld.idx.msk [tilespmem:v20+s3+$0x0], $0xffff;
	v2 =	vadd.f32 $0.0e+00, v2  }
0x263: {  	v57 =	vld.idx.msk [tilespmem:v56+s3+$0x0], $0xffff  }
0x264: {  	v21 =	vld.idx.msk [tilespmem:v21+s3+$0x0], $0xffff;
	v3 =	vadd.f32 $0.0e+00, v3;
	v2 =	vadd.f32 v49, v2  }
0x265: {  	v1 =	vadd.f32 $0.0e+00, v1;
	v5 =	vld.idx.msk [tilespmem:v62+s3+$0x0], $0xffff  }
0x266: {  	v53 =	vld.idx.msk [tilespmem:v24+s3+$0x0], $0xffff;
	v3 =	vadd.f32 v6, v3;
	v2 =	vadd.f32 v52, v2  }
0x267: {  	v55 =	vld.idx.msk [tilespmem:v26+s3+$0x0], $0xffff;
	v1 =	vadd.f32 v4, v1  }
0x268: {  	v58 =	vld.idx.msk [tilespmem:v29+s3+$0x0], $0xffff;
	v3 =	vadd.f32 v54, v3;
	v2 =	vadd.f32 v57, v2  }
0x269: {  	v1 =	vadd.f32 v7, v1;
	v18 =	vld.idx.msk [tilespmem:v18+s3+$0x0], $0xffff  }
0x26a: {  	v59 =	vld.idx.msk [tilespmem:v30+s3+$0x0], $0xffff;
	v3 =	vadd.f32 v12, v3;
	v2 =	vadd.f32 v14, v2  }
0x26b: {  	v19 =	vld.idx.msk [tilespmem:v19+s3+$0x0], $0xffff;
	v1 =	vadd.f32 v10, v1  }
0x26c: {  	v52 =	vld.idx.msk [tilespmem:v23+s3+$0x0], $0xffff;
	v3 =	vadd.f32 v15, v3;
	v2 =	vadd.f32 v17, v2  }
0x26d: {  	v54 =	vld.idx.msk [tilespmem:v25+s3+$0x0], $0xffff;
	v1 =	vadd.f32 v13, v1  }
0x26e: {  	v62 =	vld.idx.msk [tilespmem:v33+s3+$0x0], $0xffff;
	v3 =	vadd.f32 v18, v3;
	v2 =	vadd.f32 v20, v2  }
0x26f: {  	v57 =	vld.idx.msk [tilespmem:v28+s3+$0x0], $0xffff;
	v1 =	vadd.f32 v16, v1  }
0x270: {  	v48 =	vld.idx.msk [tilespmem:v35+s3+$0x0], $0xffff;
	v3 =	vadd.f32 v21, v3;
	v2 =	vadd.f32 v63, v2  }
0x271: {  	v50 =	vld.idx.msk [tilespmem:v37+s3+$0x0], $0xffff;
	v1 =	vadd.f32 v19, v1  }
0x272: {  	v56 =	vld.idx.msk [tilespmem:v27+s3+$0x0], $0xffff;
	v3 =	vadd.f32 v52, v3;
	v2 =	vadd.f32 v54, v2  }
0x273: {  	v1 =	vadd.f32 v5, v1;
	v63 =	vld.idx.msk [tilespmem:v34+s3+$0x0], $0xffff  }
0x274: {  	v51 =	vld.idx.msk [tilespmem:v38+s3+$0x0], $0xffff;
	v3 =	vadd.f32 v55, v3;
	v2 =	vadd.f32 v57, v2  }
0x275: {  	v49 =	vld.idx.msk [tilespmem:v36+s3+$0x0], $0xffff;
	v1 =	vadd.f32 v53, v1  }
0x276: {  	v52 =	vld.idx.msk [tilespmem:v39+s3+$0x0], $0xffff;
	v3 =	vadd.f32 v58, v3;
	v2 =	vadd.f32 v60, v2  }
0x277: {  	v53 =	vld.idx.msk [tilespmem:v40+s3+$0x0], $0xffff;
	v1 =	vadd.f32 v56, v1  }
0x278: {  	v55 =	vld.idx.msk [tilespmem:v42+s3+$0x0], $0xffff;
	v3 =	vadd.f32 v61, v3;
	v2 =	vadd.f32 v63, v2  }
0x279: {  	v54 =	vld.idx.msk [tilespmem:v41+s3+$0x0], $0xffff;
	v1 =	vadd.f32 v59, v1  }
0x27a: {  	v56 =	vld.idx.msk [tilespmem:v43+s3+$0x0], $0xffff;
	v3 =	vadd.f32 v48, v3;
	v2 =	vadd.f32 v50, v2  }
0x27b: {  	v1 =	vadd.f32 v62, v1;
	v57 =	vld.idx.msk [tilespmem:v44+s3+$0x0], $0xffff  }
0x27c: {  	v58 =	vld.idx.msk [tilespmem:v45+s3+$0x0], $0xffff;
	v3 =	vadd.f32 v51, v3;
	v2 =	vadd.f32 v53, v2  }
0x27d: {  	s9 =	sor.u32 s23, s24;
	v59 =	vld.idx.msk [tilespmem:v46+s3+$0x0], $0xffff;
	v1 =	vadd.f32 v49, v1  }
0x27e: {  	v61 =	vld [tilespmem:s9+$0x1380];
	v3 =	vadd.f32 v54, v3;
	v2 =	vadd.f32 v55, v2  }
0x27f: {  	v60 =	vld.idx.msk [tilespmem:v47+s3+$0x0], $0xffff;
	v1 =	vadd.f32 v52, v1  }
0x280: {  	v3 =	vadd.f32 v56, v3;
	v2 =	vadd.f32 v57, v2  }
0x281: {  	v1 =	vadd.f32 v58, v1  }
0x282: {  	v62 =	vld [tilespmem:s24+$0xD980];
	v3 =	vadd.f32 v59, v3;
	v2 =	vadd.f32 v2, v2  }
0x283: {  	v63 =	vld [tilespmem:s24+$0xDA00]  }
0x284: {  	v1 =	vadd.f32 v60, v1;
	v3 =	vmul.f32 v61, v3;
	v2 =	vmul.f32 v61, v2;
	_ =	sdelay $0x1  }
0x285: {  	v1 =	vadd.f32 v2, v1;
	v2 =	vmul.f32 v3, v61;
	_ =	sdelay $0x1  }
.Ltmp7:
0x286: {  	v1 =	vadd.f32 v2, v1;
	v2 =	vadd.f32 v63, v62;
	(pc) =	sbr.rel @p1 .LBB2_8-.Ltmp7, $3  }
0x287: {  	_ = 	snop  }
0x288: {  	v1 =	vsub.f32 v2, v1;
	_ =	sdelay $0x1  }
0x289: {  	p2 =	por $0x0, $0x0;
	s24 =	simm.s32 $0x10;
	[tilespmem:s9+$0x1A00] =	vst v1  }
.Ltmp8:
0x28a: {  	(pc) =	sbr.rel @p0 .LBB2_13-.Ltmp8, $1  }
0x28b: {  	_ =	sdelay $0x3  }
0x28c: {  	s9 =	sadd.s32 $0x60, s22  }
0x28d: {  	[tilespmem:s28], [sflag:$0x2] =	stream.indirect.gather [hbm4b:s8+s19], $0x80, s9, s19, $0xb8;
	[tilespmem:$0xDA80] =	vst v63  }
0x28e: {  	_ = 	snop  }
0x28f: {  	[tilespmem:s29], [sflag:$0x2] =	stream.indirect.gather [hbm4b:s10+s19], $0x80, s9, s19, $0xb8;
	[tilespmem:$0xDA80] =	vst v63  }
0x290: {  	s12 =	sadd.s32 $0x6E0, s22  }
0x291: {  	[tilespmem:s31], [sflag:$0x2] =	stream.indirect.gather [hbm4b:s8+s19], $0x80, s12, s19, $0xb8;
	[tilespmem:$0xDA80] =	vst v63  }
0x292: {  	_ = 	snop  }
0x293: {  	[tilespmem:s5], [sflag:$0x2] =	stream.indirect.gather [hbm4b:s10+s19], $0x80, s12, s19, $0xb8;
	[tilespmem:$0xDA80] =	vst v63  }
0x294: {  	s26 =	sadd.s32 $0xD60, s22  }
0x295: {  	[tilespmem:s14], [sflag:$0x2] =	stream.indirect.gather [hbm4b:s4+s19], $0x80, s26, s19, $0xb8;
	[tilespmem:$0xDA80] =	vst v63  }
.Ltmp9:
0x296: {  	_ = 	snop;
	(pc) =	sbr.rel .LBB2_3-.Ltmp9, $4  }
0x297: {  	_ = 	snop  }
0x298: {  	[tilespmem:s0], [sflag:$0x2] =	stream.indirect.gather [hbm4b:s6+s19], $0x1, s9, s19, $0xb8;
	[tilespmem:$0xDA80] =	vst v63  }
0x299: {  	s21 =	sadd.s32 $0x1, s21  }
0x29a: {  	[tilespmem:s1], [sflag:$0x2] =	stream.indirect.gather [hbm4b:s7+s19], $0x1, s12, s19, $0xb8;
	[tilespmem:$0xDA80] =	vst v63  }
.LBB2_15:
0x29b: {  	_ =	sfence.sel $0x180000  }
0x29c: {  	[bflag:$0x0] =	sbarrier.arrive $0xFFFF  }
0x29d: {  	_ =	strace $0x90000047  }
0x29e: {  	s0 =	stileid.u32;
	[bflag:$0x2] =	sbarrier.arrive $0xFFFF  }
0x29f: {  	p0 =	sne.s32 s0, $0x0;
	s0 =	rddreg [dreg:$0xa]  }
0x2a0: {  	s0 =	sadd.s32 @!p0 $0x100000, s0  }
0x2a1: {  	[sflag:s0] =	ssyncadd.tile.s32 @!p0 $0x1;
	_ =	shalt  }
.Lfunc_end2:
_tile_overlayer_lowered:
.L_overlay_start_2:
0x2a2: {  	(tag) =	ssettag $0x2  }
0x2a3: {  	s0 =	rddreg [dreg:$0x0];
	s2 =	stileid.u32  }
0x2a4: {  	s1 =	rddreg [dreg:$0x1];
	p0 =	sne.s32 s2, $0x0  }
0x2a5: {  	s3 =	rddreg [dreg:$0x2];
	[bflag:$0x3] =	sbarrier.arrive $0xFFFF;
	s2 =	simm.s32 @!p0 $0x1C03  }
0x2a6: {  	[timem:s3], [sflag:s2] =	dma.local @!p0 [hbm:s0], s1  }
0x2a7: {  	s0 =	simm.s32 @!p0 $0x3  }
0x2a8: {  	_ =	swait.ge @!p0 [sflag:s0], s1  }
0x2a9: {  	s1 =	ssub.s32 @!p0 $0x0, s1;
	[sflag:s0] =	ssyncset.done @!p0 $0x0  }
0x2aa: {  	[sflag:s0] =	ssyncadd.s32 @!p0 s1  }
0x2ab: {  	[bflag:$0x3] =	sbarrier.arrive $0xFFFF  }
0x2ac: {  	_ =	shalt  }

</sc_bundles>
